<compile_context>
chip_gen: v7x
topology: tpu7x:2x2x1
jax: 0.10.2.dev20260603
libtpu: 0.0.44.dev20260713+nightly
codegen_flags: <defaults>
</compile_context>

<pallas_src>
import functools
import math

import jax
import jax.numpy as jnp
from jax import lax
from jax.experimental import pallas as pl
from jax.experimental.pallas import tpu as pltpu
from jax.experimental.pallas import tpu_sc as plsc

_NC = 2
_NS = 16
_NW = _NC * _NS


@functools.lru_cache(maxsize=None)
def _make_repack(V, D, rblk):
    mesh = plsc.VectorSubcoreMesh(core_axis_name="c", subcore_axis_name="s")
    nblk = V // rblk
    rem = V - nblk * rblk
    rem_a = (rem // 128) * 128
    rem_b = rem - rem_a
    per_w = -(-nblk // _NW)

    @functools.partial(
        pl.kernel,
        out_type=jax.ShapeDtypeStruct((V * D,), jnp.float32),
        mesh=mesh,
        scratch_types=[
            [pltpu.VMEM((D, rblk), jnp.float32) for _ in range(2)],
            [pltpu.VMEM((rblk * D,), jnp.float32) for _ in range(2)],
            pltpu.VMEM((D, rem_b), jnp.float32) if rem_b else None,
            [pltpu.SemaphoreType.DMA for _ in range(2)],
            [pltpu.SemaphoreType.DMA for _ in range(2)],
        ],
        compiler_params=pltpu.CompilerParams(use_tc_tiling_on_sc=True,
                                             needs_layout_passes=False),
    )
    def repack_fn(tt_hbm, tail_hbm, out_hbm, bufs, obufs, tbuf,
                  rsems, wsems):
        wid = lax.axis_index("s") * _NC + lax.axis_index("c")
        iota16 = lax.iota(jnp.int32, 16)
        cvecs = [iota16 + c0 * 16 for c0 in range(D // 16)]

        def blk_r0(k):
            b = jnp.minimum(k * _NW + wid, nblk - 1)
            return pl.multiple_of(b * rblk, 128)

        def issue_read(k, h):
            pltpu.async_copy(tt_hbm.at[:, pl.ds(blk_r0(k), rblk)],
                             bufs[h], rsems[h])

        iota64 = iota16 * D

        def transpose_block(buf, obuf, ncols):
            def rotloop(rot, _):
                diag = (iota16 + rot) & 15
                diag64 = iota64 + diag

                def rloop(rr, __):
                    rvec = iota16 + rr * 16
                    for cg in range(D // 16):
                        cvec = diag + cg * 16
                        v = plsc.load_gather(buf, [cvec, rvec])
                        fidx = diag64 + (rr * (16 * D) + cg * 16)
                        plsc.store_scatter(obuf, [fidx], v)
                    return __

                lax.fori_loop(0, ncols // 16, rloop, 0, unroll=2)
                return _

            lax.fori_loop(0, 16, rotloop, 0)

        nk2 = -(-per_w // 2)

        issue_read(jnp.int32(0), 0)
        issue_read(jnp.int32(1), 1)

        def kloop(k, c):
            for h in range(2):
                kk = 2 * k + h
                pltpu.make_async_copy(tt_hbm.at[:, pl.ds(0, rblk)],
                                      bufs[h], rsems[h]).wait()

                @pl.when(kk >= 2)
                def _():
                    pltpu.make_async_copy(
                        obufs[h], out_hbm.at[pl.ds(0, rblk * D)],
                        wsems[h]).wait()

                transpose_block(bufs[h], obufs[h], rblk)
                f0 = pl.multiple_of(blk_r0(kk) * D, 8)
                pltpu.async_copy(obufs[h],
                                 out_hbm.at[pl.ds(f0, rblk * D)],
                                 wsems[h])

                @pl.when(kk + 2 < 2 * nk2)
                def _():
                    issue_read(kk + 2, h)

            return c

        lax.fori_loop(0, nk2, kloop, 0)
        for h in range(2):
            pltpu.make_async_copy(obufs[h],
                                  out_hbm.at[pl.ds(0, rblk * D)],
                                  wsems[h]).wait()
        if rem_b:
            @pl.when(wid == 1)
            def _():
                pltpu.sync_copy(tail_hbm, tbuf)
                transpose_block(tbuf, obufs[0], rem_b)
                pltpu.sync_copy(obufs[0].at[pl.ds(0, rem_b * D)],
                                out_hbm.at[pl.ds((V - rem_b) * D,
                                                 rem_b * D)])

    return repack_fn


@functools.lru_cache(maxsize=None)
def _make_sc_gather(V, n, L, D, scale):
    bpw = n // _NW
    assert bpw == 128 and D == 64
    mesh = plsc.VectorSubcoreMesh(core_axis_name="c", subcore_axis_name="s")
    RING = 4
    NOUT = 2
    DT = D // 8

    @functools.partial(
        pl.kernel,
        out_type=jax.ShapeDtypeStruct((L, DT, _NW, 8, bpw), jnp.float32),
        mesh=mesh,
        scratch_types=[
            pltpu.VMEM((L * D,), jnp.float32),
            pltpu.VMEM((L, bpw), jnp.int32),
            [pltpu.VMEM((bpw, D), jnp.float32) for _ in range(RING)],
            [pltpu.VMEM((DT, 8, bpw), jnp.float32) for _ in range(NOUT)],
            [pltpu.SemaphoreType.DMA for _ in range(RING)],
            [pltpu.SemaphoreType.DMA for _ in range(NOUT)],
        ],
        compiler_params=pltpu.CompilerParams(use_tc_tiling_on_sc=False, needs_layout_passes=False),
    )
    def sc_fn(table_hbm, xt_hbm, pe_hbm, out_hbm, pe_v, idx_v, rings, outs,
              gsems, ssems):
        wid = lax.axis_index("s") * _NC + lax.axis_index("c")
        pltpu.sync_copy(pe_hbm, pe_v)
        pltpu.sync_copy(xt_hbm.at[:, pl.ds(wid * bpw, bpw)], idx_v)

        def issue_gather(l, s):
            pltpu.async_copy(table_hbm.at[idx_v.at[l]], rings[s], gsems[s])

        def wait_gather(s):
            pltpu.make_async_copy(table_hbm.at[idx_v.at[0]], rings[s],
                                  gsems[s]).wait()

        def issue_store(l, o):
            pltpu.async_copy(outs[o], out_hbm.at[l, :, wid], ssems[o])

        def wait_store(o):
            pltpu.make_async_copy(outs[o], out_hbm.at[0, :, wid],
                                  ssems[o]).wait()

        for s in range(RING):
            issue_gather(jnp.int32(s), s)

        iota16 = lax.iota(jnp.int32, 16)
        brows = [iota16 + (bg * 16) for bg in range(bpw // 16)]

        nsteps = L // RING

        def step(j, carry):
            for s in range(RING):
                o = s % NOUT
                l = j * RING + s
                wait_gather(s)

                @pl.when(l >= NOUT)
                def _():
                    wait_store(o)

                def rotloop(rot, c):
                    diag = (iota16 + rot) & 15
                    for dg in range(D // 16):
                        dvec = diag + (dg * 16)
                        dtv = lax.shift_right_logical(dvec, 3)
                        kv = dvec & 7
                        pev = plsc.load_gather(pe_v, [dvec + l * D])
                        for bg in range(bpw // 16):
                            vals = plsc.load_gather(rings[s],
                                                    [brows[bg], dvec])
                            plsc.store_scatter(outs[o], [dtv, kv, brows[bg]],
                                               vals * scale + pev)
                    return c

                lax.fori_loop(0, 16, rotloop, 0)
                issue_store(l, o)
                nl = l + RING

                @pl.when(nl < L)
                def _():
                    issue_gather(nl, s)

            return carry

        lax.fori_loop(0, nsteps, step, 0)
        for o in range(NOUT):
            wait_store(o)

    return sc_fn


def _positional_encoding(embedding_dim, max_len=10000):
    position = jnp.arange(0, max_len, dtype=jnp.float32)[:, None]
    half = embedding_dim // 2
    div_term = jnp.exp(
        jnp.arange(0, half, dtype=jnp.float32) * -(math.log(10000.0) / (half - 1)))
    return jnp.concatenate(
        [jnp.sin(position * div_term), jnp.cos(position * div_term)], axis=1)


def kernel(x, timestep, table):
    n, L = x.shape
    V, D = table.shape
    scale = float(D ** 0.5)
    pe = _positional_encoding(D)
    pe_slice = lax.dynamic_slice_in_dim(pe, timestep, L, axis=0)
    table_t = jnp.transpose(table)
    tail = lax.slice(table_t, (0, V - 64), (D, V))
    t128 = _make_repack(V, D, 384)(table_t, tail)
    table_lin = t128.reshape(V, D)
    x_t = jnp.transpose(x)
    out5 = _make_sc_gather(V, n, L, D, scale)(table_lin, x_t, pe_slice.reshape(-1))
    return out5.transpose(2, 4, 0, 1, 3).reshape(n, L, D)

# --- scband reference (transcript-rebuilt; emitter-appended) ---
"""Pipeline reference for scband-embedding-75342316306762 (READ-ONLY COPY).

The authoritative reference and input builder live on the scoring server;
editing this copy changes nothing except your own understanding.
"""

import math
import jax, jax.numpy as jnp
import numpy as np


def positional_encoding(embedding_dim, max_len=10000):
    position = jnp.arange(0, max_len, dtype=jnp.float32)[:, None]
    half = embedding_dim // 2
    div_term = jnp.exp(jnp.arange(0, half, dtype=jnp.float32) * -(math.log(10000.0) / (half - 1)))
    return jnp.concatenate([jnp.sin(position * div_term), jnp.cos(position * div_term)], axis=1)


def setup_inputs(seed: int = 0) -> dict:
    key = jax.random.key(seed)
    k1, k2 = jax.random.split(key)
    x = jax.random.randint(k1, (4096, 200), 0, 1000000, dtype=jnp.int32)
    # embedding table initialized ~ N(0, d**-0.5) per reset_parameters
    table = jax.random.normal(k2, (1000000, 64), dtype=jnp.float32) * (64 ** -0.5)
    return {"x": x, "timestep": 0, "table": table}


def reference(x, timestep, table):
    d = table.shape[1]
    L = x.shape[1]
    # gather -> embedding lookup (SparseCore-friendly)
    emb = jnp.take(table, x, axis=0) * (d ** 0.5)
    # bias=False -> +0.0; dropout p=0.0 -> identity
    pe = positional_encoding(d)
    return emb + jax.lax.dynamic_slice_in_dim(pe, timestep, L, axis=0)

if __name__ == "__main__":
    import jax
    _d = setup_inputs()
    print(jax.jit(kernel)(*tuple(_d.values())))

</pallas_src>

<mosaic_0001>
#map = affine_map<(d0, d1) -> (0, 0)>
#map1 = affine_map<(d0, d1) -> (0)>
#map2 = affine_map<(d0, d1) -> (0, 0, 0, 0, 0)>
module attributes {stable_mosaic.version = 14 : i64} {
  func.func @sc_fn(%arg0: i32, %arg1: i32, %arg2: memref<1000000x64xf32, #tpu.memory_space<hbm>>, %arg3: memref<200x4096xi32, #tpu.memory_space<hbm>>, %arg4: memref<12800xf32, #tpu.memory_space<hbm>>, %arg5: memref<200x8x32x8x128xf32, #tpu.memory_space<hbm>>, %arg6: memref<12800xf32, #tpu.memory_space<vmem>>, %arg7: memref<200x128xi32, #tpu.memory_space<vmem>>, %arg8: memref<128x64xf32, #tpu.memory_space<vmem>>, %arg9: memref<128x64xf32, #tpu.memory_space<vmem>>, %arg10: memref<128x64xf32, #tpu.memory_space<vmem>>, %arg11: memref<128x64xf32, #tpu.memory_space<vmem>>, %arg12: memref<8x8x128xf32, #tpu.memory_space<vmem>>, %arg13: memref<8x8x128xf32, #tpu.memory_space<vmem>>, %arg14: memref<!tpu.dma_semaphore, #tpu.memory_space<semaphore_mem>>, %arg15: memref<!tpu.dma_semaphore, #tpu.memory_space<semaphore_mem>>, %arg16: memref<!tpu.dma_semaphore, #tpu.memory_space<semaphore_mem>>, %arg17: memref<!tpu.dma_semaphore, #tpu.memory_space<semaphore_mem>>, %arg18: memref<!tpu.dma_semaphore, #tpu.memory_space<semaphore_mem>>, %arg19: memref<!tpu.dma_semaphore, #tpu.memory_space<semaphore_mem>>) attributes {dimension_semantics = [#tpu.dimension_semantics<core_parallel>, #tpu.dimension_semantics<subcore_parallel>], iteration_bounds = array<i64: 2, 16>, scalar_prefetch = 0 : i64, scratch_operands = 14 : i64, tpu.core_type = #tpu.core_type<sc_vector_subcore>, window_params = [{transform_indices = #map}, {transform_indices = #map}, {transform_indices = #map1}, {transform_indices = #map2}]} {
    %mul3A = arith.constant 2 : i32
    %mul3A_0 = arith.muli %arg1, %mul3A : i32
    %add3A = arith.addi %mul3A_0, %arg0 : i32
    "tpu.region"() ({
      %run_scoped3A = tpu.sem_alloc : memref<!tpu.dma_semaphore, #tpu.memory_space<semaphore_mem>>
      tpu.enqueue_dma source(%arg4 : memref<12800xf32, #tpu.memory_space<hbm>>) target(%arg6 : memref<12800xf32, #tpu.memory_space<vmem>>) target_semaphore(%run_scoped3A : memref<!tpu.dma_semaphore, #tpu.memory_space<semaphore_mem>>)
      tpu.wait_dma2 semaphore(%run_scoped3A : memref<!tpu.dma_semaphore, #tpu.memory_space<semaphore_mem>>) src(%arg4 : memref<12800xf32, #tpu.memory_space<hbm>>) dst(%arg6 : memref<12800xf32, #tpu.memory_space<vmem>>)
      tpu.yield
    }) : () -> ()
    %mul3A_1 = arith.constant 128 : i32
    %mul3A_2 = arith.muli %add3A, %mul3A_1 : i32
    "tpu.region"() ({
      %run_scoped3A = tpu.sem_alloc : memref<!tpu.dma_semaphore, #tpu.memory_space<semaphore_mem>>
      %dma_start3A_80 = arith.constant 0 : i32
      %dma_start3A_81 = tpu.memref_slice %arg3[%dma_start3A_80, %mul3A_2] : memref<200x4096xi32, #tpu.memory_space<hbm>> -> memref<200x128xi32, #tpu.memory_space<hbm>>
      %dma_start3A_82 = arith.constant 0 : i32
      %dma_start3A_83 = tpu.memref_slice %arg3[%dma_start3A_82, %mul3A_2] : memref<200x4096xi32, #tpu.memory_space<hbm>> -> memref<200x128xi32, #tpu.memory_space<hbm>>
      tpu.enqueue_dma source(%dma_start3A_83 : memref<200x128xi32, #tpu.memory_space<hbm>>) target(%arg7 : memref<200x128xi32, #tpu.memory_space<vmem>>) target_semaphore(%run_scoped3A : memref<!tpu.dma_semaphore, #tpu.memory_space<semaphore_mem>>)
      %dma_wait3A_84 = arith.constant 0 : i32
      %dma_wait3A_85 = tpu.memref_slice %arg3[%dma_wait3A_84, %mul3A_2] : memref<200x4096xi32, #tpu.memory_space<hbm>> -> memref<200x128xi32, #tpu.memory_space<hbm>>
      %dma_wait3A_86 = arith.constant 0 : i32
      %dma_wait3A_87 = tpu.memref_slice %arg3[%dma_wait3A_86, %mul3A_2] : memref<200x4096xi32, #tpu.memory_space<hbm>> -> memref<200x128xi32, #tpu.memory_space<hbm>>
      tpu.wait_dma2 semaphore(%run_scoped3A : memref<!tpu.dma_semaphore, #tpu.memory_space<semaphore_mem>>) src(%dma_wait3A_87 : memref<200x128xi32, #tpu.memory_space<hbm>>) dst(%arg7 : memref<200x128xi32, #tpu.memory_space<vmem>>)
      tpu.yield
    }) : () -> ()
    %dma_start3A = arith.constant 0 : i32
    %dma_start3A_3 = arith.constant 0 : i32
    %dma_start3A_4 = tpu.memref_slice %arg7[%dma_start3A, %dma_start3A_3] : memref<200x128xi32, #tpu.memory_space<vmem>> -> memref<1x128xi32, #tpu.memory_space<vmem>>
    %dma_start3A_5 = tpu.memref_squeeze %dma_start3A_4 : memref<1x128xi32, #tpu.memory_space<vmem>> -> memref<128xi32, #tpu.memory_space<vmem>>
    %dma_start3A_6 = arith.constant 0 : i32
    %dma_start3A_7 = arith.constant 0 : i32
    %dma_start3A_8 = tpu.memref_slice %arg2[%dma_start3A_6, %dma_start3A_7] : memref<1000000x64xf32, #tpu.memory_space<hbm>> -> memref<1000000x64xf32, #tpu.memory_space<hbm>>
    tpu.enqueue_indirect_dma source(%dma_start3A_8 : memref<1000000x64xf32, #tpu.memory_space<hbm>>) target(%arg8 : memref<128x64xf32, #tpu.memory_space<vmem>>) offsets(%dma_start3A_5 : memref<128xi32, #tpu.memory_space<vmem>>) semaphore(%arg14 : memref<!tpu.dma_semaphore, #tpu.memory_space<semaphore_mem>>)
    %dma_start3A_9 = arith.constant 1 : i32
    %dma_start3A_10 = arith.constant 0 : i32
    %dma_start3A_11 = tpu.memref_slice %arg7[%dma_start3A_9, %dma_start3A_10] : memref<200x128xi32, #tpu.memory_space<vmem>> -> memref<1x128xi32, #tpu.memory_space<vmem>>
    %dma_start3A_12 = tpu.memref_squeeze %dma_start3A_11 : memref<1x128xi32, #tpu.memory_space<vmem>> -> memref<128xi32, #tpu.memory_space<vmem>>
    %dma_start3A_13 = arith.constant 0 : i32
    %dma_start3A_14 = arith.constant 0 : i32
    %dma_start3A_15 = tpu.memref_slice %arg2[%dma_start3A_13, %dma_start3A_14] : memref<1000000x64xf32, #tpu.memory_space<hbm>> -> memref<1000000x64xf32, #tpu.memory_space<hbm>>
    tpu.enqueue_indirect_dma source(%dma_start3A_15 : memref<1000000x64xf32, #tpu.memory_space<hbm>>) target(%arg9 : memref<128x64xf32, #tpu.memory_space<vmem>>) offsets(%dma_start3A_12 : memref<128xi32, #tpu.memory_space<vmem>>) semaphore(%arg15 : memref<!tpu.dma_semaphore, #tpu.memory_space<semaphore_mem>>)
    %dma_start3A_16 = arith.constant 2 : i32
    %dma_start3A_17 = arith.constant 0 : i32
    %dma_start3A_18 = tpu.memref_slice %arg7[%dma_start3A_16, %dma_start3A_17] : memref<200x128xi32, #tpu.memory_space<vmem>> -> memref<1x128xi32, #tpu.memory_space<vmem>>
    %dma_start3A_19 = tpu.memref_squeeze %dma_start3A_18 : memref<1x128xi32, #tpu.memory_space<vmem>> -> memref<128xi32, #tpu.memory_space<vmem>>
    %dma_start3A_20 = arith.constant 0 : i32
    %dma_start3A_21 = arith.constant 0 : i32
    %dma_start3A_22 = tpu.memref_slice %arg2[%dma_start3A_20, %dma_start3A_21] : memref<1000000x64xf32, #tpu.memory_space<hbm>> -> memref<1000000x64xf32, #tpu.memory_space<hbm>>
    tpu.enqueue_indirect_dma source(%dma_start3A_22 : memref<1000000x64xf32, #tpu.memory_space<hbm>>) target(%arg10 : memref<128x64xf32, #tpu.memory_space<vmem>>) offsets(%dma_start3A_19 : memref<128xi32, #tpu.memory_space<vmem>>) semaphore(%arg16 : memref<!tpu.dma_semaphore, #tpu.memory_space<semaphore_mem>>)
    %dma_start3A_23 = arith.constant 3 : i32
    %dma_start3A_24 = arith.constant 0 : i32
    %dma_start3A_25 = tpu.memref_slice %arg7[%dma_start3A_23, %dma_start3A_24] : memref<200x128xi32, #tpu.memory_space<vmem>> -> memref<1x128xi32, #tpu.memory_space<vmem>>
    %dma_start3A_26 = tpu.memref_squeeze %dma_start3A_25 : memref<1x128xi32, #tpu.memory_space<vmem>> -> memref<128xi32, #tpu.memory_space<vmem>>
    %dma_start3A_27 = arith.constant 0 : i32
    %dma_start3A_28 = arith.constant 0 : i32
    %dma_start3A_29 = tpu.memref_slice %arg2[%dma_start3A_27, %dma_start3A_28] : memref<1000000x64xf32, #tpu.memory_space<hbm>> -> memref<1000000x64xf32, #tpu.memory_space<hbm>>
    tpu.enqueue_indirect_dma source(%dma_start3A_29 : memref<1000000x64xf32, #tpu.memory_space<hbm>>) target(%arg11 : memref<128x64xf32, #tpu.memory_space<vmem>>) offsets(%dma_start3A_26 : memref<128xi32, #tpu.memory_space<vmem>>) semaphore(%arg17 : memref<!tpu.dma_semaphore, #tpu.memory_space<semaphore_mem>>)
    %iota3A = tpu.iota {dimensions = array<i32: 0>} : vector<16xi32>
    %add3A_30 = arith.constant 0 : i32
    %add3A_31 = vector.broadcast %add3A_30 : i32 to vector<16xi32>
    %add3A_32 = arith.addi %iota3A, %add3A_31 : vector<16xi32>
    %add3A_33 = arith.constant 16 : i32
    %add3A_34 = vector.broadcast %add3A_33 : i32 to vector<16xi32>
    %add3A_35 = arith.addi %iota3A, %add3A_34 : vector<16xi32>
    %add3A_36 = arith.constant 32 : i32
    %add3A_37 = vector.broadcast %add3A_36 : i32 to vector<16xi32>
    %add3A_38 = arith.addi %iota3A, %add3A_37 : vector<16xi32>
    %add3A_39 = arith.constant 48 : i32
    %add3A_40 = vector.broadcast %add3A_39 : i32 to vector<16xi32>
    %add3A_41 = arith.addi %iota3A, %add3A_40 : vector<16xi32>
    %add3A_42 = arith.constant 64 : i32
    %add3A_43 = vector.broadcast %add3A_42 : i32 to vector<16xi32>
    %add3A_44 = arith.addi %iota3A, %add3A_43 : vector<16xi32>
    %add3A_45 = arith.constant 80 : i32
    %add3A_46 = vector.broadcast %add3A_45 : i32 to vector<16xi32>
    %add3A_47 = arith.addi %iota3A, %add3A_46 : vector<16xi32>
    %add3A_48 = arith.constant 96 : i32
    %add3A_49 = vector.broadcast %add3A_48 : i32 to vector<16xi32>
    %add3A_50 = arith.addi %iota3A, %add3A_49 : vector<16xi32>
    %add3A_51 = arith.constant 112 : i32
    %add3A_52 = vector.broadcast %add3A_51 : i32 to vector<16xi32>
    %add3A_53 = arith.addi %iota3A, %add3A_52 : vector<16xi32>
    %scan3A = arith.constant 0 : i32
    %scan3A_54 = arith.constant 0 : i32
    %scan3A_55 = arith.constant 50 : i32
    %scan3A_56 = arith.addi %scan3A_54, %scan3A_55 : i32
    %scan3A_57 = arith.constant 1 : i32
    scf.for %scan3A_80 = %scan3A_54 to %scan3A_56 step %scan3A_57  : i32 {
      %mul3A_81 = arith.constant 4 : i32
      %mul3A_82 = arith.muli %scan3A_80, %mul3A_81 : i32
      %add3A_83 = arith.constant 0 : i32
      %add3A_84 = arith.addi %mul3A_82, %add3A_83 : i32
      %dma_wait3A_85 = arith.constant 0 : i32
      %dma_wait3A_86 = arith.constant 0 : i32
      %dma_wait3A_87 = tpu.memref_slice %arg7[%dma_wait3A_85, %dma_wait3A_86] : memref<200x128xi32, #tpu.memory_space<vmem>> -> memref<1x128xi32, #tpu.memory_space<vmem>>
      %dma_wait3A_88 = tpu.memref_squeeze %dma_wait3A_87 : memref<1x128xi32, #tpu.memory_space<vmem>> -> memref<128xi32, #tpu.memory_space<vmem>>
      %dma_wait3A_89 = arith.constant 0 : i32
      %dma_wait3A_90 = arith.constant 0 : i32
      %dma_wait3A_91 = tpu.memref_slice %arg2[%dma_wait3A_89, %dma_wait3A_90] : memref<1000000x64xf32, #tpu.memory_space<hbm>> -> memref<1000000x64xf32, #tpu.memory_space<hbm>>
      tpu.wait_indirect_dma semaphore(%arg14 : memref<!tpu.dma_semaphore, #tpu.memory_space<semaphore_mem>>) src(%dma_wait3A_91 : memref<1000000x64xf32, #tpu.memory_space<hbm>>) dst(%arg8 : memref<128x64xf32, #tpu.memory_space<vmem>>)
      %ge3A = arith.constant 2 : i32
      %ge3A_92 = arith.cmpi sge, %add3A_84, %ge3A : i32
      %convert_element_type3A = arith.extui %ge3A_92 : i1 to i32
      %cond3A = arith.constant 0 : i32
      %cond3A_93 = arith.cmpi ne, %convert_element_type3A, %cond3A : i32
      scf.if %cond3A_93 {
        %dma_wait3A_233 = arith.constant 0 : i32
        %dma_wait3A_234 = arith.constant 0 : i32
        %dma_wait3A_235 = arith.constant 0 : i32
        %dma_wait3A_236 = arith.constant 0 : i32
        %dma_wait3A_237 = tpu.memref_slice %arg5[%dma_wait3A_233, %dma_wait3A_234, %add3A, %dma_wait3A_235, %dma_wait3A_236] : memref<200x8x32x8x128xf32, #tpu.memory_space<hbm>> -> memref<1x8x1x8x128xf32, #tpu.memory_space<hbm>>
        %dma_wait3A_238 = tpu.memref_squeeze %dma_wait3A_237 : memref<1x8x1x8x128xf32, #tpu.memory_space<hbm>> -> memref<8x8x128xf32, #tpu.memory_space<hbm>>
        %dma_wait3A_239 = arith.constant 0 : i32
        %dma_wait3A_240 = arith.constant 0 : i32
        %dma_wait3A_241 = arith.constant 0 : i32
        %dma_wait3A_242 = tpu.memref_slice %arg5[%dma_wait3A_233, %dma_wait3A_239, %add3A, %dma_wait3A_240, %dma_wait3A_241] : memref<200x8x32x8x128xf32, #tpu.memory_space<hbm>> -> memref<1x8x1x8x128xf32, #tpu.memory_space<hbm>>
        %dma_wait3A_243 = tpu.memref_squeeze %dma_wait3A_242 : memref<1x8x1x8x128xf32, #tpu.memory_space<hbm>> -> memref<8x8x128xf32, #tpu.memory_space<hbm>>
        tpu.wait_dma2 semaphore(%arg18 : memref<!tpu.dma_semaphore, #tpu.memory_space<semaphore_mem>>) src(%arg12 : memref<8x8x128xf32, #tpu.memory_space<vmem>>) dst(%dma_wait3A_243 : memref<8x8x128xf32, #tpu.memory_space<hbm>>)
      } else {
      }
      %scan3A_94 = arith.constant 0 : i32
      %scan3A_95 = arith.constant 0 : i32
      %scan3A_96 = arith.constant 16 : i32
      %scan3A_97 = arith.addi %scan3A_95, %scan3A_96 : i32
      %scan3A_98 = arith.constant 1 : i32
      scf.for %scan3A_233 = %scan3A_95 to %scan3A_97 step %scan3A_98  : i32 {
        %add3A_234 = vector.broadcast %scan3A_233 : i32 to vector<16xi32>
        %add3A_235 = arith.addi %iota3A, %add3A_234 : vector<16xi32>
        %and3A = arith.constant 15 : i32
        %and3A_236 = vector.broadcast %and3A : i32 to vector<16xi32>
        %and3A_237 = arith.andi %add3A_235, %and3A_236 : vector<16xi32>
        %add3A_238 = arith.constant 0 : i32
        %add3A_239 = vector.broadcast %add3A_238 : i32 to vector<16xi32>
        %add3A_240 = arith.addi %and3A_237, %add3A_239 : vector<16xi32>
        %shift_right_logical3A = arith.constant 3 : i32
        %shift_right_logical3A_241 = vector.broadcast %shift_right_logical3A : i32 to vector<16xi32>
        %shift_right_logical3A_242 = arith.shrui %add3A_240, %shift_right_logical3A_241 : vector<16xi32>
        %and3A_243 = arith.constant 7 : i32
        %and3A_244 = vector.broadcast %and3A_243 : i32 to vector<16xi32>
        %and3A_245 = arith.andi %add3A_240, %and3A_244 : vector<16xi32>
        %mul3A_246 = arith.constant 64 : i32
        %mul3A_247 = arith.muli %add3A_84, %mul3A_246 : i32
        %add3A_248 = vector.broadcast %mul3A_247 : i32 to vector<16xi32>
        %add3A_249 = arith.addi %add3A_240, %add3A_248 : vector<16xi32>
        %gather3A = tpu.vector_load_idx %arg6[%add3A_249] : memref<12800xf32, #tpu.memory_space<vmem>>[vector<16xi32>], vector<16xf32>,
        %gather3A_250 = tpu.vector_load_idx %arg8[%add3A_32, %add3A_240] : memref<128x64xf32, #tpu.memory_space<vmem>>[vector<16xi32>, vector<16xi32>], vector<16xf32>,
        %mul3A_251 = arith.constant 8.000000e+00 : f32
        %mul3A_252 = vector.broadcast %mul3A_251 : f32 to vector<16xf32>
        %mul3A_253 = arith.mulf %gather3A_250, %mul3A_252 : vector<16xf32>
        %add3A_254 = arith.addf %mul3A_253, %gather3A : vector<16xf32>
        tpu.vector_store_idx %arg12[%shift_right_logical3A_242, %and3A_245, %add3A_32], %add3A_254 : memref<8x8x128xf32, #tpu.memory_space<vmem>>[vector<16xi32>, vector<16xi32>, vector<16xi32>], vector<16xf32>,
        %gather3A_255 = tpu.vector_load_idx %arg8[%add3A_35, %add3A_240] : memref<128x64xf32, #tpu.memory_space<vmem>>[vector<16xi32>, vector<16xi32>], vector<16xf32>,
        %mul3A_256 = arith.constant 8.000000e+00 : f32
        %mul3A_257 = vector.broadcast %mul3A_256 : f32 to vector<16xf32>
        %mul3A_258 = arith.mulf %gather3A_255, %mul3A_257 : vector<16xf32>
        %add3A_259 = arith.addf %mul3A_258, %gather3A : vector<16xf32>
        tpu.vector_store_idx %arg12[%shift_right_logical3A_242, %and3A_245, %add3A_35], %add3A_259 : memref<8x8x128xf32, #tpu.memory_space<vmem>>[vector<16xi32>, vector<16xi32>, vector<16xi32>], vector<16xf32>,
        %gather3A_260 = tpu.vector_load_idx %arg8[%add3A_38, %add3A_240] : memref<128x64xf32, #tpu.memory_space<vmem>>[vector<16xi32>, vector<16xi32>], vector<16xf32>,
        %mul3A_261 = arith.constant 8.000000e+00 : f32
        %mul3A_262 = vector.broadcast %mul3A_261 : f32 to vector<16xf32>
        %mul3A_263 = arith.mulf %gather3A_260, %mul3A_262 : vector<16xf32>
        %add3A_264 = arith.addf %mul3A_263, %gather3A : vector<16xf32>
        tpu.vector_store_idx %arg12[%shift_right_logical3A_242, %and3A_245, %add3A_38], %add3A_264 : memref<8x8x128xf32, #tpu.memory_space<vmem>>[vector<16xi32>, vector<16xi32>, vector<16xi32>], vector<16xf32>,
        %gather3A_265 = tpu.vector_load_idx %arg8[%add3A_41, %add3A_240] : memref<128x64xf32, #tpu.memory_space<vmem>>[vector<16xi32>, vector<16xi32>], vector<16xf32>,
        %mul3A_266 = arith.constant 8.000000e+00 : f32
        %mul3A_267 = vector.broadcast %mul3A_266 : f32 to vector<16xf32>
        %mul3A_268 = arith.mulf %gather3A_265, %mul3A_267 : vector<16xf32>
        %add3A_269 = arith.addf %mul3A_268, %gather3A : vector<16xf32>
        tpu.vector_store_idx %arg12[%shift_right_logical3A_242, %and3A_245, %add3A_41], %add3A_269 : memref<8x8x128xf32, #tpu.memory_space<vmem>>[vector<16xi32>, vector<16xi32>, vector<16xi32>], vector<16xf32>,
        %gather3A_270 = tpu.vector_load_idx %arg8[%add3A_44, %add3A_240] : memref<128x64xf32, #tpu.memory_space<vmem>>[vector<16xi32>, vector<16xi32>], vector<16xf32>,
        %mul3A_271 = arith.constant 8.000000e+00 : f32
        %mul3A_272 = vector.broadcast %mul3A_271 : f32 to vector<16xf32>
        %mul3A_273 = arith.mulf %gather3A_270, %mul3A_272 : vector<16xf32>
        %add3A_274 = arith.addf %mul3A_273, %gather3A : vector<16xf32>
        tpu.vector_store_idx %arg12[%shift_right_logical3A_242, %and3A_245, %add3A_44], %add3A_274 : memref<8x8x128xf32, #tpu.memory_space<vmem>>[vector<16xi32>, vector<16xi32>, vector<16xi32>], vector<16xf32>,
        %gather3A_275 = tpu.vector_load_idx %arg8[%add3A_47, %add3A_240] : memref<128x64xf32, #tpu.memory_space<vmem>>[vector<16xi32>, vector<16xi32>], vector<16xf32>,
        %mul3A_276 = arith.constant 8.000000e+00 : f32
        %mul3A_277 = vector.broadcast %mul3A_276 : f32 to vector<16xf32>
        %mul3A_278 = arith.mulf %gather3A_275, %mul3A_277 : vector<16xf32>
        %add3A_279 = arith.addf %mul3A_278, %gather3A : vector<16xf32>
        tpu.vector_store_idx %arg12[%shift_right_logical3A_242, %and3A_245, %add3A_47], %add3A_279 : memref<8x8x128xf32, #tpu.memory_space<vmem>>[vector<16xi32>, vector<16xi32>, vector<16xi32>], vector<16xf32>,
        %gather3A_280 = tpu.vector_load_idx %arg8[%add3A_50, %add3A_240] : memref<128x64xf32, #tpu.memory_space<vmem>>[vector<16xi32>, vector<16xi32>], vector<16xf32>,
        %mul3A_281 = arith.constant 8.000000e+00 : f32
        %mul3A_282 = vector.broadcast %mul3A_281 : f32 to vector<16xf32>
        %mul3A_283 = arith.mulf %gather3A_280, %mul3A_282 : vector<16xf32>
        %add3A_284 = arith.addf %mul3A_283, %gather3A : vector<16xf32>
        tpu.vector_store_idx %arg12[%shift_right_logical3A_242, %and3A_245, %add3A_50], %add3A_284 : memref<8x8x128xf32, #tpu.memory_space<vmem>>[vector<16xi32>, vector<16xi32>, vector<16xi32>], vector<16xf32>,
        %gather3A_285 = tpu.vector_load_idx %arg8[%add3A_53, %add3A_240] : memref<128x64xf32, #tpu.memory_space<vmem>>[vector<16xi32>, vector<16xi32>], vector<16xf32>,
        %mul3A_286 = arith.constant 8.000000e+00 : f32
        %mul3A_287 = vector.broadcast %mul3A_286 : f32 to vector<16xf32>
        %mul3A_288 = arith.mulf %gather3A_285, %mul3A_287 : vector<16xf32>
        %add3A_289 = arith.addf %mul3A_288, %gather3A : vector<16xf32>
        tpu.vector_store_idx %arg12[%shift_right_logical3A_242, %and3A_245, %add3A_53], %add3A_289 : memref<8x8x128xf32, #tpu.memory_space<vmem>>[vector<16xi32>, vector<16xi32>, vector<16xi32>], vector<16xf32>,
        %add3A_290 = arith.constant 16 : i32
        %add3A_291 = vector.broadcast %add3A_290 : i32 to vector<16xi32>
        %add3A_292 = arith.addi %and3A_237, %add3A_291 : vector<16xi32>
        %shift_right_logical3A_293 = arith.constant 3 : i32
        %shift_right_logical3A_294 = vector.broadcast %shift_right_logical3A_293 : i32 to vector<16xi32>
        %shift_right_logical3A_295 = arith.shrui %add3A_292, %shift_right_logical3A_294 : vector<16xi32>
        %and3A_296 = arith.constant 7 : i32
        %and3A_297 = vector.broadcast %and3A_296 : i32 to vector<16xi32>
        %and3A_298 = arith.andi %add3A_292, %and3A_297 : vector<16xi32>
        %mul3A_299 = arith.constant 64 : i32
        %mul3A_300 = arith.muli %add3A_84, %mul3A_299 : i32
        %add3A_301 = vector.broadcast %mul3A_300 : i32 to vector<16xi32>
        %add3A_302 = arith.addi %add3A_292, %add3A_301 : vector<16xi32>
        %gather3A_303 = tpu.vector_load_idx %arg6[%add3A_302] : memref<12800xf32, #tpu.memory_space<vmem>>[vector<16xi32>], vector<16xf32>,
        %gather3A_304 = tpu.vector_load_idx %arg8[%add3A_32, %add3A_292] : memref<128x64xf32, #tpu.memory_space<vmem>>[vector<16xi32>, vector<16xi32>], vector<16xf32>,
        %mul3A_305 = arith.constant 8.000000e+00 : f32
        %mul3A_306 = vector.broadcast %mul3A_305 : f32 to vector<16xf32>
        %mul3A_307 = arith.mulf %gather3A_304, %mul3A_306 : vector<16xf32>
        %add3A_308 = arith.addf %mul3A_307, %gather3A_303 : vector<16xf32>
        tpu.vector_store_idx %arg12[%shift_right_logical3A_295, %and3A_298, %add3A_32], %add3A_308 : memref<8x8x128xf32, #tpu.memory_space<vmem>>[vector<16xi32>, vector<16xi32>, vector<16xi32>], vector<16xf32>,
        %gather3A_309 = tpu.vector_load_idx %arg8[%add3A_35, %add3A_292] : memref<128x64xf32, #tpu.memory_space<vmem>>[vector<16xi32>, vector<16xi32>], vector<16xf32>,
        %mul3A_310 = arith.constant 8.000000e+00 : f32
        %mul3A_311 = vector.broadcast %mul3A_310 : f32 to vector<16xf32>
        %mul3A_312 = arith.mulf %gather3A_309, %mul3A_311 : vector<16xf32>
        %add3A_313 = arith.addf %mul3A_312, %gather3A_303 : vector<16xf32>
        tpu.vector_store_idx %arg12[%shift_right_logical3A_295, %and3A_298, %add3A_35], %add3A_313 : memref<8x8x128xf32, #tpu.memory_space<vmem>>[vector<16xi32>, vector<16xi32>, vector<16xi32>], vector<16xf32>,
        %gather3A_314 = tpu.vector_load_idx %arg8[%add3A_38, %add3A_292] : memref<128x64xf32, #tpu.memory_space<vmem>>[vector<16xi32>, vector<16xi32>], vector<16xf32>,
        %mul3A_315 = arith.constant 8.000000e+00 : f32
        %mul3A_316 = vector.broadcast %mul3A_315 : f32 to vector<16xf32>
        %mul3A_317 = arith.mulf %gather3A_314, %mul3A_316 : vector<16xf32>
        %add3A_318 = arith.addf %mul3A_317, %gather3A_303 : vector<16xf32>
        tpu.vector_store_idx %arg12[%shift_right_logical3A_295, %and3A_298, %add3A_38], %add3A_318 : memref<8x8x128xf32, #tpu.memory_space<vmem>>[vector<16xi32>, vector<16xi32>, vector<16xi32>], vector<16xf32>,
        %gather3A_319 = tpu.vector_load_idx %arg8[%add3A_41, %add3A_292] : memref<128x64xf32, #tpu.memory_space<vmem>>[vector<16xi32>, vector<16xi32>], vector<16xf32>,
        %mul3A_320 = arith.constant 8.000000e+00 : f32
        %mul3A_321 = vector.broadcast %mul3A_320 : f32 to vector<16xf32>
        %mul3A_322 = arith.mulf %gather3A_319, %mul3A_321 : vector<16xf32>
        %add3A_323 = arith.addf %mul3A_322, %gather3A_303 : vector<16xf32>
        tpu.vector_store_idx %arg12[%shift_right_logical3A_295, %and3A_298, %add3A_41], %add3A_323 : memref<8x8x128xf32, #tpu.memory_space<vmem>>[vector<16xi32>, vector<16xi32>, vector<16xi32>], vector<16xf32>,
        %gather3A_324 = tpu.vector_load_idx %arg8[%add3A_44, %add3A_292] : memref<128x64xf32, #tpu.memory_space<vmem>>[vector<16xi32>, vector<16xi32>], vector<16xf32>,
        %mul3A_325 = arith.constant 8.000000e+00 : f32
        %mul3A_326 = vector.broadcast %mul3A_325 : f32 to vector<16xf32>
        %mul3A_327 = arith.mulf %gather3A_324, %mul3A_326 : vector<16xf32>
        %add3A_328 = arith.addf %mul3A_327, %gather3A_303 : vector<16xf32>
        tpu.vector_store_idx %arg12[%shift_right_logical3A_295, %and3A_298, %add3A_44], %add3A_328 : memref<8x8x128xf32, #tpu.memory_space<vmem>>[vector<16xi32>, vector<16xi32>, vector<16xi32>], vector<16xf32>,
        %gather3A_329 = tpu.vector_load_idx %arg8[%add3A_47, %add3A_292] : memref<128x64xf32, #tpu.memory_space<vmem>>[vector<16xi32>, vector<16xi32>], vector<16xf32>,
        %mul3A_330 = arith.constant 8.000000e+00 : f32
        %mul3A_331 = vector.broadcast %mul3A_330 : f32 to vector<16xf32>
        %mul3A_332 = arith.mulf %gather3A_329, %mul3A_331 : vector<16xf32>
        %add3A_333 = arith.addf %mul3A_332, %gather3A_303 : vector<16xf32>
        tpu.vector_store_idx %arg12[%shift_right_logical3A_295, %and3A_298, %add3A_47], %add3A_333 : memref<8x8x128xf32, #tpu.memory_space<vmem>>[vector<16xi32>, vector<16xi32>, vector<16xi32>], vector<16xf32>,
        %gather3A_334 = tpu.vector_load_idx %arg8[%add3A_50, %add3A_292] : memref<128x64xf32, #tpu.memory_space<vmem>>[vector<16xi32>, vector<16xi32>], vector<16xf32>,
        %mul3A_335 = arith.constant 8.000000e+00 : f32
        %mul3A_336 = vector.broadcast %mul3A_335 : f32 to vector<16xf32>
        %mul3A_337 = arith.mulf %gather3A_334, %mul3A_336 : vector<16xf32>
        %add3A_338 = arith.addf %mul3A_337, %gather3A_303 : vector<16xf32>
        tpu.vector_store_idx %arg12[%shift_right_logical3A_295, %and3A_298, %add3A_50], %add3A_338 : memref<8x8x128xf32, #tpu.memory_space<vmem>>[vector<16xi32>, vector<16xi32>, vector<16xi32>], vector<16xf32>,
        %gather3A_339 = tpu.vector_load_idx %arg8[%add3A_53, %add3A_292] : memref<128x64xf32, #tpu.memory_space<vmem>>[vector<16xi32>, vector<16xi32>], vector<16xf32>,
        %mul3A_340 = arith.constant 8.000000e+00 : f32
        %mul3A_341 = vector.broadcast %mul3A_340 : f32 to vector<16xf32>
        %mul3A_342 = arith.mulf %gather3A_339, %mul3A_341 : vector<16xf32>
        %add3A_343 = arith.addf %mul3A_342, %gather3A_303 : vector<16xf32>
        tpu.vector_store_idx %arg12[%shift_right_logical3A_295, %and3A_298, %add3A_53], %add3A_343 : memref<8x8x128xf32, #tpu.memory_space<vmem>>[vector<16xi32>, vector<16xi32>, vector<16xi32>], vector<16xf32>,
        %add3A_344 = arith.constant 32 : i32
        %add3A_345 = vector.broadcast %add3A_344 : i32 to vector<16xi32>
        %add3A_346 = arith.addi %and3A_237, %add3A_345 : vector<16xi32>
        %shift_right_logical3A_347 = arith.constant 3 : i32
        %shift_right_logical3A_348 = vector.broadcast %shift_right_logical3A_347 : i32 to vector<16xi32>
        %shift_right_logical3A_349 = arith.shrui %add3A_346, %shift_right_logical3A_348 : vector<16xi32>
        %and3A_350 = arith.constant 7 : i32
        %and3A_351 = vector.broadcast %and3A_350 : i32 to vector<16xi32>
        %and3A_352 = arith.andi %add3A_346, %and3A_351 : vector<16xi32>
        %mul3A_353 = arith.constant 64 : i32
        %mul3A_354 = arith.muli %add3A_84, %mul3A_353 : i32
        %add3A_355 = vector.broadcast %mul3A_354 : i32 to vector<16xi32>
        %add3A_356 = arith.addi %add3A_346, %add3A_355 : vector<16xi32>
        %gather3A_357 = tpu.vector_load_idx %arg6[%add3A_356] : memref<12800xf32, #tpu.memory_space<vmem>>[vector<16xi32>], vector<16xf32>,
        %gather3A_358 = tpu.vector_load_idx %arg8[%add3A_32, %add3A_346] : memref<128x64xf32, #tpu.memory_space<vmem>>[vector<16xi32>, vector<16xi32>], vector<16xf32>,
        %mul3A_359 = arith.constant 8.000000e+00 : f32
        %mul3A_360 = vector.broadcast %mul3A_359 : f32 to vector<16xf32>
        %mul3A_361 = arith.mulf %gather3A_358, %mul3A_360 : vector<16xf32>
        %add3A_362 = arith.addf %mul3A_361, %gather3A_357 : vector<16xf32>
        tpu.vector_store_idx %arg12[%shift_right_logical3A_349, %and3A_352, %add3A_32], %add3A_362 : memref<8x8x128xf32, #tpu.memory_space<vmem>>[vector<16xi32>, vector<16xi32>, vector<16xi32>], vector<16xf32>,
        %gather3A_363 = tpu.vector_load_idx %arg8[%add3A_35, %add3A_346] : memref<128x64xf32, #tpu.memory_space<vmem>>[vector<16xi32>, vector<16xi32>], vector<16xf32>,
        %mul3A_364 = arith.constant 8.000000e+00 : f32
        %mul3A_365 = vector.broadcast %mul3A_364 : f32 to vector<16xf32>
        %mul3A_366 = arith.mulf %gather3A_363, %mul3A_365 : vector<16xf32>
        %add3A_367 = arith.addf %mul3A_366, %gather3A_357 : vector<16xf32>
        tpu.vector_store_idx %arg12[%shift_right_logical3A_349, %and3A_352, %add3A_35], %add3A_367 : memref<8x8x128xf32, #tpu.memory_space<vmem>>[vector<16xi32>, vector<16xi32>, vector<16xi32>], vector<16xf32>,
        %gather3A_368 = tpu.vector_load_idx %arg8[%add3A_38, %add3A_346] : memref<128x64xf32, #tpu.memory_space<vmem>>[vector<16xi32>, vector<16xi32>], vector<16xf32>,
        %mul3A_369 = arith.constant 8.000000e+00 : f32
        %mul3A_370 = vector.broadcast %mul3A_369 : f32 to vector<16xf32>
        %mul3A_371 = arith.mulf %gather3A_368, %mul3A_370 : vector<16xf32>
        %add3A_372 = arith.addf %mul3A_371, %gather3A_357 : vector<16xf32>
        tpu.vector_store_idx %arg12[%shift_right_logical3A_349, %and3A_352, %add3A_38], %add3A_372 : memref<8x8x128xf32, #tpu.memory_space<vmem>>[vector<16xi32>, vector<16xi32>, vector<16xi32>], vector<16xf32>,
        %gather3A_373 = tpu.vector_load_idx %arg8[%add3A_41, %add3A_346] : memref<128x64xf32, #tpu.memory_space<vmem>>[vector<16xi32>, vector<16xi32>], vector<16xf32>,
        %mul3A_374 = arith.constant 8.000000e+00 : f32
        %mul3A_375 = vector.broadcast %mul3A_374 : f32 to vector<16xf32>
        %mul3A_376 = arith.mulf %gather3A_373, %mul3A_375 : vector<16xf32>
        %add3A_377 = arith.addf %mul3A_376, %gather3A_357 : vector<16xf32>
        tpu.vector_store_idx %arg12[%shift_right_logical3A_349, %and3A_352, %add3A_41], %add3A_377 : memref<8x8x128xf32, #tpu.memory_space<vmem>>[vector<16xi32>, vector<16xi32>, vector<16xi32>], vector<16xf32>,
        %gather3A_378 = tpu.vector_load_idx %arg8[%add3A_44, %add3A_346] : memref<128x64xf32, #tpu.memory_space<vmem>>[vector<16xi32>, vector<16xi32>], vector<16xf32>,
        %mul3A_379 = arith.constant 8.000000e+00 : f32
        %mul3A_380 = vector.broadcast %mul3A_379 : f32 to vector<16xf32>
        %mul3A_381 = arith.mulf %gather3A_378, %mul3A_380 : vector<16xf32>
        %add3A_382 = arith.addf %mul3A_381, %gather3A_357 : vector<16xf32>
        tpu.vector_store_idx %arg12[%shift_right_logical3A_349, %and3A_352, %add3A_44], %add3A_382 : memref<8x8x128xf32, #tpu.memory_space<vmem>>[vector<16xi32>, vector<16xi32>, vector<16xi32>], vector<16xf32>,
        %gather3A_383 = tpu.vector_load_idx %arg8[%add3A_47, %add3A_346] : memref<128x64xf32, #tpu.memory_space<vmem>>[vector<16xi32>, vector<16xi32>], vector<16xf32>,
        %mul3A_384 = arith.constant 8.000000e+00 : f32
        %mul3A_385 = vector.broadcast %mul3A_384 : f32 to vector<16xf32>
        %mul3A_386 = arith.mulf %gather3A_383, %mul3A_385 : vector<16xf32>
        %add3A_387 = arith.addf %mul3A_386, %gather3A_357 : vector<16xf32>
        tpu.vector_store_idx %arg12[%shift_right_logical3A_349, %and3A_352, %add3A_47], %add3A_387 : memref<8x8x128xf32, #tpu.memory_space<vmem>>[vector<16xi32>, vector<16xi32>, vector<16xi32>], vector<16xf32>,
        %gather3A_388 = tpu.vector_load_idx %arg8[%add3A_50, %add3A_346] : memref<128x64xf32, #tpu.memory_space<vmem>>[vector<16xi32>, vector<16xi32>], vector<16xf32>,
        %mul3A_389 = arith.constant 8.000000e+00 : f32
        %mul3A_390 = vector.broadcast %mul3A_389 : f32 to vector<16xf32>
        %mul3A_391 = arith.mulf %gather3A_388, %mul3A_390 : vector<16xf32>
        %add3A_392 = arith.addf %mul3A_391, %gather3A_357 : vector<16xf32>
        tpu.vector_store_idx %arg12[%shift_right_logical3A_349, %and3A_352, %add3A_50], %add3A_392 : memref<8x8x128xf32, #tpu.memory_space<vmem>>[vector<16xi32>, vector<16xi32>, vector<16xi32>], vector<16xf32>,
        %gather3A_393 = tpu.vector_load_idx %arg8[%add3A_53, %add3A_346] : memref<128x64xf32, #tpu.memory_space<vmem>>[vector<16xi32>, vector<16xi32>], vector<16xf32>,
        %mul3A_394 = arith.constant 8.000000e+00 : f32
        %mul3A_395 = vector.broadcast %mul3A_394 : f32 to vector<16xf32>
        %mul3A_396 = arith.mulf %gather3A_393, %mul3A_395 : vector<16xf32>
        %add3A_397 = arith.addf %mul3A_396, %gather3A_357 : vector<16xf32>
        tpu.vector_store_idx %arg12[%shift_right_logical3A_349, %and3A_352, %add3A_53], %add3A_397 : memref<8x8x128xf32, #tpu.memory_space<vmem>>[vector<16xi32>, vector<16xi32>, vector<16xi32>], vector<16xf32>,
        %add3A_398 = arith.constant 48 : i32
        %add3A_399 = vector.broadcast %add3A_398 : i32 to vector<16xi32>
        %add3A_400 = arith.addi %and3A_237, %add3A_399 : vector<16xi32>
        %shift_right_logical3A_401 = arith.constant 3 : i32
        %shift_right_logical3A_402 = vector.broadcast %shift_right_logical3A_401 : i32 to vector<16xi32>
        %shift_right_logical3A_403 = arith.shrui %add3A_400, %shift_right_logical3A_402 : vector<16xi32>
        %and3A_404 = arith.constant 7 : i32
        %and3A_405 = vector.broadcast %and3A_404 : i32 to vector<16xi32>
        %and3A_406 = arith.andi %add3A_400, %and3A_405 : vector<16xi32>
        %mul3A_407 = arith.constant 64 : i32
        %mul3A_408 = arith.muli %add3A_84, %mul3A_407 : i32
        %add3A_409 = vector.broadcast %mul3A_408 : i32 to vector<16xi32>
        %add3A_410 = arith.addi %add3A_400, %add3A_409 : vector<16xi32>
        %gather3A_411 = tpu.vector_load_idx %arg6[%add3A_410] : memref<12800xf32, #tpu.memory_space<vmem>>[vector<16xi32>], vector<16xf32>,
        %gather3A_412 = tpu.vector_load_idx %arg8[%add3A_32, %add3A_400] : memref<128x64xf32, #tpu.memory_space<vmem>>[vector<16xi32>, vector<16xi32>], vector<16xf32>,
        %mul3A_413 = arith.constant 8.000000e+00 : f32
        %mul3A_414 = vector.broadcast %mul3A_413 : f32 to vector<16xf32>
        %mul3A_415 = arith.mulf %gather3A_412, %mul3A_414 : vector<16xf32>
        %add3A_416 = arith.addf %mul3A_415, %gather3A_411 : vector<16xf32>
        tpu.vector_store_idx %arg12[%shift_right_logical3A_403, %and3A_406, %add3A_32], %add3A_416 : memref<8x8x128xf32, #tpu.memory_space<vmem>>[vector<16xi32>, vector<16xi32>, vector<16xi32>], vector<16xf32>,
        %gather3A_417 = tpu.vector_load_idx %arg8[%add3A_35, %add3A_400] : memref<128x64xf32, #tpu.memory_space<vmem>>[vector<16xi32>, vector<16xi32>], vector<16xf32>,
        %mul3A_418 = arith.constant 8.000000e+00 : f32
        %mul3A_419 = vector.broadcast %mul3A_418 : f32 to vector<16xf32>
        %mul3A_420 = arith.mulf %gather3A_417, %mul3A_419 : vector<16xf32>
        %add3A_421 = arith.addf %mul3A_420, %gather3A_411 : vector<16xf32>
        tpu.vector_store_idx %arg12[%shift_right_logical3A_403, %and3A_406, %add3A_35], %add3A_421 : memref<8x8x128xf32, #tpu.memory_space<vmem>>[vector<16xi32>, vector<16xi32>, vector<16xi32>], vector<16xf32>,
        %gather3A_422 = tpu.vector_load_idx %arg8[%add3A_38, %add3A_400] : memref<128x64xf32, #tpu.memory_space<vmem>>[vector<16xi32>, vector<16xi32>], vector<16xf32>,
        %mul3A_423 = arith.constant 8.000000e+00 : f32
        %mul3A_424 = vector.broadcast %mul3A_423 : f32 to vector<16xf32>
        %mul3A_425 = arith.mulf %gather3A_422, %mul3A_424 : vector<16xf32>
        %add3A_426 = arith.addf %mul3A_425, %gather3A_411 : vector<16xf32>
        tpu.vector_store_idx %arg12[%shift_right_logical3A_403, %and3A_406, %add3A_38], %add3A_426 : memref<8x8x128xf32, #tpu.memory_space<vmem>>[vector<16xi32>, vector<16xi32>, vector<16xi32>], vector<16xf32>,
        %gather3A_427 = tpu.vector_load_idx %arg8[%add3A_41, %add3A_400] : memref<128x64xf32, #tpu.memory_space<vmem>>[vector<16xi32>, vector<16xi32>], vector<16xf32>,
        %mul3A_428 = arith.constant 8.000000e+00 : f32
        %mul3A_429 = vector.broadcast %mul3A_428 : f32 to vector<16xf32>
        %mul3A_430 = arith.mulf %gather3A_427, %mul3A_429 : vector<16xf32>
        %add3A_431 = arith.addf %mul3A_430, %gather3A_411 : vector<16xf32>
        tpu.vector_store_idx %arg12[%shift_right_logical3A_403, %and3A_406, %add3A_41], %add3A_431 : memref<8x8x128xf32, #tpu.memory_space<vmem>>[vector<16xi32>, vector<16xi32>, vector<16xi32>], vector<16xf32>,
        %gather3A_432 = tpu.vector_load_idx %arg8[%add3A_44, %add3A_400] : memref<128x64xf32, #tpu.memory_space<vmem>>[vector<16xi32>, vector<16xi32>], vector<16xf32>,
        %mul3A_433 = arith.constant 8.000000e+00 : f32
        %mul3A_434 = vector.broadcast %mul3A_433 : f32 to vector<16xf32>
        %mul3A_435 = arith.mulf %gather3A_432, %mul3A_434 : vector<16xf32>
        %add3A_436 = arith.addf %mul3A_435, %gather3A_411 : vector<16xf32>
        tpu.vector_store_idx %arg12[%shift_right_logical3A_403, %and3A_406, %add3A_44], %add3A_436 : memref<8x8x128xf32, #tpu.memory_space<vmem>>[vector<16xi32>, vector<16xi32>, vector<16xi32>], vector<16xf32>,
        %gather3A_437 = tpu.vector_load_idx %arg8[%add3A_47, %add3A_400] : memref<128x64xf32, #tpu.memory_space<vmem>>[vector<16xi32>, vector<16xi32>], vector<16xf32>,
        %mul3A_438 = arith.constant 8.000000e+00 : f32
        %mul3A_439 = vector.broadcast %mul3A_438 : f32 to vector<16xf32>
        %mul3A_440 = arith.mulf %gather3A_437, %mul3A_439 : vector<16xf32>
        %add3A_441 = arith.addf %mul3A_440, %gather3A_411 : vector<16xf32>
        tpu.vector_store_idx %arg12[%shift_right_logical3A_403, %and3A_406, %add3A_47], %add3A_441 : memref<8x8x128xf32, #tpu.memory_space<vmem>>[vector<16xi32>, vector<16xi32>, vector<16xi32>], vector<16xf32>,
        %gather3A_442 = tpu.vector_load_idx %arg8[%add3A_50, %add3A_400] : memref<128x64xf32, #tpu.memory_space<vmem>>[vector<16xi32>, vector<16xi32>], vector<16xf32>,
        %mul3A_443 = arith.constant 8.000000e+00 : f32
        %mul3A_444 = vector.broadcast %mul3A_443 : f32 to vector<16xf32>
        %mul3A_445 = arith.mulf %gather3A_442, %mul3A_444 : vector<16xf32>
        %add3A_446 = arith.addf %mul3A_445, %gather3A_411 : vector<16xf32>
        tpu.vector_store_idx %arg12[%shift_right_logical3A_403, %and3A_406, %add3A_50], %add3A_446 : memref<8x8x128xf32, #tpu.memory_space<vmem>>[vector<16xi32>, vector<16xi32>, vector<16xi32>], vector<16xf32>,
        %gather3A_447 = tpu.vector_load_idx %arg8[%add3A_53, %add3A_400] : memref<128x64xf32, #tpu.memory_space<vmem>>[vector<16xi32>, vector<16xi32>], vector<16xf32>,
        %mul3A_448 = arith.constant 8.000000e+00 : f32
        %mul3A_449 = vector.broadcast %mul3A_448 : f32 to vector<16xf32>
        %mul3A_450 = arith.mulf %gather3A_447, %mul3A_449 : vector<16xf32>
        %add3A_451 = arith.addf %mul3A_450, %gather3A_411 : vector<16xf32>
        tpu.vector_store_idx %arg12[%shift_right_logical3A_403, %and3A_406, %add3A_53], %add3A_451 : memref<8x8x128xf32, #tpu.memory_space<vmem>>[vector<16xi32>, vector<16xi32>, vector<16xi32>], vector<16xf32>,
      }
      %scan3A_99 = arith.constant 16 : i32
      %dma_start3A_100 = arith.constant 0 : i32
      %dma_start3A_101 = arith.constant 0 : i32
      %dma_start3A_102 = arith.constant 0 : i32
      %dma_start3A_103 = tpu.memref_slice %arg5[%add3A_84, %dma_start3A_100, %add3A, %dma_start3A_101, %dma_start3A_102] : memref<200x8x32x8x128xf32, #tpu.memory_space<hbm>> -> memref<1x8x1x8x128xf32, #tpu.memory_space<hbm>>
      %dma_start3A_104 = tpu.memref_squeeze %dma_start3A_103 : memref<1x8x1x8x128xf32, #tpu.memory_space<hbm>> -> memref<8x8x128xf32, #tpu.memory_space<hbm>>
      %dma_start3A_105 = arith.constant 0 : i32
      %dma_start3A_106 = arith.constant 0 : i32
      %dma_start3A_107 = arith.constant 0 : i32
      %dma_start3A_108 = tpu.memref_slice %arg5[%add3A_84, %dma_start3A_105, %add3A, %dma_start3A_106, %dma_start3A_107] : memref<200x8x32x8x128xf32, #tpu.memory_space<hbm>> -> memref<1x8x1x8x128xf32, #tpu.memory_space<hbm>>
      %dma_start3A_109 = tpu.memref_squeeze %dma_start3A_108 : memref<1x8x1x8x128xf32, #tpu.memory_space<hbm>> -> memref<8x8x128xf32, #tpu.memory_space<hbm>>
      tpu.enqueue_dma source(%arg12 : memref<8x8x128xf32, #tpu.memory_space<vmem>>) target(%dma_start3A_109 : memref<8x8x128xf32, #tpu.memory_space<hbm>>) target_semaphore(%arg18 : memref<!tpu.dma_semaphore, #tpu.memory_space<semaphore_mem>>)
      %add3A_110 = arith.constant 4 : i32
      %add3A_111 = arith.addi %add3A_84, %add3A_110 : i32
      %lt3A = arith.constant 200 : i32
      %lt3A_112 = arith.cmpi slt, %add3A_111, %lt3A : i32
      %convert_element_type3A_113 = arith.extui %lt3A_112 : i1 to i32
      %cond3A_114 = arith.constant 0 : i32
      %cond3A_115 = arith.cmpi ne, %convert_element_type3A_113, %cond3A_114 : i32
      scf.if %cond3A_115 {
        %dma_start3A_233 = arith.constant 0 : i32
        %dma_start3A_234 = tpu.memref_slice %arg7[%add3A_111, %dma_start3A_233] : memref<200x128xi32, #tpu.memory_space<vmem>> -> memref<1x128xi32, #tpu.memory_space<vmem>>
        %dma_start3A_235 = tpu.memref_squeeze %dma_start3A_234 : memref<1x128xi32, #tpu.memory_space<vmem>> -> memref<128xi32, #tpu.memory_space<vmem>>
        %dma_start3A_236 = arith.constant 0 : i32
        %dma_start3A_237 = arith.constant 0 : i32
        %dma_start3A_238 = tpu.memref_slice %arg2[%dma_start3A_236, %dma_start3A_237] : memref<1000000x64xf32, #tpu.memory_space<hbm>> -> memref<1000000x64xf32, #tpu.memory_space<hbm>>
        tpu.enqueue_indirect_dma source(%dma_start3A_238 : memref<1000000x64xf32, #tpu.memory_space<hbm>>) target(%arg8 : memref<128x64xf32, #tpu.memory_space<vmem>>) offsets(%dma_start3A_235 : memref<128xi32, #tpu.memory_space<vmem>>) semaphore(%arg14 : memref<!tpu.dma_semaphore, #tpu.memory_space<semaphore_mem>>)
      } else {
      }
      %mul3A_116 = arith.constant 4 : i32
      %mul3A_117 = arith.muli %scan3A_80, %mul3A_116 : i32
      %add3A_118 = arith.constant 1 : i32
      %add3A_119 = arith.addi %mul3A_117, %add3A_118 : i32
      %dma_wait3A_120 = arith.constant 0 : i32
      %dma_wait3A_121 = arith.constant 0 : i32
      %dma_wait3A_122 = tpu.memref_slice %arg7[%dma_wait3A_120, %dma_wait3A_121] : memref<200x128xi32, #tpu.memory_space<vmem>> -> memref<1x128xi32, #tpu.memory_space<vmem>>
      %dma_wait3A_123 = tpu.memref_squeeze %dma_wait3A_122 : memref<1x128xi32, #tpu.memory_space<vmem>> -> memref<128xi32, #tpu.memory_space<vmem>>
      %dma_wait3A_124 = arith.constant 0 : i32
      %dma_wait3A_125 = arith.constant 0 : i32
      %dma_wait3A_126 = tpu.memref_slice %arg2[%dma_wait3A_124, %dma_wait3A_125] : memref<1000000x64xf32, #tpu.memory_space<hbm>> -> memref<1000000x64xf32, #tpu.memory_space<hbm>>
      tpu.wait_indirect_dma semaphore(%arg15 : memref<!tpu.dma_semaphore, #tpu.memory_space<semaphore_mem>>) src(%dma_wait3A_126 : memref<1000000x64xf32, #tpu.memory_space<hbm>>) dst(%arg9 : memref<128x64xf32, #tpu.memory_space<vmem>>)
      %ge3A_127 = arith.constant 2 : i32
      %ge3A_128 = arith.cmpi sge, %add3A_119, %ge3A_127 : i32
      %convert_element_type3A_129 = arith.extui %ge3A_128 : i1 to i32
      %cond3A_130 = arith.constant 0 : i32
      %cond3A_131 = arith.cmpi ne, %convert_element_type3A_129, %cond3A_130 : i32
      scf.if %cond3A_131 {
        %dma_wait3A_233 = arith.constant 0 : i32
        %dma_wait3A_234 = arith.constant 0 : i32
        %dma_wait3A_235 = arith.constant 0 : i32
        %dma_wait3A_236 = arith.constant 0 : i32
        %dma_wait3A_237 = tpu.memref_slice %arg5[%dma_wait3A_233, %dma_wait3A_234, %add3A, %dma_wait3A_235, %dma_wait3A_236] : memref<200x8x32x8x128xf32, #tpu.memory_space<hbm>> -> memref<1x8x1x8x128xf32, #tpu.memory_space<hbm>>
        %dma_wait3A_238 = tpu.memref_squeeze %dma_wait3A_237 : memref<1x8x1x8x128xf32, #tpu.memory_space<hbm>> -> memref<8x8x128xf32, #tpu.memory_space<hbm>>
        %dma_wait3A_239 = arith.constant 0 : i32
        %dma_wait3A_240 = arith.constant 0 : i32
        %dma_wait3A_241 = arith.constant 0 : i32
        %dma_wait3A_242 = tpu.memref_slice %arg5[%dma_wait3A_233, %dma_wait3A_239, %add3A, %dma_wait3A_240, %dma_wait3A_241] : memref<200x8x32x8x128xf32, #tpu.memory_space<hbm>> -> memref<1x8x1x8x128xf32, #tpu.memory_space<hbm>>
        %dma_wait3A_243 = tpu.memref_squeeze %dma_wait3A_242 : memref<1x8x1x8x128xf32, #tpu.memory_space<hbm>> -> memref<8x8x128xf32, #tpu.memory_space<hbm>>
        tpu.wait_dma2 semaphore(%arg19 : memref<!tpu.dma_semaphore, #tpu.memory_space<semaphore_mem>>) src(%arg13 : memref<8x8x128xf32, #tpu.memory_space<vmem>>) dst(%dma_wait3A_243 : memref<8x8x128xf32, #tpu.memory_space<hbm>>)
      } else {
      }
      %scan3A_132 = arith.constant 0 : i32
      %scan3A_133 = arith.constant 0 : i32
      %scan3A_134 = arith.constant 16 : i32
      %scan3A_135 = arith.addi %scan3A_133, %scan3A_134 : i32
      %scan3A_136 = arith.constant 1 : i32
      scf.for %scan3A_233 = %scan3A_133 to %scan3A_135 step %scan3A_136  : i32 {
        %add3A_234 = vector.broadcast %scan3A_233 : i32 to vector<16xi32>
        %add3A_235 = arith.addi %iota3A, %add3A_234 : vector<16xi32>
        %and3A = arith.constant 15 : i32
        %and3A_236 = vector.broadcast %and3A : i32 to vector<16xi32>
        %and3A_237 = arith.andi %add3A_235, %and3A_236 : vector<16xi32>
        %add3A_238 = arith.constant 0 : i32
        %add3A_239 = vector.broadcast %add3A_238 : i32 to vector<16xi32>
        %add3A_240 = arith.addi %and3A_237, %add3A_239 : vector<16xi32>
        %shift_right_logical3A = arith.constant 3 : i32
        %shift_right_logical3A_241 = vector.broadcast %shift_right_logical3A : i32 to vector<16xi32>
        %shift_right_logical3A_242 = arith.shrui %add3A_240, %shift_right_logical3A_241 : vector<16xi32>
        %and3A_243 = arith.constant 7 : i32
        %and3A_244 = vector.broadcast %and3A_243 : i32 to vector<16xi32>
        %and3A_245 = arith.andi %add3A_240, %and3A_244 : vector<16xi32>
        %mul3A_246 = arith.constant 64 : i32
        %mul3A_247 = arith.muli %add3A_119, %mul3A_246 : i32
        %add3A_248 = vector.broadcast %mul3A_247 : i32 to vector<16xi32>
        %add3A_249 = arith.addi %add3A_240, %add3A_248 : vector<16xi32>
        %gather3A = tpu.vector_load_idx %arg6[%add3A_249] : memref<12800xf32, #tpu.memory_space<vmem>>[vector<16xi32>], vector<16xf32>,
        %gather3A_250 = tpu.vector_load_idx %arg9[%add3A_32, %add3A_240] : memref<128x64xf32, #tpu.memory_space<vmem>>[vector<16xi32>, vector<16xi32>], vector<16xf32>,
        %mul3A_251 = arith.constant 8.000000e+00 : f32
        %mul3A_252 = vector.broadcast %mul3A_251 : f32 to vector<16xf32>
        %mul3A_253 = arith.mulf %gather3A_250, %mul3A_252 : vector<16xf32>
        %add3A_254 = arith.addf %mul3A_253, %gather3A : vector<16xf32>
        tpu.vector_store_idx %arg13[%shift_right_logical3A_242, %and3A_245, %add3A_32], %add3A_254 : memref<8x8x128xf32, #tpu.memory_space<vmem>>[vector<16xi32>, vector<16xi32>, vector<16xi32>], vector<16xf32>,
        %gather3A_255 = tpu.vector_load_idx %arg9[%add3A_35, %add3A_240] : memref<128x64xf32, #tpu.memory_space<vmem>>[vector<16xi32>, vector<16xi32>], vector<16xf32>,
        %mul3A_256 = arith.constant 8.000000e+00 : f32
        %mul3A_257 = vector.broadcast %mul3A_256 : f32 to vector<16xf32>
        %mul3A_258 = arith.mulf %gather3A_255, %mul3A_257 : vector<16xf32>
        %add3A_259 = arith.addf %mul3A_258, %gather3A : vector<16xf32>
        tpu.vector_store_idx %arg13[%shift_right_logical3A_242, %and3A_245, %add3A_35], %add3A_259 : memref<8x8x128xf32, #tpu.memory_space<vmem>>[vector<16xi32>, vector<16xi32>, vector<16xi32>], vector<16xf32>,
        %gather3A_260 = tpu.vector_load_idx %arg9[%add3A_38, %add3A_240] : memref<128x64xf32, #tpu.memory_space<vmem>>[vector<16xi32>, vector<16xi32>], vector<16xf32>,
        %mul3A_261 = arith.constant 8.000000e+00 : f32
        %mul3A_262 = vector.broadcast %mul3A_261 : f32 to vector<16xf32>
        %mul3A_263 = arith.mulf %gather3A_260, %mul3A_262 : vector<16xf32>
        %add3A_264 = arith.addf %mul3A_263, %gather3A : vector<16xf32>
        tpu.vector_store_idx %arg13[%shift_right_logical3A_242, %and3A_245, %add3A_38], %add3A_264 : memref<8x8x128xf32, #tpu.memory_space<vmem>>[vector<16xi32>, vector<16xi32>, vector<16xi32>], vector<16xf32>,
        %gather3A_265 = tpu.vector_load_idx %arg9[%add3A_41, %add3A_240] : memref<128x64xf32, #tpu.memory_space<vmem>>[vector<16xi32>, vector<16xi32>], vector<16xf32>,
        %mul3A_266 = arith.constant 8.000000e+00 : f32
        %mul3A_267 = vector.broadcast %mul3A_266 : f32 to vector<16xf32>
        %mul3A_268 = arith.mulf %gather3A_265, %mul3A_267 : vector<16xf32>
        %add3A_269 = arith.addf %mul3A_268, %gather3A : vector<16xf32>
        tpu.vector_store_idx %arg13[%shift_right_logical3A_242, %and3A_245, %add3A_41], %add3A_269 : memref<8x8x128xf32, #tpu.memory_space<vmem>>[vector<16xi32>, vector<16xi32>, vector<16xi32>], vector<16xf32>,
        %gather3A_270 = tpu.vector_load_idx %arg9[%add3A_44, %add3A_240] : memref<128x64xf32, #tpu.memory_space<vmem>>[vector<16xi32>, vector<16xi32>], vector<16xf32>,
        %mul3A_271 = arith.constant 8.000000e+00 : f32
        %mul3A_272 = vector.broadcast %mul3A_271 : f32 to vector<16xf32>
        %mul3A_273 = arith.mulf %gather3A_270, %mul3A_272 : vector<16xf32>
        %add3A_274 = arith.addf %mul3A_273, %gather3A : vector<16xf32>
        tpu.vector_store_idx %arg13[%shift_right_logical3A_242, %and3A_245, %add3A_44], %add3A_274 : memref<8x8x128xf32, #tpu.memory_space<vmem>>[vector<16xi32>, vector<16xi32>, vector<16xi32>], vector<16xf32>,
        %gather3A_275 = tpu.vector_load_idx %arg9[%add3A_47, %add3A_240] : memref<128x64xf32, #tpu.memory_space<vmem>>[vector<16xi32>, vector<16xi32>], vector<16xf32>,
        %mul3A_276 = arith.constant 8.000000e+00 : f32
        %mul3A_277 = vector.broadcast %mul3A_276 : f32 to vector<16xf32>
        %mul3A_278 = arith.mulf %gather3A_275, %mul3A_277 : vector<16xf32>
        %add3A_279 = arith.addf %mul3A_278, %gather3A : vector<16xf32>
        tpu.vector_store_idx %arg13[%shift_right_logical3A_242, %and3A_245, %add3A_47], %add3A_279 : memref<8x8x128xf32, #tpu.memory_space<vmem>>[vector<16xi32>, vector<16xi32>, vector<16xi32>], vector<16xf32>,
        %gather3A_280 = tpu.vector_load_idx %arg9[%add3A_50, %add3A_240] : memref<128x64xf32, #tpu.memory_space<vmem>>[vector<16xi32>, vector<16xi32>], vector<16xf32>,
        %mul3A_281 = arith.constant 8.000000e+00 : f32
        %mul3A_282 = vector.broadcast %mul3A_281 : f32 to vector<16xf32>
        %mul3A_283 = arith.mulf %gather3A_280, %mul3A_282 : vector<16xf32>
        %add3A_284 = arith.addf %mul3A_283, %gather3A : vector<16xf32>
        tpu.vector_store_idx %arg13[%shift_right_logical3A_242, %and3A_245, %add3A_50], %add3A_284 : memref<8x8x128xf32, #tpu.memory_space<vmem>>[vector<16xi32>, vector<16xi32>, vector<16xi32>], vector<16xf32>,
        %gather3A_285 = tpu.vector_load_idx %arg9[%add3A_53, %add3A_240] : memref<128x64xf32, #tpu.memory_space<vmem>>[vector<16xi32>, vector<16xi32>], vector<16xf32>,
        %mul3A_286 = arith.constant 8.000000e+00 : f32
        %mul3A_287 = vector.broadcast %mul3A_286 : f32 to vector<16xf32>
        %mul3A_288 = arith.mulf %gather3A_285, %mul3A_287 : vector<16xf32>
        %add3A_289 = arith.addf %mul3A_288, %gather3A : vector<16xf32>
        tpu.vector_store_idx %arg13[%shift_right_logical3A_242, %and3A_245, %add3A_53], %add3A_289 : memref<8x8x128xf32, #tpu.memory_space<vmem>>[vector<16xi32>, vector<16xi32>, vector<16xi32>], vector<16xf32>,
        %add3A_290 = arith.constant 16 : i32
        %add3A_291 = vector.broadcast %add3A_290 : i32 to vector<16xi32>
        %add3A_292 = arith.addi %and3A_237, %add3A_291 : vector<16xi32>
        %shift_right_logical3A_293 = arith.constant 3 : i32
        %shift_right_logical3A_294 = vector.broadcast %shift_right_logical3A_293 : i32 to vector<16xi32>
        %shift_right_logical3A_295 = arith.shrui %add3A_292, %shift_right_logical3A_294 : vector<16xi32>
        %and3A_296 = arith.constant 7 : i32
        %and3A_297 = vector.broadcast %and3A_296 : i32 to vector<16xi32>
        %and3A_298 = arith.andi %add3A_292, %and3A_297 : vector<16xi32>
        %mul3A_299 = arith.constant 64 : i32
        %mul3A_300 = arith.muli %add3A_119, %mul3A_299 : i32
        %add3A_301 = vector.broadcast %mul3A_300 : i32 to vector<16xi32>
        %add3A_302 = arith.addi %add3A_292, %add3A_301 : vector<16xi32>
        %gather3A_303 = tpu.vector_load_idx %arg6[%add3A_302] : memref<12800xf32, #tpu.memory_space<vmem>>[vector<16xi32>], vector<16xf32>,
        %gather3A_304 = tpu.vector_load_idx %arg9[%add3A_32, %add3A_292] : memref<128x64xf32, #tpu.memory_space<vmem>>[vector<16xi32>, vector<16xi32>], vector<16xf32>,
        %mul3A_305 = arith.constant 8.000000e+00 : f32
        %mul3A_306 = vector.broadcast %mul3A_305 : f32 to vector<16xf32>
        %mul3A_307 = arith.mulf %gather3A_304, %mul3A_306 : vector<16xf32>
        %add3A_308 = arith.addf %mul3A_307, %gather3A_303 : vector<16xf32>
        tpu.vector_store_idx %arg13[%shift_right_logical3A_295, %and3A_298, %add3A_32], %add3A_308 : memref<8x8x128xf32, #tpu.memory_space<vmem>>[vector<16xi32>, vector<16xi32>, vector<16xi32>], vector<16xf32>,
        %gather3A_309 = tpu.vector_load_idx %arg9[%add3A_35, %add3A_292] : memref<128x64xf32, #tpu.memory_space<vmem>>[vector<16xi32>, vector<16xi32>], vector<16xf32>,
        %mul3A_310 = arith.constant 8.000000e+00 : f32
        %mul3A_311 = vector.broadcast %mul3A_310 : f32 to vector<16xf32>
        %mul3A_312 = arith.mulf %gather3A_309, %mul3A_311 : vector<16xf32>
        %add3A_313 = arith.addf %mul3A_312, %gather3A_303 : vector<16xf32>
        tpu.vector_store_idx %arg13[%shift_right_logical3A_295, %and3A_298, %add3A_35], %add3A_313 : memref<8x8x128xf32, #tpu.memory_space<vmem>>[vector<16xi32>, vector<16xi32>, vector<16xi32>], vector<16xf32>,
        %gather3A_314 = tpu.vector_load_idx %arg9[%add3A_38, %add3A_292] : memref<128x64xf32, #tpu.memory_space<vmem>>[vector<16xi32>, vector<16xi32>], vector<16xf32>,
        %mul3A_315 = arith.constant 8.000000e+00 : f32
        %mul3A_316 = vector.broadcast %mul3A_315 : f32 to vector<16xf32>
        %mul3A_317 = arith.mulf %gather3A_314, %mul3A_316 : vector<16xf32>
        %add3A_318 = arith.addf %mul3A_317, %gather3A_303 : vector<16xf32>
        tpu.vector_store_idx %arg13[%shift_right_logical3A_295, %and3A_298, %add3A_38], %add3A_318 : memref<8x8x128xf32, #tpu.memory_space<vmem>>[vector<16xi32>, vector<16xi32>, vector<16xi32>], vector<16xf32>,
        %gather3A_319 = tpu.vector_load_idx %arg9[%add3A_41, %add3A_292] : memref<128x64xf32, #tpu.memory_space<vmem>>[vector<16xi32>, vector<16xi32>], vector<16xf32>,
        %mul3A_320 = arith.constant 8.000000e+00 : f32
        %mul3A_321 = vector.broadcast %mul3A_320 : f32 to vector<16xf32>
        %mul3A_322 = arith.mulf %gather3A_319, %mul3A_321 : vector<16xf32>
        %add3A_323 = arith.addf %mul3A_322, %gather3A_303 : vector<16xf32>
        tpu.vector_store_idx %arg13[%shift_right_logical3A_295, %and3A_298, %add3A_41], %add3A_323 : memref<8x8x128xf32, #tpu.memory_space<vmem>>[vector<16xi32>, vector<16xi32>, vector<16xi32>], vector<16xf32>,
        %gather3A_324 = tpu.vector_load_idx %arg9[%add3A_44, %add3A_292] : memref<128x64xf32, #tpu.memory_space<vmem>>[vector<16xi32>, vector<16xi32>], vector<16xf32>,
        %mul3A_325 = arith.constant 8.000000e+00 : f32
        %mul3A_326 = vector.broadcast %mul3A_325 : f32 to vector<16xf32>
        %mul3A_327 = arith.mulf %gather3A_324, %mul3A_326 : vector<16xf32>
        %add3A_328 = arith.addf %mul3A_327, %gather3A_303 : vector<16xf32>
        tpu.vector_store_idx %arg13[%shift_right_logical3A_295, %and3A_298, %add3A_44], %add3A_328 : memref<8x8x128xf32, #tpu.memory_space<vmem>>[vector<16xi32>, vector<16xi32>, vector<16xi32>], vector<16xf32>,
        %gather3A_329 = tpu.vector_load_idx %arg9[%add3A_47, %add3A_292] : memref<128x64xf32, #tpu.memory_space<vmem>>[vector<16xi32>, vector<16xi32>], vector<16xf32>,
        %mul3A_330 = arith.constant 8.000000e+00 : f32
        %mul3A_331 = vector.broadcast %mul3A_330 : f32 to vector<16xf32>
        %mul3A_332 = arith.mulf %gather3A_329, %mul3A_331 : vector<16xf32>
        %add3A_333 = arith.addf %mul3A_332, %gather3A_303 : vector<16xf32>
        tpu.vector_store_idx %arg13[%shift_right_logical3A_295, %and3A_298, %add3A_47], %add3A_333 : memref<8x8x128xf32, #tpu.memory_space<vmem>>[vector<16xi32>, vector<16xi32>, vector<16xi32>], vector<16xf32>,
        %gather3A_334 = tpu.vector_load_idx %arg9[%add3A_50, %add3A_292] : memref<128x64xf32, #tpu.memory_space<vmem>>[vector<16xi32>, vector<16xi32>], vector<16xf32>,
        %mul3A_335 = arith.constant 8.000000e+00 : f32
        %mul3A_336 = vector.broadcast %mul3A_335 : f32 to vector<16xf32>
        %mul3A_337 = arith.mulf %gather3A_334, %mul3A_336 : vector<16xf32>
        %add3A_338 = arith.addf %mul3A_337, %gather3A_303 : vector<16xf32>
        tpu.vector_store_idx %arg13[%shift_right_logical3A_295, %and3A_298, %add3A_50], %add3A_338 : memref<8x8x128xf32, #tpu.memory_space<vmem>>[vector<16xi32>, vector<16xi32>, vector<16xi32>], vector<16xf32>,
        %gather3A_339 = tpu.vector_load_idx %arg9[%add3A_53, %add3A_292] : memref<128x64xf32, #tpu.memory_space<vmem>>[vector<16xi32>, vector<16xi32>], vector<16xf32>,
        %mul3A_340 = arith.constant 8.000000e+00 : f32
        %mul3A_341 = vector.broadcast %mul3A_340 : f32 to vector<16xf32>
        %mul3A_342 = arith.mulf %gather3A_339, %mul3A_341 : vector<16xf32>
        %add3A_343 = arith.addf %mul3A_342, %gather3A_303 : vector<16xf32>
        tpu.vector_store_idx %arg13[%shift_right_logical3A_295, %and3A_298, %add3A_53], %add3A_343 : memref<8x8x128xf32, #tpu.memory_space<vmem>>[vector<16xi32>, vector<16xi32>, vector<16xi32>], vector<16xf32>,
        %add3A_344 = arith.constant 32 : i32
        %add3A_345 = vector.broadcast %add3A_344 : i32 to vector<16xi32>
        %add3A_346 = arith.addi %and3A_237, %add3A_345 : vector<16xi32>
        %shift_right_logical3A_347 = arith.constant 3 : i32
        %shift_right_logical3A_348 = vector.broadcast %shift_right_logical3A_347 : i32 to vector<16xi32>
        %shift_right_logical3A_349 = arith.shrui %add3A_346, %shift_right_logical3A_348 : vector<16xi32>
        %and3A_350 = arith.constant 7 : i32
        %and3A_351 = vector.broadcast %and3A_350 : i32 to vector<16xi32>
        %and3A_352 = arith.andi %add3A_346, %and3A_351 : vector<16xi32>
        %mul3A_353 = arith.constant 64 : i32
        %mul3A_354 = arith.muli %add3A_119, %mul3A_353 : i32
        %add3A_355 = vector.broadcast %mul3A_354 : i32 to vector<16xi32>
        %add3A_356 = arith.addi %add3A_346, %add3A_355 : vector<16xi32>
        %gather3A_357 = tpu.vector_load_idx %arg6[%add3A_356] : memref<12800xf32, #tpu.memory_space<vmem>>[vector<16xi32>], vector<16xf32>,
        %gather3A_358 = tpu.vector_load_idx %arg9[%add3A_32, %add3A_346] : memref<128x64xf32, #tpu.memory_space<vmem>>[vector<16xi32>, vector<16xi32>], vector<16xf32>,
        %mul3A_359 = arith.constant 8.000000e+00 : f32
        %mul3A_360 = vector.broadcast %mul3A_359 : f32 to vector<16xf32>
        %mul3A_361 = arith.mulf %gather3A_358, %mul3A_360 : vector<16xf32>
        %add3A_362 = arith.addf %mul3A_361, %gather3A_357 : vector<16xf32>
        tpu.vector_store_idx %arg13[%shift_right_logical3A_349, %and3A_352, %add3A_32], %add3A_362 : memref<8x8x128xf32, #tpu.memory_space<vmem>>[vector<16xi32>, vector<16xi32>, vector<16xi32>], vector<16xf32>,
        %gather3A_363 = tpu.vector_load_idx %arg9[%add3A_35, %add3A_346] : memref<128x64xf32, #tpu.memory_space<vmem>>[vector<16xi32>, vector<16xi32>], vector<16xf32>,
        %mul3A_364 = arith.constant 8.000000e+00 : f32
        %mul3A_365 = vector.broadcast %mul3A_364 : f32 to vector<16xf32>
        %mul3A_366 = arith.mulf %gather3A_363, %mul3A_365 : vector<16xf32>
        %add3A_367 = arith.addf %mul3A_366, %gather3A_357 : vector<16xf32>
        tpu.vector_store_idx %arg13[%shift_right_logical3A_349, %and3A_352, %add3A_35], %add3A_367 : memref<8x8x128xf32, #tpu.memory_space<vmem>>[vector<16xi32>, vector<16xi32>, vector<16xi32>], vector<16xf32>,
        %gather3A_368 = tpu.vector_load_idx %arg9[%add3A_38, %add3A_346] : memref<128x64xf32, #tpu.memory_space<vmem>>[vector<16xi32>, vector<16xi32>], vector<16xf32>,
        %mul3A_369 = arith.constant 8.000000e+00 : f32
        %mul3A_370 = vector.broadcast %mul3A_369 : f32 to vector<16xf32>
        %mul3A_371 = arith.mulf %gather3A_368, %mul3A_370 : vector<16xf32>
        %add3A_372 = arith.addf %mul3A_371, %gather3A_357 : vector<16xf32>
        tpu.vector_store_idx %arg13[%shift_right_logical3A_349, %and3A_352, %add3A_38], %add3A_372 : memref<8x8x128xf32, #tpu.memory_space<vmem>>[vector<16xi32>, vector<16xi32>, vector<16xi32>], vector<16xf32>,
        %gather3A_373 = tpu.vector_load_idx %arg9[%add3A_41, %add3A_346] : memref<128x64xf32, #tpu.memory_space<vmem>>[vector<16xi32>, vector<16xi32>], vector<16xf32>,
        %mul3A_374 = arith.constant 8.000000e+00 : f32
        %mul3A_375 = vector.broadcast %mul3A_374 : f32 to vector<16xf32>
        %mul3A_376 = arith.mulf %gather3A_373, %mul3A_375 : vector<16xf32>
        %add3A_377 = arith.addf %mul3A_376, %gather3A_357 : vector<16xf32>
        tpu.vector_store_idx %arg13[%shift_right_logical3A_349, %and3A_352, %add3A_41], %add3A_377 : memref<8x8x128xf32, #tpu.memory_space<vmem>>[vector<16xi32>, vector<16xi32>, vector<16xi32>], vector<16xf32>,
        %gather3A_378 = tpu.vector_load_idx %arg9[%add3A_44, %add3A_346] : memref<128x64xf32, #tpu.memory_space<vmem>>[vector<16xi32>, vector<16xi32>], vector<16xf32>,
        %mul3A_379 = arith.constant 8.000000e+00 : f32
        %mul3A_380 = vector.broadcast %mul3A_379 : f32 to vector<16xf32>
        %mul3A_381 = arith.mulf %gather3A_378, %mul3A_380 : vector<16xf32>
        %add3A_382 = arith.addf %mul3A_381, %gather3A_357 : vector<16xf32>
        tpu.vector_store_idx %arg13[%shift_right_logical3A_349, %and3A_352, %add3A_44], %add3A_382 : memref<8x8x128xf32, #tpu.memory_space<vmem>>[vector<16xi32>, vector<16xi32>, vector<16xi32>], vector<16xf32>,
        %gather3A_383 = tpu.vector_load_idx %arg9[%add3A_47, %add3A_346] : memref<128x64xf32, #tpu.memory_space<vmem>>[vector<16xi32>, vector<16xi32>], vector<16xf32>,
        %mul3A_384 = arith.constant 8.000000e+00 : f32
        %mul3A_385 = vector.broadcast %mul3A_384 : f32 to vector<16xf32>
        %mul3A_386 = arith.mulf %gather3A_383, %mul3A_385 : vector<16xf32>
        %add3A_387 = arith.addf %mul3A_386, %gather3A_357 : vector<16xf32>
        tpu.vector_store_idx %arg13[%shift_right_logical3A_349, %and3A_352, %add3A_47], %add3A_387 : memref<8x8x128xf32, #tpu.memory_space<vmem>>[vector<16xi32>, vector<16xi32>, vector<16xi32>], vector<16xf32>,
        %gather3A_388 = tpu.vector_load_idx %arg9[%add3A_50, %add3A_346] : memref<128x64xf32, #tpu.memory_space<vmem>>[vector<16xi32>, vector<16xi32>], vector<16xf32>,
        %mul3A_389 = arith.constant 8.000000e+00 : f32
        %mul3A_390 = vector.broadcast %mul3A_389 : f32 to vector<16xf32>
        %mul3A_391 = arith.mulf %gather3A_388, %mul3A_390 : vector<16xf32>
        %add3A_392 = arith.addf %mul3A_391, %gather3A_357 : vector<16xf32>
        tpu.vector_store_idx %arg13[%shift_right_logical3A_349, %and3A_352, %add3A_50], %add3A_392 : memref<8x8x128xf32, #tpu.memory_space<vmem>>[vector<16xi32>, vector<16xi32>, vector<16xi32>], vector<16xf32>,
        %gather3A_393 = tpu.vector_load_idx %arg9[%add3A_53, %add3A_346] : memref<128x64xf32, #tpu.memory_space<vmem>>[vector<16xi32>, vector<16xi32>], vector<16xf32>,
        %mul3A_394 = arith.constant 8.000000e+00 : f32
        %mul3A_395 = vector.broadcast %mul3A_394 : f32 to vector<16xf32>
        %mul3A_396 = arith.mulf %gather3A_393, %mul3A_395 : vector<16xf32>
        %add3A_397 = arith.addf %mul3A_396, %gather3A_357 : vector<16xf32>
        tpu.vector_store_idx %arg13[%shift_right_logical3A_349, %and3A_352, %add3A_53], %add3A_397 : memref<8x8x128xf32, #tpu.memory_space<vmem>>[vector<16xi32>, vector<16xi32>, vector<16xi32>], vector<16xf32>,
        %add3A_398 = arith.constant 48 : i32
        %add3A_399 = vector.broadcast %add3A_398 : i32 to vector<16xi32>
        %add3A_400 = arith.addi %and3A_237, %add3A_399 : vector<16xi32>
        %shift_right_logical3A_401 = arith.constant 3 : i32
        %shift_right_logical3A_402 = vector.broadcast %shift_right_logical3A_401 : i32 to vector<16xi32>
        %shift_right_logical3A_403 = arith.shrui %add3A_400, %shift_right_logical3A_402 : vector<16xi32>
        %and3A_404 = arith.constant 7 : i32
        %and3A_405 = vector.broadcast %and3A_404 : i32 to vector<16xi32>
        %and3A_406 = arith.andi %add3A_400, %and3A_405 : vector<16xi32>
        %mul3A_407 = arith.constant 64 : i32
        %mul3A_408 = arith.muli %add3A_119, %mul3A_407 : i32
        %add3A_409 = vector.broadcast %mul3A_408 : i32 to vector<16xi32>
        %add3A_410 = arith.addi %add3A_400, %add3A_409 : vector<16xi32>
        %gather3A_411 = tpu.vector_load_idx %arg6[%add3A_410] : memref<12800xf32, #tpu.memory_space<vmem>>[vector<16xi32>], vector<16xf32>,
        %gather3A_412 = tpu.vector_load_idx %arg9[%add3A_32, %add3A_400] : memref<128x64xf32, #tpu.memory_space<vmem>>[vector<16xi32>, vector<16xi32>], vector<16xf32>,
        %mul3A_413 = arith.constant 8.000000e+00 : f32
        %mul3A_414 = vector.broadcast %mul3A_413 : f32 to vector<16xf32>
        %mul3A_415 = arith.mulf %gather3A_412, %mul3A_414 : vector<16xf32>
        %add3A_416 = arith.addf %mul3A_415, %gather3A_411 : vector<16xf32>
        tpu.vector_store_idx %arg13[%shift_right_logical3A_403, %and3A_406, %add3A_32], %add3A_416 : memref<8x8x128xf32, #tpu.memory_space<vmem>>[vector<16xi32>, vector<16xi32>, vector<16xi32>], vector<16xf32>,
        %gather3A_417 = tpu.vector_load_idx %arg9[%add3A_35, %add3A_400] : memref<128x64xf32, #tpu.memory_space<vmem>>[vector<16xi32>, vector<16xi32>], vector<16xf32>,
        %mul3A_418 = arith.constant 8.000000e+00 : f32
        %mul3A_419 = vector.broadcast %mul3A_418 : f32 to vector<16xf32>
        %mul3A_420 = arith.mulf %gather3A_417, %mul3A_419 : vector<16xf32>
        %add3A_421 = arith.addf %mul3A_420, %gather3A_411 : vector<16xf32>
        tpu.vector_store_idx %arg13[%shift_right_logical3A_403, %and3A_406, %add3A_35], %add3A_421 : memref<8x8x128xf32, #tpu.memory_space<vmem>>[vector<16xi32>, vector<16xi32>, vector<16xi32>], vector<16xf32>,
        %gather3A_422 = tpu.vector_load_idx %arg9[%add3A_38, %add3A_400] : memref<128x64xf32, #tpu.memory_space<vmem>>[vector<16xi32>, vector<16xi32>], vector<16xf32>,
        %mul3A_423 = arith.constant 8.000000e+00 : f32
        %mul3A_424 = vector.broadcast %mul3A_423 : f32 to vector<16xf32>
        %mul3A_425 = arith.mulf %gather3A_422, %mul3A_424 : vector<16xf32>
        %add3A_426 = arith.addf %mul3A_425, %gather3A_411 : vector<16xf32>
        tpu.vector_store_idx %arg13[%shift_right_logical3A_403, %and3A_406, %add3A_38], %add3A_426 : memref<8x8x128xf32, #tpu.memory_space<vmem>>[vector<16xi32>, vector<16xi32>, vector<16xi32>], vector<16xf32>,
        %gather3A_427 = tpu.vector_load_idx %arg9[%add3A_41, %add3A_400] : memref<128x64xf32, #tpu.memory_space<vmem>>[vector<16xi32>, vector<16xi32>], vector<16xf32>,
        %mul3A_428 = arith.constant 8.000000e+00 : f32
        %mul3A_429 = vector.broadcast %mul3A_428 : f32 to vector<16xf32>
        %mul3A_430 = arith.mulf %gather3A_427, %mul3A_429 : vector<16xf32>
        %add3A_431 = arith.addf %mul3A_430, %gather3A_411 : vector<16xf32>
        tpu.vector_store_idx %arg13[%shift_right_logical3A_403, %and3A_406, %add3A_41], %add3A_431 : memref<8x8x128xf32, #tpu.memory_space<vmem>>[vector<16xi32>, vector<16xi32>, vector<16xi32>], vector<16xf32>,
        %gather3A_432 = tpu.vector_load_idx %arg9[%add3A_44, %add3A_400] : memref<128x64xf32, #tpu.memory_space<vmem>>[vector<16xi32>, vector<16xi32>], vector<16xf32>,
        %mul3A_433 = arith.constant 8.000000e+00 : f32
        %mul3A_434 = vector.broadcast %mul3A_433 : f32 to vector<16xf32>
        %mul3A_435 = arith.mulf %gather3A_432, %mul3A_434 : vector<16xf32>
        %add3A_436 = arith.addf %mul3A_435, %gather3A_411 : vector<16xf32>
        tpu.vector_store_idx %arg13[%shift_right_logical3A_403, %and3A_406, %add3A_44], %add3A_436 : memref<8x8x128xf32, #tpu.memory_space<vmem>>[vector<16xi32>, vector<16xi32>, vector<16xi32>], vector<16xf32>,
        %gather3A_437 = tpu.vector_load_idx %arg9[%add3A_47, %add3A_400] : memref<128x64xf32, #tpu.memory_space<vmem>>[vector<16xi32>, vector<16xi32>], vector<16xf32>,
        %mul3A_438 = arith.constant 8.000000e+00 : f32
        %mul3A_439 = vector.broadcast %mul3A_438 : f32 to vector<16xf32>
        %mul3A_440 = arith.mulf %gather3A_437, %mul3A_439 : vector<16xf32>
        %add3A_441 = arith.addf %mul3A_440, %gather3A_411 : vector<16xf32>
        tpu.vector_store_idx %arg13[%shift_right_logical3A_403, %and3A_406, %add3A_47], %add3A_441 : memref<8x8x128xf32, #tpu.memory_space<vmem>>[vector<16xi32>, vector<16xi32>, vector<16xi32>], vector<16xf32>,
        %gather3A_442 = tpu.vector_load_idx %arg9[%add3A_50, %add3A_400] : memref<128x64xf32, #tpu.memory_space<vmem>>[vector<16xi32>, vector<16xi32>], vector<16xf32>,
        %mul3A_443 = arith.constant 8.000000e+00 : f32
        %mul3A_444 = vector.broadcast %mul3A_443 : f32 to vector<16xf32>
        %mul3A_445 = arith.mulf %gather3A_442, %mul3A_444 : vector<16xf32>
        %add3A_446 = arith.addf %mul3A_445, %gather3A_411 : vector<16xf32>
        tpu.vector_store_idx %arg13[%shift_right_logical3A_403, %and3A_406, %add3A_50], %add3A_446 : memref<8x8x128xf32, #tpu.memory_space<vmem>>[vector<16xi32>, vector<16xi32>, vector<16xi32>], vector<16xf32>,
        %gather3A_447 = tpu.vector_load_idx %arg9[%add3A_53, %add3A_400] : memref<128x64xf32, #tpu.memory_space<vmem>>[vector<16xi32>, vector<16xi32>], vector<16xf32>,
        %mul3A_448 = arith.constant 8.000000e+00 : f32
        %mul3A_449 = vector.broadcast %mul3A_448 : f32 to vector<16xf32>
        %mul3A_450 = arith.mulf %gather3A_447, %mul3A_449 : vector<16xf32>
        %add3A_451 = arith.addf %mul3A_450, %gather3A_411 : vector<16xf32>
        tpu.vector_store_idx %arg13[%shift_right_logical3A_403, %and3A_406, %add3A_53], %add3A_451 : memref<8x8x128xf32, #tpu.memory_space<vmem>>[vector<16xi32>, vector<16xi32>, vector<16xi32>], vector<16xf32>,
      }
      %scan3A_137 = arith.constant 16 : i32
      %dma_start3A_138 = arith.constant 0 : i32
      %dma_start3A_139 = arith.constant 0 : i32
      %dma_start3A_140 = arith.constant 0 : i32
      %dma_start3A_141 = tpu.memref_slice %arg5[%add3A_119, %dma_start3A_138, %add3A, %dma_start3A_139, %dma_start3A_140] : memref<200x8x32x8x128xf32, #tpu.memory_space<hbm>> -> memref<1x8x1x8x128xf32, #tpu.memory_space<hbm>>
      %dma_start3A_142 = tpu.memref_squeeze %dma_start3A_141 : memref<1x8x1x8x128xf32, #tpu.memory_space<hbm>> -> memref<8x8x128xf32, #tpu.memory_space<hbm>>
      %dma_start3A_143 = arith.constant 0 : i32
      %dma_start3A_144 = arith.constant 0 : i32
      %dma_start3A_145 = arith.constant 0 : i32
      %dma_start3A_146 = tpu.memref_slice %arg5[%add3A_119, %dma_start3A_143, %add3A, %dma_start3A_144, %dma_start3A_145] : memref<200x8x32x8x128xf32, #tpu.memory_space<hbm>> -> memref<1x8x1x8x128xf32, #tpu.memory_space<hbm>>
      %dma_start3A_147 = tpu.memref_squeeze %dma_start3A_146 : memref<1x8x1x8x128xf32, #tpu.memory_space<hbm>> -> memref<8x8x128xf32, #tpu.memory_space<hbm>>
      tpu.enqueue_dma source(%arg13 : memref<8x8x128xf32, #tpu.memory_space<vmem>>) target(%dma_start3A_147 : memref<8x8x128xf32, #tpu.memory_space<hbm>>) target_semaphore(%arg19 : memref<!tpu.dma_semaphore, #tpu.memory_space<semaphore_mem>>)
      %add3A_148 = arith.constant 4 : i32
      %add3A_149 = arith.addi %add3A_119, %add3A_148 : i32
      %lt3A_150 = arith.constant 200 : i32
      %lt3A_151 = arith.cmpi slt, %add3A_149, %lt3A_150 : i32
      %convert_element_type3A_152 = arith.extui %lt3A_151 : i1 to i32
      %cond3A_153 = arith.constant 0 : i32
      %cond3A_154 = arith.cmpi ne, %convert_element_type3A_152, %cond3A_153 : i32
      scf.if %cond3A_154 {
        %dma_start3A_233 = arith.constant 0 : i32
        %dma_start3A_234 = tpu.memref_slice %arg7[%add3A_149, %dma_start3A_233] : memref<200x128xi32, #tpu.memory_space<vmem>> -> memref<1x128xi32, #tpu.memory_space<vmem>>
        %dma_start3A_235 = tpu.memref_squeeze %dma_start3A_234 : memref<1x128xi32, #tpu.memory_space<vmem>> -> memref<128xi32, #tpu.memory_space<vmem>>
        %dma_start3A_236 = arith.constant 0 : i32
        %dma_start3A_237 = arith.constant 0 : i32
        %dma_start3A_238 = tpu.memref_slice %arg2[%dma_start3A_236, %dma_start3A_237] : memref<1000000x64xf32, #tpu.memory_space<hbm>> -> memref<1000000x64xf32, #tpu.memory_space<hbm>>
        tpu.enqueue_indirect_dma source(%dma_start3A_238 : memref<1000000x64xf32, #tpu.memory_space<hbm>>) target(%arg9 : memref<128x64xf32, #tpu.memory_space<vmem>>) offsets(%dma_start3A_235 : memref<128xi32, #tpu.memory_space<vmem>>) semaphore(%arg15 : memref<!tpu.dma_semaphore, #tpu.memory_space<semaphore_mem>>)
      } else {
      }
      %mul3A_155 = arith.constant 4 : i32
      %mul3A_156 = arith.muli %scan3A_80, %mul3A_155 : i32
      %add3A_157 = arith.constant 2 : i32
      %add3A_158 = arith.addi %mul3A_156, %add3A_157 : i32
      %dma_wait3A_159 = arith.constant 0 : i32
      %dma_wait3A_160 = arith.constant 0 : i32
      %dma_wait3A_161 = tpu.memref_slice %arg7[%dma_wait3A_159, %dma_wait3A_160] : memref<200x128xi32, #tpu.memory_space<vmem>> -> memref<1x128xi32, #tpu.memory_space<vmem>>
      %dma_wait3A_162 = tpu.memref_squeeze %dma_wait3A_161 : memref<1x128xi32, #tpu.memory_space<vmem>> -> memref<128xi32, #tpu.memory_space<vmem>>
      %dma_wait3A_163 = arith.constant 0 : i32
      %dma_wait3A_164 = arith.constant 0 : i32
      %dma_wait3A_165 = tpu.memref_slice %arg2[%dma_wait3A_163, %dma_wait3A_164] : memref<1000000x64xf32, #tpu.memory_space<hbm>> -> memref<1000000x64xf32, #tpu.memory_space<hbm>>
      tpu.wait_indirect_dma semaphore(%arg16 : memref<!tpu.dma_semaphore, #tpu.memory_space<semaphore_mem>>) src(%dma_wait3A_165 : memref<1000000x64xf32, #tpu.memory_space<hbm>>) dst(%arg10 : memref<128x64xf32, #tpu.memory_space<vmem>>)
      %ge3A_166 = arith.constant 2 : i32
      %ge3A_167 = arith.cmpi sge, %add3A_158, %ge3A_166 : i32
      %convert_element_type3A_168 = arith.extui %ge3A_167 : i1 to i32
      %cond3A_169 = arith.constant 0 : i32
      %cond3A_170 = arith.cmpi ne, %convert_element_type3A_168, %cond3A_169 : i32
      scf.if %cond3A_170 {
        %dma_wait3A_233 = arith.constant 0 : i32
        %dma_wait3A_234 = arith.constant 0 : i32
        %dma_wait3A_235 = arith.constant 0 : i32
        %dma_wait3A_236 = arith.constant 0 : i32
        %dma_wait3A_237 = tpu.memref_slice %arg5[%dma_wait3A_233, %dma_wait3A_234, %add3A, %dma_wait3A_235, %dma_wait3A_236] : memref<200x8x32x8x128xf32, #tpu.memory_space<hbm>> -> memref<1x8x1x8x128xf32, #tpu.memory_space<hbm>>
        %dma_wait3A_238 = tpu.memref_squeeze %dma_wait3A_237 : memref<1x8x1x8x128xf32, #tpu.memory_space<hbm>> -> memref<8x8x128xf32, #tpu.memory_space<hbm>>
        %dma_wait3A_239 = arith.constant 0 : i32
        %dma_wait3A_240 = arith.constant 0 : i32
        %dma_wait3A_241 = arith.constant 0 : i32
        %dma_wait3A_242 = tpu.memref_slice %arg5[%dma_wait3A_233, %dma_wait3A_239, %add3A, %dma_wait3A_240, %dma_wait3A_241] : memref<200x8x32x8x128xf32, #tpu.memory_space<hbm>> -> memref<1x8x1x8x128xf32, #tpu.memory_space<hbm>>
        %dma_wait3A_243 = tpu.memref_squeeze %dma_wait3A_242 : memref<1x8x1x8x128xf32, #tpu.memory_space<hbm>> -> memref<8x8x128xf32, #tpu.memory_space<hbm>>
        tpu.wait_dma2 semaphore(%arg18 : memref<!tpu.dma_semaphore, #tpu.memory_space<semaphore_mem>>) src(%arg12 : memref<8x8x128xf32, #tpu.memory_space<vmem>>) dst(%dma_wait3A_243 : memref<8x8x128xf32, #tpu.memory_space<hbm>>)
      } else {
      }
      %scan3A_171 = arith.constant 0 : i32
      %scan3A_172 = arith.constant 0 : i32
      %scan3A_173 = arith.constant 16 : i32
      %scan3A_174 = arith.addi %scan3A_172, %scan3A_173 : i32
      %scan3A_175 = arith.constant 1 : i32
      scf.for %scan3A_233 = %scan3A_172 to %scan3A_174 step %scan3A_175  : i32 {
        %add3A_234 = vector.broadcast %scan3A_233 : i32 to vector<16xi32>
        %add3A_235 = arith.addi %iota3A, %add3A_234 : vector<16xi32>
        %and3A = arith.constant 15 : i32
        %and3A_236 = vector.broadcast %and3A : i32 to vector<16xi32>
        %and3A_237 = arith.andi %add3A_235, %and3A_236 : vector<16xi32>
        %add3A_238 = arith.constant 0 : i32
        %add3A_239 = vector.broadcast %add3A_238 : i32 to vector<16xi32>
        %add3A_240 = arith.addi %and3A_237, %add3A_239 : vector<16xi32>
        %shift_right_logical3A = arith.constant 3 : i32
        %shift_right_logical3A_241 = vector.broadcast %shift_right_logical3A : i32 to vector<16xi32>
        %shift_right_logical3A_242 = arith.shrui %add3A_240, %shift_right_logical3A_241 : vector<16xi32>
        %and3A_243 = arith.constant 7 : i32
        %and3A_244 = vector.broadcast %and3A_243 : i32 to vector<16xi32>
        %and3A_245 = arith.andi %add3A_240, %and3A_244 : vector<16xi32>
        %mul3A_246 = arith.constant 64 : i32
        %mul3A_247 = arith.muli %add3A_158, %mul3A_246 : i32
        %add3A_248 = vector.broadcast %mul3A_247 : i32 to vector<16xi32>
        %add3A_249 = arith.addi %add3A_240, %add3A_248 : vector<16xi32>
        %gather3A = tpu.vector_load_idx %arg6[%add3A_249] : memref<12800xf32, #tpu.memory_space<vmem>>[vector<16xi32>], vector<16xf32>,
        %gather3A_250 = tpu.vector_load_idx %arg10[%add3A_32, %add3A_240] : memref<128x64xf32, #tpu.memory_space<vmem>>[vector<16xi32>, vector<16xi32>], vector<16xf32>,
        %mul3A_251 = arith.constant 8.000000e+00 : f32
        %mul3A_252 = vector.broadcast %mul3A_251 : f32 to vector<16xf32>
        %mul3A_253 = arith.mulf %gather3A_250, %mul3A_252 : vector<16xf32>
        %add3A_254 = arith.addf %mul3A_253, %gather3A : vector<16xf32>
        tpu.vector_store_idx %arg12[%shift_right_logical3A_242, %and3A_245, %add3A_32], %add3A_254 : memref<8x8x128xf32, #tpu.memory_space<vmem>>[vector<16xi32>, vector<16xi32>, vector<16xi32>], vector<16xf32>,
        %gather3A_255 = tpu.vector_load_idx %arg10[%add3A_35, %add3A_240] : memref<128x64xf32, #tpu.memory_space<vmem>>[vector<16xi32>, vector<16xi32>], vector<16xf32>,
        %mul3A_256 = arith.constant 8.000000e+00 : f32
        %mul3A_257 = vector.broadcast %mul3A_256 : f32 to vector<16xf32>
        %mul3A_258 = arith.mulf %gather3A_255, %mul3A_257 : vector<16xf32>
        %add3A_259 = arith.addf %mul3A_258, %gather3A : vector<16xf32>
        tpu.vector_store_idx %arg12[%shift_right_logical3A_242, %and3A_245, %add3A_35], %add3A_259 : memref<8x8x128xf32, #tpu.memory_space<vmem>>[vector<16xi32>, vector<16xi32>, vector<16xi32>], vector<16xf32>,
        %gather3A_260 = tpu.vector_load_idx %arg10[%add3A_38, %add3A_240] : memref<128x64xf32, #tpu.memory_space<vmem>>[vector<16xi32>, vector<16xi32>], vector<16xf32>,
        %mul3A_261 = arith.constant 8.000000e+00 : f32
        %mul3A_262 = vector.broadcast %mul3A_261 : f32 to vector<16xf32>
        %mul3A_263 = arith.mulf %gather3A_260, %mul3A_262 : vector<16xf32>
        %add3A_264 = arith.addf %mul3A_263, %gather3A : vector<16xf32>
        tpu.vector_store_idx %arg12[%shift_right_logical3A_242, %and3A_245, %add3A_38], %add3A_264 : memref<8x8x128xf32, #tpu.memory_space<vmem>>[vector<16xi32>, vector<16xi32>, vector<16xi32>], vector<16xf32>,
        %gather3A_265 = tpu.vector_load_idx %arg10[%add3A_41, %add3A_240] : memref<128x64xf32, #tpu.memory_space<vmem>>[vector<16xi32>, vector<16xi32>], vector<16xf32>,
        %mul3A_266 = arith.constant 8.000000e+00 : f32
        %mul3A_267 = vector.broadcast %mul3A_266 : f32 to vector<16xf32>
        %mul3A_268 = arith.mulf %gather3A_265, %mul3A_267 : vector<16xf32>
        %add3A_269 = arith.addf %mul3A_268, %gather3A : vector<16xf32>
        tpu.vector_store_idx %arg12[%shift_right_logical3A_242, %and3A_245, %add3A_41], %add3A_269 : memref<8x8x128xf32, #tpu.memory_space<vmem>>[vector<16xi32>, vector<16xi32>, vector<16xi32>], vector<16xf32>,
        %gather3A_270 = tpu.vector_load_idx %arg10[%add3A_44, %add3A_240] : memref<128x64xf32, #tpu.memory_space<vmem>>[vector<16xi32>, vector<16xi32>], vector<16xf32>,
        %mul3A_271 = arith.constant 8.000000e+00 : f32
        %mul3A_272 = vector.broadcast %mul3A_271 : f32 to vector<16xf32>
        %mul3A_273 = arith.mulf %gather3A_270, %mul3A_272 : vector<16xf32>
        %add3A_274 = arith.addf %mul3A_273, %gather3A : vector<16xf32>
        tpu.vector_store_idx %arg12[%shift_right_logical3A_242, %and3A_245, %add3A_44], %add3A_274 : memref<8x8x128xf32, #tpu.memory_space<vmem>>[vector<16xi32>, vector<16xi32>, vector<16xi32>], vector<16xf32>,
        %gather3A_275 = tpu.vector_load_idx %arg10[%add3A_47, %add3A_240] : memref<128x64xf32, #tpu.memory_space<vmem>>[vector<16xi32>, vector<16xi32>], vector<16xf32>,
        %mul3A_276 = arith.constant 8.000000e+00 : f32
        %mul3A_277 = vector.broadcast %mul3A_276 : f32 to vector<16xf32>
        %mul3A_278 = arith.mulf %gather3A_275, %mul3A_277 : vector<16xf32>
        %add3A_279 = arith.addf %mul3A_278, %gather3A : vector<16xf32>
        tpu.vector_store_idx %arg12[%shift_right_logical3A_242, %and3A_245, %add3A_47], %add3A_279 : memref<8x8x128xf32, #tpu.memory_space<vmem>>[vector<16xi32>, vector<16xi32>, vector<16xi32>], vector<16xf32>,
        %gather3A_280 = tpu.vector_load_idx %arg10[%add3A_50, %add3A_240] : memref<128x64xf32, #tpu.memory_space<vmem>>[vector<16xi32>, vector<16xi32>], vector<16xf32>,
        %mul3A_281 = arith.constant 8.000000e+00 : f32
        %mul3A_282 = vector.broadcast %mul3A_281 : f32 to vector<16xf32>
        %mul3A_283 = arith.mulf %gather3A_280, %mul3A_282 : vector<16xf32>
        %add3A_284 = arith.addf %mul3A_283, %gather3A : vector<16xf32>
        tpu.vector_store_idx %arg12[%shift_right_logical3A_242, %and3A_245, %add3A_50], %add3A_284 : memref<8x8x128xf32, #tpu.memory_space<vmem>>[vector<16xi32>, vector<16xi32>, vector<16xi32>], vector<16xf32>,
        %gather3A_285 = tpu.vector_load_idx %arg10[%add3A_53, %add3A_240] : memref<128x64xf32, #tpu.memory_space<vmem>>[vector<16xi32>, vector<16xi32>], vector<16xf32>,
        %mul3A_286 = arith.constant 8.000000e+00 : f32
        %mul3A_287 = vector.broadcast %mul3A_286 : f32 to vector<16xf32>
        %mul3A_288 = arith.mulf %gather3A_285, %mul3A_287 : vector<16xf32>
        %add3A_289 = arith.addf %mul3A_288, %gather3A : vector<16xf32>
        tpu.vector_store_idx %arg12[%shift_right_logical3A_242, %and3A_245, %add3A_53], %add3A_289 : memref<8x8x128xf32, #tpu.memory_space<vmem>>[vector<16xi32>, vector<16xi32>, vector<16xi32>], vector<16xf32>,
        %add3A_290 = arith.constant 16 : i32
        %add3A_291 = vector.broadcast %add3A_290 : i32 to vector<16xi32>
        %add3A_292 = arith.addi %and3A_237, %add3A_291 : vector<16xi32>
        %shift_right_logical3A_293 = arith.constant 3 : i32
        %shift_right_logical3A_294 = vector.broadcast %shift_right_logical3A_293 : i32 to vector<16xi32>
        %shift_right_logical3A_295 = arith.shrui %add3A_292, %shift_right_logical3A_294 : vector<16xi32>
        %and3A_296 = arith.constant 7 : i32
        %and3A_297 = vector.broadcast %and3A_296 : i32 to vector<16xi32>
        %and3A_298 = arith.andi %add3A_292, %and3A_297 : vector<16xi32>
        %mul3A_299 = arith.constant 64 : i32
        %mul3A_300 = arith.muli %add3A_158, %mul3A_299 : i32
        %add3A_301 = vector.broadcast %mul3A_300 : i32 to vector<16xi32>
        %add3A_302 = arith.addi %add3A_292, %add3A_301 : vector<16xi32>
        %gather3A_303 = tpu.vector_load_idx %arg6[%add3A_302] : memref<12800xf32, #tpu.memory_space<vmem>>[vector<16xi32>], vector<16xf32>,
        %gather3A_304 = tpu.vector_load_idx %arg10[%add3A_32, %add3A_292] : memref<128x64xf32, #tpu.memory_space<vmem>>[vector<16xi32>, vector<16xi32>], vector<16xf32>,
        %mul3A_305 = arith.constant 8.000000e+00 : f32
        %mul3A_306 = vector.broadcast %mul3A_305 : f32 to vector<16xf32>
        %mul3A_307 = arith.mulf %gather3A_304, %mul3A_306 : vector<16xf32>
        %add3A_308 = arith.addf %mul3A_307, %gather3A_303 : vector<16xf32>
        tpu.vector_store_idx %arg12[%shift_right_logical3A_295, %and3A_298, %add3A_32], %add3A_308 : memref<8x8x128xf32, #tpu.memory_space<vmem>>[vector<16xi32>, vector<16xi32>, vector<16xi32>], vector<16xf32>,
        %gather3A_309 = tpu.vector_load_idx %arg10[%add3A_35, %add3A_292] : memref<128x64xf32, #tpu.memory_space<vmem>>[vector<16xi32>, vector<16xi32>], vector<16xf32>,
        %mul3A_310 = arith.constant 8.000000e+00 : f32
        %mul3A_311 = vector.broadcast %mul3A_310 : f32 to vector<16xf32>
        %mul3A_312 = arith.mulf %gather3A_309, %mul3A_311 : vector<16xf32>
        %add3A_313 = arith.addf %mul3A_312, %gather3A_303 : vector<16xf32>
        tpu.vector_store_idx %arg12[%shift_right_logical3A_295, %and3A_298, %add3A_35], %add3A_313 : memref<8x8x128xf32, #tpu.memory_space<vmem>>[vector<16xi32>, vector<16xi32>, vector<16xi32>], vector<16xf32>,
        %gather3A_314 = tpu.vector_load_idx %arg10[%add3A_38, %add3A_292] : memref<128x64xf32, #tpu.memory_space<vmem>>[vector<16xi32>, vector<16xi32>], vector<16xf32>,
        %mul3A_315 = arith.constant 8.000000e+00 : f32
        %mul3A_316 = vector.broadcast %mul3A_315 : f32 to vector<16xf32>
        %mul3A_317 = arith.mulf %gather3A_314, %mul3A_316 : vector<16xf32>
        %add3A_318 = arith.addf %mul3A_317, %gather3A_303 : vector<16xf32>
        tpu.vector_store_idx %arg12[%shift_right_logical3A_295, %and3A_298, %add3A_38], %add3A_318 : memref<8x8x128xf32, #tpu.memory_space<vmem>>[vector<16xi32>, vector<16xi32>, vector<16xi32>], vector<16xf32>,
        %gather3A_319 = tpu.vector_load_idx %arg10[%add3A_41, %add3A_292] : memref<128x64xf32, #tpu.memory_space<vmem>>[vector<16xi32>, vector<16xi32>], vector<16xf32>,
        %mul3A_320 = arith.constant 8.000000e+00 : f32
        %mul3A_321 = vector.broadcast %mul3A_320 : f32 to vector<16xf32>
        %mul3A_322 = arith.mulf %gather3A_319, %mul3A_321 : vector<16xf32>
        %add3A_323 = arith.addf %mul3A_322, %gather3A_303 : vector<16xf32>
        tpu.vector_store_idx %arg12[%shift_right_logical3A_295, %and3A_298, %add3A_41], %add3A_323 : memref<8x8x128xf32, #tpu.memory_space<vmem>>[vector<16xi32>, vector<16xi32>, vector<16xi32>], vector<16xf32>,
        %gather3A_324 = tpu.vector_load_idx %arg10[%add3A_44, %add3A_292] : memref<128x64xf32, #tpu.memory_space<vmem>>[vector<16xi32>, vector<16xi32>], vector<16xf32>,
        %mul3A_325 = arith.constant 8.000000e+00 : f32
        %mul3A_326 = vector.broadcast %mul3A_325 : f32 to vector<16xf32>
        %mul3A_327 = arith.mulf %gather3A_324, %mul3A_326 : vector<16xf32>
        %add3A_328 = arith.addf %mul3A_327, %gather3A_303 : vector<16xf32>
        tpu.vector_store_idx %arg12[%shift_right_logical3A_295, %and3A_298, %add3A_44], %add3A_328 : memref<8x8x128xf32, #tpu.memory_space<vmem>>[vector<16xi32>, vector<16xi32>, vector<16xi32>], vector<16xf32>,
        %gather3A_329 = tpu.vector_load_idx %arg10[%add3A_47, %add3A_292] : memref<128x64xf32, #tpu.memory_space<vmem>>[vector<16xi32>, vector<16xi32>], vector<16xf32>,
        %mul3A_330 = arith.constant 8.000000e+00 : f32
        %mul3A_331 = vector.broadcast %mul3A_330 : f32 to vector<16xf32>
        %mul3A_332 = arith.mulf %gather3A_329, %mul3A_331 : vector<16xf32>
        %add3A_333 = arith.addf %mul3A_332, %gather3A_303 : vector<16xf32>
        tpu.vector_store_idx %arg12[%shift_right_logical3A_295, %and3A_298, %add3A_47], %add3A_333 : memref<8x8x128xf32, #tpu.memory_space<vmem>>[vector<16xi32>, vector<16xi32>, vector<16xi32>], vector<16xf32>,
        %gather3A_334 = tpu.vector_load_idx %arg10[%add3A_50, %add3A_292] : memref<128x64xf32, #tpu.memory_space<vmem>>[vector<16xi32>, vector<16xi32>], vector<16xf32>,
        %mul3A_335 = arith.constant 8.000000e+00 : f32
        %mul3A_336 = vector.broadcast %mul3A_335 : f32 to vector<16xf32>
        %mul3A_337 = arith.mulf %gather3A_334, %mul3A_336 : vector<16xf32>
        %add3A_338 = arith.addf %mul3A_337, %gather3A_303 : vector<16xf32>
        tpu.vector_store_idx %arg12[%shift_right_logical3A_295, %and3A_298, %add3A_50], %add3A_338 : memref<8x8x128xf32, #tpu.memory_space<vmem>>[vector<16xi32>, vector<16xi32>, vector<16xi32>], vector<16xf32>,
        %gather3A_339 = tpu.vector_load_idx %arg10[%add3A_53, %add3A_292] : memref<128x64xf32, #tpu.memory_space<vmem>>[vector<16xi32>, vector<16xi32>], vector<16xf32>,
        %mul3A_340 = arith.constant 8.000000e+00 : f32
        %mul3A_341 = vector.broadcast %mul3A_340 : f32 to vector<16xf32>
        %mul3A_342 = arith.mulf %gather3A_339, %mul3A_341 : vector<16xf32>
        %add3A_343 = arith.addf %mul3A_342, %gather3A_303 : vector<16xf32>
        tpu.vector_store_idx %arg12[%shift_right_logical3A_295, %and3A_298, %add3A_53], %add3A_343 : memref<8x8x128xf32, #tpu.memory_space<vmem>>[vector<16xi32>, vector<16xi32>, vector<16xi32>], vector<16xf32>,
        %add3A_344 = arith.constant 32 : i32
        %add3A_345 = vector.broadcast %add3A_344 : i32 to vector<16xi32>
        %add3A_346 = arith.addi %and3A_237, %add3A_345 : vector<16xi32>
        %shift_right_logical3A_347 = arith.constant 3 : i32
        %shift_right_logical3A_348 = vector.broadcast %shift_right_logical3A_347 : i32 to vector<16xi32>
        %shift_right_logical3A_349 = arith.shrui %add3A_346, %shift_right_logical3A_348 : vector<16xi32>
        %and3A_350 = arith.constant 7 : i32
        %and3A_351 = vector.broadcast %and3A_350 : i32 to vector<16xi32>
        %and3A_352 = arith.andi %add3A_346, %and3A_351 : vector<16xi32>
        %mul3A_353 = arith.constant 64 : i32
        %mul3A_354 = arith.muli %add3A_158, %mul3A_353 : i32
        %add3A_355 = vector.broadcast %mul3A_354 : i32 to vector<16xi32>
        %add3A_356 = arith.addi %add3A_346, %add3A_355 : vector<16xi32>
        %gather3A_357 = tpu.vector_load_idx %arg6[%add3A_356] : memref<12800xf32, #tpu.memory_space<vmem>>[vector<16xi32>], vector<16xf32>,
        %gather3A_358 = tpu.vector_load_idx %arg10[%add3A_32, %add3A_346] : memref<128x64xf32, #tpu.memory_space<vmem>>[vector<16xi32>, vector<16xi32>], vector<16xf32>,
        %mul3A_359 = arith.constant 8.000000e+00 : f32
        %mul3A_360 = vector.broadcast %mul3A_359 : f32 to vector<16xf32>
        %mul3A_361 = arith.mulf %gather3A_358, %mul3A_360 : vector<16xf32>
        %add3A_362 = arith.addf %mul3A_361, %gather3A_357 : vector<16xf32>
        tpu.vector_store_idx %arg12[%shift_right_logical3A_349, %and3A_352, %add3A_32], %add3A_362 : memref<8x8x128xf32, #tpu.memory_space<vmem>>[vector<16xi32>, vector<16xi32>, vector<16xi32>], vector<16xf32>,
        %gather3A_363 = tpu.vector_load_idx %arg10[%add3A_35, %add3A_346] : memref<128x64xf32, #tpu.memory_space<vmem>>[vector<16xi32>, vector<16xi32>], vector<16xf32>,
        %mul3A_364 = arith.constant 8.000000e+00 : f32
        %mul3A_365 = vector.broadcast %mul3A_364 : f32 to vector<16xf32>
        %mul3A_366 = arith.mulf %gather3A_363, %mul3A_365 : vector<16xf32>
        %add3A_367 = arith.addf %mul3A_366, %gather3A_357 : vector<16xf32>
        tpu.vector_store_idx %arg12[%shift_right_logical3A_349, %and3A_352, %add3A_35], %add3A_367 : memref<8x8x128xf32, #tpu.memory_space<vmem>>[vector<16xi32>, vector<16xi32>, vector<16xi32>], vector<16xf32>,
        %gather3A_368 = tpu.vector_load_idx %arg10[%add3A_38, %add3A_346] : memref<128x64xf32, #tpu.memory_space<vmem>>[vector<16xi32>, vector<16xi32>], vector<16xf32>,
        %mul3A_369 = arith.constant 8.000000e+00 : f32
        %mul3A_370 = vector.broadcast %mul3A_369 : f32 to vector<16xf32>
        %mul3A_371 = arith.mulf %gather3A_368, %mul3A_370 : vector<16xf32>
        %add3A_372 = arith.addf %mul3A_371, %gather3A_357 : vector<16xf32>
        tpu.vector_store_idx %arg12[%shift_right_logical3A_349, %and3A_352, %add3A_38], %add3A_372 : memref<8x8x128xf32, #tpu.memory_space<vmem>>[vector<16xi32>, vector<16xi32>, vector<16xi32>], vector<16xf32>,
        %gather3A_373 = tpu.vector_load_idx %arg10[%add3A_41, %add3A_346] : memref<128x64xf32, #tpu.memory_space<vmem>>[vector<16xi32>, vector<16xi32>], vector<16xf32>,
        %mul3A_374 = arith.constant 8.000000e+00 : f32
        %mul3A_375 = vector.broadcast %mul3A_374 : f32 to vector<16xf32>
        %mul3A_376 = arith.mulf %gather3A_373, %mul3A_375 : vector<16xf32>
        %add3A_377 = arith.addf %mul3A_376, %gather3A_357 : vector<16xf32>
        tpu.vector_store_idx %arg12[%shift_right_logical3A_349, %and3A_352, %add3A_41], %add3A_377 : memref<8x8x128xf32, #tpu.memory_space<vmem>>[vector<16xi32>, vector<16xi32>, vector<16xi32>], vector<16xf32>,
        %gather3A_378 = tpu.vector_load_idx %arg10[%add3A_44, %add3A_346] : memref<128x64xf32, #tpu.memory_space<vmem>>[vector<16xi32>, vector<16xi32>], vector<16xf32>,
        %mul3A_379 = arith.constant 8.000000e+00 : f32
        %mul3A_380 = vector.broadcast %mul3A_379 : f32 to vector<16xf32>
        %mul3A_381 = arith.mulf %gather3A_378, %mul3A_380 : vector<16xf32>
        %add3A_382 = arith.addf %mul3A_381, %gather3A_357 : vector<16xf32>
        tpu.vector_store_idx %arg12[%shift_right_logical3A_349, %and3A_352, %add3A_44], %add3A_382 : memref<8x8x128xf32, #tpu.memory_space<vmem>>[vector<16xi32>, vector<16xi32>, vector<16xi32>], vector<16xf32>,
        %gather3A_383 = tpu.vector_load_idx %arg10[%add3A_47, %add3A_346] : memref<128x64xf32, #tpu.memory_space<vmem>>[vector<16xi32>, vector<16xi32>], vector<16xf32>,
        %mul3A_384 = arith.constant 8.000000e+00 : f32
        %mul3A_385 = vector.broadcast %mul3A_384 : f32 to vector<16xf32>
        %mul3A_386 = arith.mulf %gather3A_383, %mul3A_385 : vector<16xf32>
        %add3A_387 = arith.addf %mul3A_386, %gather3A_357 : vector<16xf32>
        tpu.vector_store_idx %arg12[%shift_right_logical3A_349, %and3A_352, %add3A_47], %add3A_387 : memref<8x8x128xf32, #tpu.memory_space<vmem>>[vector<16xi32>, vector<16xi32>, vector<16xi32>], vector<16xf32>,
        %gather3A_388 = tpu.vector_load_idx %arg10[%add3A_50, %add3A_346] : memref<128x64xf32, #tpu.memory_space<vmem>>[vector<16xi32>, vector<16xi32>], vector<16xf32>,
        %mul3A_389 = arith.constant 8.000000e+00 : f32
        %mul3A_390 = vector.broadcast %mul3A_389 : f32 to vector<16xf32>
        %mul3A_391 = arith.mulf %gather3A_388, %mul3A_390 : vector<16xf32>
        %add3A_392 = arith.addf %mul3A_391, %gather3A_357 : vector<16xf32>
        tpu.vector_store_idx %arg12[%shift_right_logical3A_349, %and3A_352, %add3A_50], %add3A_392 : memref<8x8x128xf32, #tpu.memory_space<vmem>>[vector<16xi32>, vector<16xi32>, vector<16xi32>], vector<16xf32>,
        %gather3A_393 = tpu.vector_load_idx %arg10[%add3A_53, %add3A_346] : memref<128x64xf32, #tpu.memory_space<vmem>>[vector<16xi32>, vector<16xi32>], vector<16xf32>,
        %mul3A_394 = arith.constant 8.000000e+00 : f32
        %mul3A_395 = vector.broadcast %mul3A_394 : f32 to vector<16xf32>
        %mul3A_396 = arith.mulf %gather3A_393, %mul3A_395 : vector<16xf32>
        %add3A_397 = arith.addf %mul3A_396, %gather3A_357 : vector<16xf32>
        tpu.vector_store_idx %arg12[%shift_right_logical3A_349, %and3A_352, %add3A_53], %add3A_397 : memref<8x8x128xf32, #tpu.memory_space<vmem>>[vector<16xi32>, vector<16xi32>, vector<16xi32>], vector<16xf32>,
        %add3A_398 = arith.constant 48 : i32
        %add3A_399 = vector.broadcast %add3A_398 : i32 to vector<16xi32>
        %add3A_400 = arith.addi %and3A_237, %add3A_399 : vector<16xi32>
        %shift_right_logical3A_401 = arith.constant 3 : i32
        %shift_right_logical3A_402 = vector.broadcast %shift_right_logical3A_401 : i32 to vector<16xi32>
        %shift_right_logical3A_403 = arith.shrui %add3A_400, %shift_right_logical3A_402 : vector<16xi32>
        %and3A_404 = arith.constant 7 : i32
        %and3A_405 = vector.broadcast %and3A_404 : i32 to vector<16xi32>
        %and3A_406 = arith.andi %add3A_400, %and3A_405 : vector<16xi32>
        %mul3A_407 = arith.constant 64 : i32
        %mul3A_408 = arith.muli %add3A_158, %mul3A_407 : i32
        %add3A_409 = vector.broadcast %mul3A_408 : i32 to vector<16xi32>
        %add3A_410 = arith.addi %add3A_400, %add3A_409 : vector<16xi32>
        %gather3A_411 = tpu.vector_load_idx %arg6[%add3A_410] : memref<12800xf32, #tpu.memory_space<vmem>>[vector<16xi32>], vector<16xf32>,
        %gather3A_412 = tpu.vector_load_idx %arg10[%add3A_32, %add3A_400] : memref<128x64xf32, #tpu.memory_space<vmem>>[vector<16xi32>, vector<16xi32>], vector<16xf32>,
        %mul3A_413 = arith.constant 8.000000e+00 : f32
        %mul3A_414 = vector.broadcast %mul3A_413 : f32 to vector<16xf32>
        %mul3A_415 = arith.mulf %gather3A_412, %mul3A_414 : vector<16xf32>
        %add3A_416 = arith.addf %mul3A_415, %gather3A_411 : vector<16xf32>
        tpu.vector_store_idx %arg12[%shift_right_logical3A_403, %and3A_406, %add3A_32], %add3A_416 : memref<8x8x128xf32, #tpu.memory_space<vmem>>[vector<16xi32>, vector<16xi32>, vector<16xi32>], vector<16xf32>,
        %gather3A_417 = tpu.vector_load_idx %arg10[%add3A_35, %add3A_400] : memref<128x64xf32, #tpu.memory_space<vmem>>[vector<16xi32>, vector<16xi32>], vector<16xf32>,
        %mul3A_418 = arith.constant 8.000000e+00 : f32
        %mul3A_419 = vector.broadcast %mul3A_418 : f32 to vector<16xf32>
        %mul3A_420 = arith.mulf %gather3A_417, %mul3A_419 : vector<16xf32>
        %add3A_421 = arith.addf %mul3A_420, %gather3A_411 : vector<16xf32>
        tpu.vector_store_idx %arg12[%shift_right_logical3A_403, %and3A_406, %add3A_35], %add3A_421 : memref<8x8x128xf32, #tpu.memory_space<vmem>>[vector<16xi32>, vector<16xi32>, vector<16xi32>], vector<16xf32>,
        %gather3A_422 = tpu.vector_load_idx %arg10[%add3A_38, %add3A_400] : memref<128x64xf32, #tpu.memory_space<vmem>>[vector<16xi32>, vector<16xi32>], vector<16xf32>,
        %mul3A_423 = arith.constant 8.000000e+00 : f32
        %mul3A_424 = vector.broadcast %mul3A_423 : f32 to vector<16xf32>
        %mul3A_425 = arith.mulf %gather3A_422, %mul3A_424 : vector<16xf32>
        %add3A_426 = arith.addf %mul3A_425, %gather3A_411 : vector<16xf32>
        tpu.vector_store_idx %arg12[%shift_right_logical3A_403, %and3A_406, %add3A_38], %add3A_426 : memref<8x8x128xf32, #tpu.memory_space<vmem>>[vector<16xi32>, vector<16xi32>, vector<16xi32>], vector<16xf32>,
        %gather3A_427 = tpu.vector_load_idx %arg10[%add3A_41, %add3A_400] : memref<128x64xf32, #tpu.memory_space<vmem>>[vector<16xi32>, vector<16xi32>], vector<16xf32>,
        %mul3A_428 = arith.constant 8.000000e+00 : f32
        %mul3A_429 = vector.broadcast %mul3A_428 : f32 to vector<16xf32>
        %mul3A_430 = arith.mulf %gather3A_427, %mul3A_429 : vector<16xf32>
        %add3A_431 = arith.addf %mul3A_430, %gather3A_411 : vector<16xf32>
        tpu.vector_store_idx %arg12[%shift_right_logical3A_403, %and3A_406, %add3A_41], %add3A_431 : memref<8x8x128xf32, #tpu.memory_space<vmem>>[vector<16xi32>, vector<16xi32>, vector<16xi32>], vector<16xf32>,
        %gather3A_432 = tpu.vector_load_idx %arg10[%add3A_44, %add3A_400] : memref<128x64xf32, #tpu.memory_space<vmem>>[vector<16xi32>, vector<16xi32>], vector<16xf32>,
        %mul3A_433 = arith.constant 8.000000e+00 : f32
        %mul3A_434 = vector.broadcast %mul3A_433 : f32 to vector<16xf32>
        %mul3A_435 = arith.mulf %gather3A_432, %mul3A_434 : vector<16xf32>
        %add3A_436 = arith.addf %mul3A_435, %gather3A_411 : vector<16xf32>
        tpu.vector_store_idx %arg12[%shift_right_logical3A_403, %and3A_406, %add3A_44], %add3A_436 : memref<8x8x128xf32, #tpu.memory_space<vmem>>[vector<16xi32>, vector<16xi32>, vector<16xi32>], vector<16xf32>,
        %gather3A_437 = tpu.vector_load_idx %arg10[%add3A_47, %add3A_400] : memref<128x64xf32, #tpu.memory_space<vmem>>[vector<16xi32>, vector<16xi32>], vector<16xf32>,
        %mul3A_438 = arith.constant 8.000000e+00 : f32
        %mul3A_439 = vector.broadcast %mul3A_438 : f32 to vector<16xf32>
        %mul3A_440 = arith.mulf %gather3A_437, %mul3A_439 : vector<16xf32>
        %add3A_441 = arith.addf %mul3A_440, %gather3A_411 : vector<16xf32>
        tpu.vector_store_idx %arg12[%shift_right_logical3A_403, %and3A_406, %add3A_47], %add3A_441 : memref<8x8x128xf32, #tpu.memory_space<vmem>>[vector<16xi32>, vector<16xi32>, vector<16xi32>], vector<16xf32>,
        %gather3A_442 = tpu.vector_load_idx %arg10[%add3A_50, %add3A_400] : memref<128x64xf32, #tpu.memory_space<vmem>>[vector<16xi32>, vector<16xi32>], vector<16xf32>,
        %mul3A_443 = arith.constant 8.000000e+00 : f32
        %mul3A_444 = vector.broadcast %mul3A_443 : f32 to vector<16xf32>
        %mul3A_445 = arith.mulf %gather3A_442, %mul3A_444 : vector<16xf32>
        %add3A_446 = arith.addf %mul3A_445, %gather3A_411 : vector<16xf32>
        tpu.vector_store_idx %arg12[%shift_right_logical3A_403, %and3A_406, %add3A_50], %add3A_446 : memref<8x8x128xf32, #tpu.memory_space<vmem>>[vector<16xi32>, vector<16xi32>, vector<16xi32>], vector<16xf32>,
        %gather3A_447 = tpu.vector_load_idx %arg10[%add3A_53, %add3A_400] : memref<128x64xf32, #tpu.memory_space<vmem>>[vector<16xi32>, vector<16xi32>], vector<16xf32>,
        %mul3A_448 = arith.constant 8.000000e+00 : f32
        %mul3A_449 = vector.broadcast %mul3A_448 : f32 to vector<16xf32>
        %mul3A_450 = arith.mulf %gather3A_447, %mul3A_449 : vector<16xf32>
        %add3A_451 = arith.addf %mul3A_450, %gather3A_411 : vector<16xf32>
        tpu.vector_store_idx %arg12[%shift_right_logical3A_403, %and3A_406, %add3A_53], %add3A_451 : memref<8x8x128xf32, #tpu.memory_space<vmem>>[vector<16xi32>, vector<16xi32>, vector<16xi32>], vector<16xf32>,
      }
      %scan3A_176 = arith.constant 16 : i32
      %dma_start3A_177 = arith.constant 0 : i32
      %dma_start3A_178 = arith.constant 0 : i32
      %dma_start3A_179 = arith.constant 0 : i32
      %dma_start3A_180 = tpu.memref_slice %arg5[%add3A_158, %dma_start3A_177, %add3A, %dma_start3A_178, %dma_start3A_179] : memref<200x8x32x8x128xf32, #tpu.memory_space<hbm>> -> memref<1x8x1x8x128xf32, #tpu.memory_space<hbm>>
      %dma_start3A_181 = tpu.memref_squeeze %dma_start3A_180 : memref<1x8x1x8x128xf32, #tpu.memory_space<hbm>> -> memref<8x8x128xf32, #tpu.memory_space<hbm>>
      %dma_start3A_182 = arith.constant 0 : i32
      %dma_start3A_183 = arith.constant 0 : i32
      %dma_start3A_184 = arith.constant 0 : i32
      %dma_start3A_185 = tpu.memref_slice %arg5[%add3A_158, %dma_start3A_182, %add3A, %dma_start3A_183, %dma_start3A_184] : memref<200x8x32x8x128xf32, #tpu.memory_space<hbm>> -> memref<1x8x1x8x128xf32, #tpu.memory_space<hbm>>
      %dma_start3A_186 = tpu.memref_squeeze %dma_start3A_185 : memref<1x8x1x8x128xf32, #tpu.memory_space<hbm>> -> memref<8x8x128xf32, #tpu.memory_space<hbm>>
      tpu.enqueue_dma source(%arg12 : memref<8x8x128xf32, #tpu.memory_space<vmem>>) target(%dma_start3A_186 : memref<8x8x128xf32, #tpu.memory_space<hbm>>) target_semaphore(%arg18 : memref<!tpu.dma_semaphore, #tpu.memory_space<semaphore_mem>>)
      %add3A_187 = arith.constant 4 : i32
      %add3A_188 = arith.addi %add3A_158, %add3A_187 : i32
      %lt3A_189 = arith.constant 200 : i32
      %lt3A_190 = arith.cmpi slt, %add3A_188, %lt3A_189 : i32
      %convert_element_type3A_191 = arith.extui %lt3A_190 : i1 to i32
      %cond3A_192 = arith.constant 0 : i32
      %cond3A_193 = arith.cmpi ne, %convert_element_type3A_191, %cond3A_192 : i32
      scf.if %cond3A_193 {
        %dma_start3A_233 = arith.constant 0 : i32
        %dma_start3A_234 = tpu.memref_slice %arg7[%add3A_188, %dma_start3A_233] : memref<200x128xi32, #tpu.memory_space<vmem>> -> memref<1x128xi32, #tpu.memory_space<vmem>>
        %dma_start3A_235 = tpu.memref_squeeze %dma_start3A_234 : memref<1x128xi32, #tpu.memory_space<vmem>> -> memref<128xi32, #tpu.memory_space<vmem>>
        %dma_start3A_236 = arith.constant 0 : i32
        %dma_start3A_237 = arith.constant 0 : i32
        %dma_start3A_238 = tpu.memref_slice %arg2[%dma_start3A_236, %dma_start3A_237] : memref<1000000x64xf32, #tpu.memory_space<hbm>> -> memref<1000000x64xf32, #tpu.memory_space<hbm>>
        tpu.enqueue_indirect_dma source(%dma_start3A_238 : memref<1000000x64xf32, #tpu.memory_space<hbm>>) target(%arg10 : memref<128x64xf32, #tpu.memory_space<vmem>>) offsets(%dma_start3A_235 : memref<128xi32, #tpu.memory_space<vmem>>) semaphore(%arg16 : memref<!tpu.dma_semaphore, #tpu.memory_space<semaphore_mem>>)
      } else {
      }
      %mul3A_194 = arith.constant 4 : i32
      %mul3A_195 = arith.muli %scan3A_80, %mul3A_194 : i32
      %add3A_196 = arith.constant 3 : i32
      %add3A_197 = arith.addi %mul3A_195, %add3A_196 : i32
      %dma_wait3A_198 = arith.constant 0 : i32
      %dma_wait3A_199 = arith.constant 0 : i32
      %dma_wait3A_200 = tpu.memref_slice %arg7[%dma_wait3A_198, %dma_wait3A_199] : memref<200x128xi32, #tpu.memory_space<vmem>> -> memref<1x128xi32, #tpu.memory_space<vmem>>
      %dma_wait3A_201 = tpu.memref_squeeze %dma_wait3A_200 : memref<1x128xi32, #tpu.memory_space<vmem>> -> memref<128xi32, #tpu.memory_space<vmem>>
      %dma_wait3A_202 = arith.constant 0 : i32
      %dma_wait3A_203 = arith.constant 0 : i32
      %dma_wait3A_204 = tpu.memref_slice %arg2[%dma_wait3A_202, %dma_wait3A_203] : memref<1000000x64xf32, #tpu.memory_space<hbm>> -> memref<1000000x64xf32, #tpu.memory_space<hbm>>
      tpu.wait_indirect_dma semaphore(%arg17 : memref<!tpu.dma_semaphore, #tpu.memory_space<semaphore_mem>>) src(%dma_wait3A_204 : memref<1000000x64xf32, #tpu.memory_space<hbm>>) dst(%arg11 : memref<128x64xf32, #tpu.memory_space<vmem>>)
      %ge3A_205 = arith.constant 2 : i32
      %ge3A_206 = arith.cmpi sge, %add3A_197, %ge3A_205 : i32
      %convert_element_type3A_207 = arith.extui %ge3A_206 : i1 to i32
      %cond3A_208 = arith.constant 0 : i32
      %cond3A_209 = arith.cmpi ne, %convert_element_type3A_207, %cond3A_208 : i32
      scf.if %cond3A_209 {
        %dma_wait3A_233 = arith.constant 0 : i32
        %dma_wait3A_234 = arith.constant 0 : i32
        %dma_wait3A_235 = arith.constant 0 : i32
        %dma_wait3A_236 = arith.constant 0 : i32
        %dma_wait3A_237 = tpu.memref_slice %arg5[%dma_wait3A_233, %dma_wait3A_234, %add3A, %dma_wait3A_235, %dma_wait3A_236] : memref<200x8x32x8x128xf32, #tpu.memory_space<hbm>> -> memref<1x8x1x8x128xf32, #tpu.memory_space<hbm>>
        %dma_wait3A_238 = tpu.memref_squeeze %dma_wait3A_237 : memref<1x8x1x8x128xf32, #tpu.memory_space<hbm>> -> memref<8x8x128xf32, #tpu.memory_space<hbm>>
        %dma_wait3A_239 = arith.constant 0 : i32
        %dma_wait3A_240 = arith.constant 0 : i32
        %dma_wait3A_241 = arith.constant 0 : i32
        %dma_wait3A_242 = tpu.memref_slice %arg5[%dma_wait3A_233, %dma_wait3A_239, %add3A, %dma_wait3A_240, %dma_wait3A_241] : memref<200x8x32x8x128xf32, #tpu.memory_space<hbm>> -> memref<1x8x1x8x128xf32, #tpu.memory_space<hbm>>
        %dma_wait3A_243 = tpu.memref_squeeze %dma_wait3A_242 : memref<1x8x1x8x128xf32, #tpu.memory_space<hbm>> -> memref<8x8x128xf32, #tpu.memory_space<hbm>>
        tpu.wait_dma2 semaphore(%arg19 : memref<!tpu.dma_semaphore, #tpu.memory_space<semaphore_mem>>) src(%arg13 : memref<8x8x128xf32, #tpu.memory_space<vmem>>) dst(%dma_wait3A_243 : memref<8x8x128xf32, #tpu.memory_space<hbm>>)
      } else {
      }
      %scan3A_210 = arith.constant 0 : i32
      %scan3A_211 = arith.constant 0 : i32
      %scan3A_212 = arith.constant 16 : i32
      %scan3A_213 = arith.addi %scan3A_211, %scan3A_212 : i32
      %scan3A_214 = arith.constant 1 : i32
      scf.for %scan3A_233 = %scan3A_211 to %scan3A_213 step %scan3A_214  : i32 {
        %add3A_234 = vector.broadcast %scan3A_233 : i32 to vector<16xi32>
        %add3A_235 = arith.addi %iota3A, %add3A_234 : vector<16xi32>
        %and3A = arith.constant 15 : i32
        %and3A_236 = vector.broadcast %and3A : i32 to vector<16xi32>
        %and3A_237 = arith.andi %add3A_235, %and3A_236 : vector<16xi32>
        %add3A_238 = arith.constant 0 : i32
        %add3A_239 = vector.broadcast %add3A_238 : i32 to vector<16xi32>
        %add3A_240 = arith.addi %and3A_237, %add3A_239 : vector<16xi32>
        %shift_right_logical3A = arith.constant 3 : i32
        %shift_right_logical3A_241 = vector.broadcast %shift_right_logical3A : i32 to vector<16xi32>
        %shift_right_logical3A_242 = arith.shrui %add3A_240, %shift_right_logical3A_241 : vector<16xi32>
        %and3A_243 = arith.constant 7 : i32
        %and3A_244 = vector.broadcast %and3A_243 : i32 to vector<16xi32>
        %and3A_245 = arith.andi %add3A_240, %and3A_244 : vector<16xi32>
        %mul3A_246 = arith.constant 64 : i32
        %mul3A_247 = arith.muli %add3A_197, %mul3A_246 : i32
        %add3A_248 = vector.broadcast %mul3A_247 : i32 to vector<16xi32>
        %add3A_249 = arith.addi %add3A_240, %add3A_248 : vector<16xi32>
        %gather3A = tpu.vector_load_idx %arg6[%add3A_249] : memref<12800xf32, #tpu.memory_space<vmem>>[vector<16xi32>], vector<16xf32>,
        %gather3A_250 = tpu.vector_load_idx %arg11[%add3A_32, %add3A_240] : memref<128x64xf32, #tpu.memory_space<vmem>>[vector<16xi32>, vector<16xi32>], vector<16xf32>,
        %mul3A_251 = arith.constant 8.000000e+00 : f32
        %mul3A_252 = vector.broadcast %mul3A_251 : f32 to vector<16xf32>
        %mul3A_253 = arith.mulf %gather3A_250, %mul3A_252 : vector<16xf32>
        %add3A_254 = arith.addf %mul3A_253, %gather3A : vector<16xf32>
        tpu.vector_store_idx %arg13[%shift_right_logical3A_242, %and3A_245, %add3A_32], %add3A_254 : memref<8x8x128xf32, #tpu.memory_space<vmem>>[vector<16xi32>, vector<16xi32>, vector<16xi32>], vector<16xf32>,
        %gather3A_255 = tpu.vector_load_idx %arg11[%add3A_35, %add3A_240] : memref<128x64xf32, #tpu.memory_space<vmem>>[vector<16xi32>, vector<16xi32>], vector<16xf32>,
        %mul3A_256 = arith.constant 8.000000e+00 : f32
        %mul3A_257 = vector.broadcast %mul3A_256 : f32 to vector<16xf32>
        %mul3A_258 = arith.mulf %gather3A_255, %mul3A_257 : vector<16xf32>
        %add3A_259 = arith.addf %mul3A_258, %gather3A : vector<16xf32>
        tpu.vector_store_idx %arg13[%shift_right_logical3A_242, %and3A_245, %add3A_35], %add3A_259 : memref<8x8x128xf32, #tpu.memory_space<vmem>>[vector<16xi32>, vector<16xi32>, vector<16xi32>], vector<16xf32>,
        %gather3A_260 = tpu.vector_load_idx %arg11[%add3A_38, %add3A_240] : memref<128x64xf32, #tpu.memory_space<vmem>>[vector<16xi32>, vector<16xi32>], vector<16xf32>,
        %mul3A_261 = arith.constant 8.000000e+00 : f32
        %mul3A_262 = vector.broadcast %mul3A_261 : f32 to vector<16xf32>
        %mul3A_263 = arith.mulf %gather3A_260, %mul3A_262 : vector<16xf32>
        %add3A_264 = arith.addf %mul3A_263, %gather3A : vector<16xf32>
        tpu.vector_store_idx %arg13[%shift_right_logical3A_242, %and3A_245, %add3A_38], %add3A_264 : memref<8x8x128xf32, #tpu.memory_space<vmem>>[vector<16xi32>, vector<16xi32>, vector<16xi32>], vector<16xf32>,
        %gather3A_265 = tpu.vector_load_idx %arg11[%add3A_41, %add3A_240] : memref<128x64xf32, #tpu.memory_space<vmem>>[vector<16xi32>, vector<16xi32>], vector<16xf32>,
        %mul3A_266 = arith.constant 8.000000e+00 : f32
        %mul3A_267 = vector.broadcast %mul3A_266 : f32 to vector<16xf32>
        %mul3A_268 = arith.mulf %gather3A_265, %mul3A_267 : vector<16xf32>
        %add3A_269 = arith.addf %mul3A_268, %gather3A : vector<16xf32>
        tpu.vector_store_idx %arg13[%shift_right_logical3A_242, %and3A_245, %add3A_41], %add3A_269 : memref<8x8x128xf32, #tpu.memory_space<vmem>>[vector<16xi32>, vector<16xi32>, vector<16xi32>], vector<16xf32>,
        %gather3A_270 = tpu.vector_load_idx %arg11[%add3A_44, %add3A_240] : memref<128x64xf32, #tpu.memory_space<vmem>>[vector<16xi32>, vector<16xi32>], vector<16xf32>,
        %mul3A_271 = arith.constant 8.000000e+00 : f32
        %mul3A_272 = vector.broadcast %mul3A_271 : f32 to vector<16xf32>
        %mul3A_273 = arith.mulf %gather3A_270, %mul3A_272 : vector<16xf32>
        %add3A_274 = arith.addf %mul3A_273, %gather3A : vector<16xf32>
        tpu.vector_store_idx %arg13[%shift_right_logical3A_242, %and3A_245, %add3A_44], %add3A_274 : memref<8x8x128xf32, #tpu.memory_space<vmem>>[vector<16xi32>, vector<16xi32>, vector<16xi32>], vector<16xf32>,
        %gather3A_275 = tpu.vector_load_idx %arg11[%add3A_47, %add3A_240] : memref<128x64xf32, #tpu.memory_space<vmem>>[vector<16xi32>, vector<16xi32>], vector<16xf32>,
        %mul3A_276 = arith.constant 8.000000e+00 : f32
        %mul3A_277 = vector.broadcast %mul3A_276 : f32 to vector<16xf32>
        %mul3A_278 = arith.mulf %gather3A_275, %mul3A_277 : vector<16xf32>
        %add3A_279 = arith.addf %mul3A_278, %gather3A : vector<16xf32>
        tpu.vector_store_idx %arg13[%shift_right_logical3A_242, %and3A_245, %add3A_47], %add3A_279 : memref<8x8x128xf32, #tpu.memory_space<vmem>>[vector<16xi32>, vector<16xi32>, vector<16xi32>], vector<16xf32>,
        %gather3A_280 = tpu.vector_load_idx %arg11[%add3A_50, %add3A_240] : memref<128x64xf32, #tpu.memory_space<vmem>>[vector<16xi32>, vector<16xi32>], vector<16xf32>,
        %mul3A_281 = arith.constant 8.000000e+00 : f32
        %mul3A_282 = vector.broadcast %mul3A_281 : f32 to vector<16xf32>
        %mul3A_283 = arith.mulf %gather3A_280, %mul3A_282 : vector<16xf32>
        %add3A_284 = arith.addf %mul3A_283, %gather3A : vector<16xf32>
        tpu.vector_store_idx %arg13[%shift_right_logical3A_242, %and3A_245, %add3A_50], %add3A_284 : memref<8x8x128xf32, #tpu.memory_space<vmem>>[vector<16xi32>, vector<16xi32>, vector<16xi32>], vector<16xf32>,
        %gather3A_285 = tpu.vector_load_idx %arg11[%add3A_53, %add3A_240] : memref<128x64xf32, #tpu.memory_space<vmem>>[vector<16xi32>, vector<16xi32>], vector<16xf32>,
        %mul3A_286 = arith.constant 8.000000e+00 : f32
        %mul3A_287 = vector.broadcast %mul3A_286 : f32 to vector<16xf32>
        %mul3A_288 = arith.mulf %gather3A_285, %mul3A_287 : vector<16xf32>
        %add3A_289 = arith.addf %mul3A_288, %gather3A : vector<16xf32>
        tpu.vector_store_idx %arg13[%shift_right_logical3A_242, %and3A_245, %add3A_53], %add3A_289 : memref<8x8x128xf32, #tpu.memory_space<vmem>>[vector<16xi32>, vector<16xi32>, vector<16xi32>], vector<16xf32>,
        %add3A_290 = arith.constant 16 : i32
        %add3A_291 = vector.broadcast %add3A_290 : i32 to vector<16xi32>
        %add3A_292 = arith.addi %and3A_237, %add3A_291 : vector<16xi32>
        %shift_right_logical3A_293 = arith.constant 3 : i32
        %shift_right_logical3A_294 = vector.broadcast %shift_right_logical3A_293 : i32 to vector<16xi32>
        %shift_right_logical3A_295 = arith.shrui %add3A_292, %shift_right_logical3A_294 : vector<16xi32>
        %and3A_296 = arith.constant 7 : i32
        %and3A_297 = vector.broadcast %and3A_296 : i32 to vector<16xi32>
        %and3A_298 = arith.andi %add3A_292, %and3A_297 : vector<16xi32>
        %mul3A_299 = arith.constant 64 : i32
        %mul3A_300 = arith.muli %add3A_197, %mul3A_299 : i32
        %add3A_301 = vector.broadcast %mul3A_300 : i32 to vector<16xi32>
        %add3A_302 = arith.addi %add3A_292, %add3A_301 : vector<16xi32>
        %gather3A_303 = tpu.vector_load_idx %arg6[%add3A_302] : memref<12800xf32, #tpu.memory_space<vmem>>[vector<16xi32>], vector<16xf32>,
        %gather3A_304 = tpu.vector_load_idx %arg11[%add3A_32, %add3A_292] : memref<128x64xf32, #tpu.memory_space<vmem>>[vector<16xi32>, vector<16xi32>], vector<16xf32>,
        %mul3A_305 = arith.constant 8.000000e+00 : f32
        %mul3A_306 = vector.broadcast %mul3A_305 : f32 to vector<16xf32>
        %mul3A_307 = arith.mulf %gather3A_304, %mul3A_306 : vector<16xf32>
        %add3A_308 = arith.addf %mul3A_307, %gather3A_303 : vector<16xf32>
        tpu.vector_store_idx %arg13[%shift_right_logical3A_295, %and3A_298, %add3A_32], %add3A_308 : memref<8x8x128xf32, #tpu.memory_space<vmem>>[vector<16xi32>, vector<16xi32>, vector<16xi32>], vector<16xf32>,
        %gather3A_309 = tpu.vector_load_idx %arg11[%add3A_35, %add3A_292] : memref<128x64xf32, #tpu.memory_space<vmem>>[vector<16xi32>, vector<16xi32>], vector<16xf32>,
        %mul3A_310 = arith.constant 8.000000e+00 : f32
        %mul3A_311 = vector.broadcast %mul3A_310 : f32 to vector<16xf32>
        %mul3A_312 = arith.mulf %gather3A_309, %mul3A_311 : vector<16xf32>
        %add3A_313 = arith.addf %mul3A_312, %gather3A_303 : vector<16xf32>
        tpu.vector_store_idx %arg13[%shift_right_logical3A_295, %and3A_298, %add3A_35], %add3A_313 : memref<8x8x128xf32, #tpu.memory_space<vmem>>[vector<16xi32>, vector<16xi32>, vector<16xi32>], vector<16xf32>,
        %gather3A_314 = tpu.vector_load_idx %arg11[%add3A_38, %add3A_292] : memref<128x64xf32, #tpu.memory_space<vmem>>[vector<16xi32>, vector<16xi32>], vector<16xf32>,
        %mul3A_315 = arith.constant 8.000000e+00 : f32
        %mul3A_316 = vector.broadcast %mul3A_315 : f32 to vector<16xf32>
        %mul3A_317 = arith.mulf %gather3A_314, %mul3A_316 : vector<16xf32>
        %add3A_318 = arith.addf %mul3A_317, %gather3A_303 : vector<16xf32>
        tpu.vector_store_idx %arg13[%shift_right_logical3A_295, %and3A_298, %add3A_38], %add3A_318 : memref<8x8x128xf32, #tpu.memory_space<vmem>>[vector<16xi32>, vector<16xi32>, vector<16xi32>], vector<16xf32>,
        %gather3A_319 = tpu.vector_load_idx %arg11[%add3A_41, %add3A_292] : memref<128x64xf32, #tpu.memory_space<vmem>>[vector<16xi32>, vector<16xi32>], vector<16xf32>,
        %mul3A_320 = arith.constant 8.000000e+00 : f32
        %mul3A_321 = vector.broadcast %mul3A_320 : f32 to vector<16xf32>
        %mul3A_322 = arith.mulf %gather3A_319, %mul3A_321 : vector<16xf32>
        %add3A_323 = arith.addf %mul3A_322, %gather3A_303 : vector<16xf32>
        tpu.vector_store_idx %arg13[%shift_right_logical3A_295, %and3A_298, %add3A_41], %add3A_323 : memref<8x8x128xf32, #tpu.memory_space<vmem>>[vector<16xi32>, vector<16xi32>, vector<16xi32>], vector<16xf32>,
        %gather3A_324 = tpu.vector_load_idx %arg11[%add3A_44, %add3A_292] : memref<128x64xf32, #tpu.memory_space<vmem>>[vector<16xi32>, vector<16xi32>], vector<16xf32>,
        %mul3A_325 = arith.constant 8.000000e+00 : f32
        %mul3A_326 = vector.broadcast %mul3A_325 : f32 to vector<16xf32>
        %mul3A_327 = arith.mulf %gather3A_324, %mul3A_326 : vector<16xf32>
        %add3A_328 = arith.addf %mul3A_327, %gather3A_303 : vector<16xf32>
        tpu.vector_store_idx %arg13[%shift_right_logical3A_295, %and3A_298, %add3A_44], %add3A_328 : memref<8x8x128xf32, #tpu.memory_space<vmem>>[vector<16xi32>, vector<16xi32>, vector<16xi32>], vector<16xf32>,
        %gather3A_329 = tpu.vector_load_idx %arg11[%add3A_47, %add3A_292] : memref<128x64xf32, #tpu.memory_space<vmem>>[vector<16xi32>, vector<16xi32>], vector<16xf32>,
        %mul3A_330 = arith.constant 8.000000e+00 : f32
        %mul3A_331 = vector.broadcast %mul3A_330 : f32 to vector<16xf32>
        %mul3A_332 = arith.mulf %gather3A_329, %mul3A_331 : vector<16xf32>
        %add3A_333 = arith.addf %mul3A_332, %gather3A_303 : vector<16xf32>
        tpu.vector_store_idx %arg13[%shift_right_logical3A_295, %and3A_298, %add3A_47], %add3A_333 : memref<8x8x128xf32, #tpu.memory_space<vmem>>[vector<16xi32>, vector<16xi32>, vector<16xi32>], vector<16xf32>,
        %gather3A_334 = tpu.vector_load_idx %arg11[%add3A_50, %add3A_292] : memref<128x64xf32, #tpu.memory_space<vmem>>[vector<16xi32>, vector<16xi32>], vector<16xf32>,
        %mul3A_335 = arith.constant 8.000000e+00 : f32
        %mul3A_336 = vector.broadcast %mul3A_335 : f32 to vector<16xf32>
        %mul3A_337 = arith.mulf %gather3A_334, %mul3A_336 : vector<16xf32>
        %add3A_338 = arith.addf %mul3A_337, %gather3A_303 : vector<16xf32>
        tpu.vector_store_idx %arg13[%shift_right_logical3A_295, %and3A_298, %add3A_50], %add3A_338 : memref<8x8x128xf32, #tpu.memory_space<vmem>>[vector<16xi32>, vector<16xi32>, vector<16xi32>], vector<16xf32>,
        %gather3A_339 = tpu.vector_load_idx %arg11[%add3A_53, %add3A_292] : memref<128x64xf32, #tpu.memory_space<vmem>>[vector<16xi32>, vector<16xi32>], vector<16xf32>,
        %mul3A_340 = arith.constant 8.000000e+00 : f32
        %mul3A_341 = vector.broadcast %mul3A_340 : f32 to vector<16xf32>
        %mul3A_342 = arith.mulf %gather3A_339, %mul3A_341 : vector<16xf32>
        %add3A_343 = arith.addf %mul3A_342, %gather3A_303 : vector<16xf32>
        tpu.vector_store_idx %arg13[%shift_right_logical3A_295, %and3A_298, %add3A_53], %add3A_343 : memref<8x8x128xf32, #tpu.memory_space<vmem>>[vector<16xi32>, vector<16xi32>, vector<16xi32>], vector<16xf32>,
        %add3A_344 = arith.constant 32 : i32
        %add3A_345 = vector.broadcast %add3A_344 : i32 to vector<16xi32>
        %add3A_346 = arith.addi %and3A_237, %add3A_345 : vector<16xi32>
        %shift_right_logical3A_347 = arith.constant 3 : i32
        %shift_right_logical3A_348 = vector.broadcast %shift_right_logical3A_347 : i32 to vector<16xi32>
        %shift_right_logical3A_349 = arith.shrui %add3A_346, %shift_right_logical3A_348 : vector<16xi32>
        %and3A_350 = arith.constant 7 : i32
        %and3A_351 = vector.broadcast %and3A_350 : i32 to vector<16xi32>
        %and3A_352 = arith.andi %add3A_346, %and3A_351 : vector<16xi32>
        %mul3A_353 = arith.constant 64 : i32
        %mul3A_354 = arith.muli %add3A_197, %mul3A_353 : i32
        %add3A_355 = vector.broadcast %mul3A_354 : i32 to vector<16xi32>
        %add3A_356 = arith.addi %add3A_346, %add3A_355 : vector<16xi32>
        %gather3A_357 = tpu.vector_load_idx %arg6[%add3A_356] : memref<12800xf32, #tpu.memory_space<vmem>>[vector<16xi32>], vector<16xf32>,
        %gather3A_358 = tpu.vector_load_idx %arg11[%add3A_32, %add3A_346] : memref<128x64xf32, #tpu.memory_space<vmem>>[vector<16xi32>, vector<16xi32>], vector<16xf32>,
        %mul3A_359 = arith.constant 8.000000e+00 : f32
        %mul3A_360 = vector.broadcast %mul3A_359 : f32 to vector<16xf32>
        %mul3A_361 = arith.mulf %gather3A_358, %mul3A_360 : vector<16xf32>
        %add3A_362 = arith.addf %mul3A_361, %gather3A_357 : vector<16xf32>
        tpu.vector_store_idx %arg13[%shift_right_logical3A_349, %and3A_352, %add3A_32], %add3A_362 : memref<8x8x128xf32, #tpu.memory_space<vmem>>[vector<16xi32>, vector<16xi32>, vector<16xi32>], vector<16xf32>,
        %gather3A_363 = tpu.vector_load_idx %arg11[%add3A_35, %add3A_346] : memref<128x64xf32, #tpu.memory_space<vmem>>[vector<16xi32>, vector<16xi32>], vector<16xf32>,
        %mul3A_364 = arith.constant 8.000000e+00 : f32
        %mul3A_365 = vector.broadcast %mul3A_364 : f32 to vector<16xf32>
        %mul3A_366 = arith.mulf %gather3A_363, %mul3A_365 : vector<16xf32>
        %add3A_367 = arith.addf %mul3A_366, %gather3A_357 : vector<16xf32>
        tpu.vector_store_idx %arg13[%shift_right_logical3A_349, %and3A_352, %add3A_35], %add3A_367 : memref<8x8x128xf32, #tpu.memory_space<vmem>>[vector<16xi32>, vector<16xi32>, vector<16xi32>], vector<16xf32>,
        %gather3A_368 = tpu.vector_load_idx %arg11[%add3A_38, %add3A_346] : memref<128x64xf32, #tpu.memory_space<vmem>>[vector<16xi32>, vector<16xi32>], vector<16xf32>,
        %mul3A_369 = arith.constant 8.000000e+00 : f32
        %mul3A_370 = vector.broadcast %mul3A_369 : f32 to vector<16xf32>
        %mul3A_371 = arith.mulf %gather3A_368, %mul3A_370 : vector<16xf32>
        %add3A_372 = arith.addf %mul3A_371, %gather3A_357 : vector<16xf32>
        tpu.vector_store_idx %arg13[%shift_right_logical3A_349, %and3A_352, %add3A_38], %add3A_372 : memref<8x8x128xf32, #tpu.memory_space<vmem>>[vector<16xi32>, vector<16xi32>, vector<16xi32>], vector<16xf32>,
        %gather3A_373 = tpu.vector_load_idx %arg11[%add3A_41, %add3A_346] : memref<128x64xf32, #tpu.memory_space<vmem>>[vector<16xi32>, vector<16xi32>], vector<16xf32>,
        %mul3A_374 = arith.constant 8.000000e+00 : f32
        %mul3A_375 = vector.broadcast %mul3A_374 : f32 to vector<16xf32>
        %mul3A_376 = arith.mulf %gather3A_373, %mul3A_375 : vector<16xf32>
        %add3A_377 = arith.addf %mul3A_376, %gather3A_357 : vector<16xf32>
        tpu.vector_store_idx %arg13[%shift_right_logical3A_349, %and3A_352, %add3A_41], %add3A_377 : memref<8x8x128xf32, #tpu.memory_space<vmem>>[vector<16xi32>, vector<16xi32>, vector<16xi32>], vector<16xf32>,
        %gather3A_378 = tpu.vector_load_idx %arg11[%add3A_44, %add3A_346] : memref<128x64xf32, #tpu.memory_space<vmem>>[vector<16xi32>, vector<16xi32>], vector<16xf32>,
        %mul3A_379 = arith.constant 8.000000e+00 : f32
        %mul3A_380 = vector.broadcast %mul3A_379 : f32 to vector<16xf32>
        %mul3A_381 = arith.mulf %gather3A_378, %mul3A_380 : vector<16xf32>
        %add3A_382 = arith.addf %mul3A_381, %gather3A_357 : vector<16xf32>
        tpu.vector_store_idx %arg13[%shift_right_logical3A_349, %and3A_352, %add3A_44], %add3A_382 : memref<8x8x128xf32, #tpu.memory_space<vmem>>[vector<16xi32>, vector<16xi32>, vector<16xi32>], vector<16xf32>,
        %gather3A_383 = tpu.vector_load_idx %arg11[%add3A_47, %add3A_346] : memref<128x64xf32, #tpu.memory_space<vmem>>[vector<16xi32>, vector<16xi32>], vector<16xf32>,
        %mul3A_384 = arith.constant 8.000000e+00 : f32
        %mul3A_385 = vector.broadcast %mul3A_384 : f32 to vector<16xf32>
        %mul3A_386 = arith.mulf %gather3A_383, %mul3A_385 : vector<16xf32>
        %add3A_387 = arith.addf %mul3A_386, %gather3A_357 : vector<16xf32>
        tpu.vector_store_idx %arg13[%shift_right_logical3A_349, %and3A_352, %add3A_47], %add3A_387 : memref<8x8x128xf32, #tpu.memory_space<vmem>>[vector<16xi32>, vector<16xi32>, vector<16xi32>], vector<16xf32>,
        %gather3A_388 = tpu.vector_load_idx %arg11[%add3A_50, %add3A_346] : memref<128x64xf32, #tpu.memory_space<vmem>>[vector<16xi32>, vector<16xi32>], vector<16xf32>,
        %mul3A_389 = arith.constant 8.000000e+00 : f32
        %mul3A_390 = vector.broadcast %mul3A_389 : f32 to vector<16xf32>
        %mul3A_391 = arith.mulf %gather3A_388, %mul3A_390 : vector<16xf32>
        %add3A_392 = arith.addf %mul3A_391, %gather3A_357 : vector<16xf32>
        tpu.vector_store_idx %arg13[%shift_right_logical3A_349, %and3A_352, %add3A_50], %add3A_392 : memref<8x8x128xf32, #tpu.memory_space<vmem>>[vector<16xi32>, vector<16xi32>, vector<16xi32>], vector<16xf32>,
        %gather3A_393 = tpu.vector_load_idx %arg11[%add3A_53, %add3A_346] : memref<128x64xf32, #tpu.memory_space<vmem>>[vector<16xi32>, vector<16xi32>], vector<16xf32>,
        %mul3A_394 = arith.constant 8.000000e+00 : f32
        %mul3A_395 = vector.broadcast %mul3A_394 : f32 to vector<16xf32>
        %mul3A_396 = arith.mulf %gather3A_393, %mul3A_395 : vector<16xf32>
        %add3A_397 = arith.addf %mul3A_396, %gather3A_357 : vector<16xf32>
        tpu.vector_store_idx %arg13[%shift_right_logical3A_349, %and3A_352, %add3A_53], %add3A_397 : memref<8x8x128xf32, #tpu.memory_space<vmem>>[vector<16xi32>, vector<16xi32>, vector<16xi32>], vector<16xf32>,
        %add3A_398 = arith.constant 48 : i32
        %add3A_399 = vector.broadcast %add3A_398 : i32 to vector<16xi32>
        %add3A_400 = arith.addi %and3A_237, %add3A_399 : vector<16xi32>
        %shift_right_logical3A_401 = arith.constant 3 : i32
        %shift_right_logical3A_402 = vector.broadcast %shift_right_logical3A_401 : i32 to vector<16xi32>
        %shift_right_logical3A_403 = arith.shrui %add3A_400, %shift_right_logical3A_402 : vector<16xi32>
        %and3A_404 = arith.constant 7 : i32
        %and3A_405 = vector.broadcast %and3A_404 : i32 to vector<16xi32>
        %and3A_406 = arith.andi %add3A_400, %and3A_405 : vector<16xi32>
        %mul3A_407 = arith.constant 64 : i32
        %mul3A_408 = arith.muli %add3A_197, %mul3A_407 : i32
        %add3A_409 = vector.broadcast %mul3A_408 : i32 to vector<16xi32>
        %add3A_410 = arith.addi %add3A_400, %add3A_409 : vector<16xi32>
        %gather3A_411 = tpu.vector_load_idx %arg6[%add3A_410] : memref<12800xf32, #tpu.memory_space<vmem>>[vector<16xi32>], vector<16xf32>,
        %gather3A_412 = tpu.vector_load_idx %arg11[%add3A_32, %add3A_400] : memref<128x64xf32, #tpu.memory_space<vmem>>[vector<16xi32>, vector<16xi32>], vector<16xf32>,
        %mul3A_413 = arith.constant 8.000000e+00 : f32
        %mul3A_414 = vector.broadcast %mul3A_413 : f32 to vector<16xf32>
        %mul3A_415 = arith.mulf %gather3A_412, %mul3A_414 : vector<16xf32>
        %add3A_416 = arith.addf %mul3A_415, %gather3A_411 : vector<16xf32>
        tpu.vector_store_idx %arg13[%shift_right_logical3A_403, %and3A_406, %add3A_32], %add3A_416 : memref<8x8x128xf32, #tpu.memory_space<vmem>>[vector<16xi32>, vector<16xi32>, vector<16xi32>], vector<16xf32>,
        %gather3A_417 = tpu.vector_load_idx %arg11[%add3A_35, %add3A_400] : memref<128x64xf32, #tpu.memory_space<vmem>>[vector<16xi32>, vector<16xi32>], vector<16xf32>,
        %mul3A_418 = arith.constant 8.000000e+00 : f32
        %mul3A_419 = vector.broadcast %mul3A_418 : f32 to vector<16xf32>
        %mul3A_420 = arith.mulf %gather3A_417, %mul3A_419 : vector<16xf32>
        %add3A_421 = arith.addf %mul3A_420, %gather3A_411 : vector<16xf32>
        tpu.vector_store_idx %arg13[%shift_right_logical3A_403, %and3A_406, %add3A_35], %add3A_421 : memref<8x8x128xf32, #tpu.memory_space<vmem>>[vector<16xi32>, vector<16xi32>, vector<16xi32>], vector<16xf32>,
        %gather3A_422 = tpu.vector_load_idx %arg11[%add3A_38, %add3A_400] : memref<128x64xf32, #tpu.memory_space<vmem>>[vector<16xi32>, vector<16xi32>], vector<16xf32>,
        %mul3A_423 = arith.constant 8.000000e+00 : f32
        %mul3A_424 = vector.broadcast %mul3A_423 : f32 to vector<16xf32>
        %mul3A_425 = arith.mulf %gather3A_422, %mul3A_424 : vector<16xf32>
        %add3A_426 = arith.addf %mul3A_425, %gather3A_411 : vector<16xf32>
        tpu.vector_store_idx %arg13[%shift_right_logical3A_403, %and3A_406, %add3A_38], %add3A_426 : memref<8x8x128xf32, #tpu.memory_space<vmem>>[vector<16xi32>, vector<16xi32>, vector<16xi32>], vector<16xf32>,
        %gather3A_427 = tpu.vector_load_idx %arg11[%add3A_41, %add3A_400] : memref<128x64xf32, #tpu.memory_space<vmem>>[vector<16xi32>, vector<16xi32>], vector<16xf32>,
        %mul3A_428 = arith.constant 8.000000e+00 : f32
        %mul3A_429 = vector.broadcast %mul3A_428 : f32 to vector<16xf32>
        %mul3A_430 = arith.mulf %gather3A_427, %mul3A_429 : vector<16xf32>
        %add3A_431 = arith.addf %mul3A_430, %gather3A_411 : vector<16xf32>
        tpu.vector_store_idx %arg13[%shift_right_logical3A_403, %and3A_406, %add3A_41], %add3A_431 : memref<8x8x128xf32, #tpu.memory_space<vmem>>[vector<16xi32>, vector<16xi32>, vector<16xi32>], vector<16xf32>,
        %gather3A_432 = tpu.vector_load_idx %arg11[%add3A_44, %add3A_400] : memref<128x64xf32, #tpu.memory_space<vmem>>[vector<16xi32>, vector<16xi32>], vector<16xf32>,
        %mul3A_433 = arith.constant 8.000000e+00 : f32
        %mul3A_434 = vector.broadcast %mul3A_433 : f32 to vector<16xf32>
        %mul3A_435 = arith.mulf %gather3A_432, %mul3A_434 : vector<16xf32>
        %add3A_436 = arith.addf %mul3A_435, %gather3A_411 : vector<16xf32>
        tpu.vector_store_idx %arg13[%shift_right_logical3A_403, %and3A_406, %add3A_44], %add3A_436 : memref<8x8x128xf32, #tpu.memory_space<vmem>>[vector<16xi32>, vector<16xi32>, vector<16xi32>], vector<16xf32>,
        %gather3A_437 = tpu.vector_load_idx %arg11[%add3A_47, %add3A_400] : memref<128x64xf32, #tpu.memory_space<vmem>>[vector<16xi32>, vector<16xi32>], vector<16xf32>,
        %mul3A_438 = arith.constant 8.000000e+00 : f32
        %mul3A_439 = vector.broadcast %mul3A_438 : f32 to vector<16xf32>
        %mul3A_440 = arith.mulf %gather3A_437, %mul3A_439 : vector<16xf32>
        %add3A_441 = arith.addf %mul3A_440, %gather3A_411 : vector<16xf32>
        tpu.vector_store_idx %arg13[%shift_right_logical3A_403, %and3A_406, %add3A_47], %add3A_441 : memref<8x8x128xf32, #tpu.memory_space<vmem>>[vector<16xi32>, vector<16xi32>, vector<16xi32>], vector<16xf32>,
        %gather3A_442 = tpu.vector_load_idx %arg11[%add3A_50, %add3A_400] : memref<128x64xf32, #tpu.memory_space<vmem>>[vector<16xi32>, vector<16xi32>], vector<16xf32>,
        %mul3A_443 = arith.constant 8.000000e+00 : f32
        %mul3A_444 = vector.broadcast %mul3A_443 : f32 to vector<16xf32>
        %mul3A_445 = arith.mulf %gather3A_442, %mul3A_444 : vector<16xf32>
        %add3A_446 = arith.addf %mul3A_445, %gather3A_411 : vector<16xf32>
        tpu.vector_store_idx %arg13[%shift_right_logical3A_403, %and3A_406, %add3A_50], %add3A_446 : memref<8x8x128xf32, #tpu.memory_space<vmem>>[vector<16xi32>, vector<16xi32>, vector<16xi32>], vector<16xf32>,
        %gather3A_447 = tpu.vector_load_idx %arg11[%add3A_53, %add3A_400] : memref<128x64xf32, #tpu.memory_space<vmem>>[vector<16xi32>, vector<16xi32>], vector<16xf32>,
        %mul3A_448 = arith.constant 8.000000e+00 : f32
        %mul3A_449 = vector.broadcast %mul3A_448 : f32 to vector<16xf32>
        %mul3A_450 = arith.mulf %gather3A_447, %mul3A_449 : vector<16xf32>
        %add3A_451 = arith.addf %mul3A_450, %gather3A_411 : vector<16xf32>
        tpu.vector_store_idx %arg13[%shift_right_logical3A_403, %and3A_406, %add3A_53], %add3A_451 : memref<8x8x128xf32, #tpu.memory_space<vmem>>[vector<16xi32>, vector<16xi32>, vector<16xi32>], vector<16xf32>,
      }
      %scan3A_215 = arith.constant 16 : i32
      %dma_start3A_216 = arith.constant 0 : i32
      %dma_start3A_217 = arith.constant 0 : i32
      %dma_start3A_218 = arith.constant 0 : i32
      %dma_start3A_219 = tpu.memref_slice %arg5[%add3A_197, %dma_start3A_216, %add3A, %dma_start3A_217, %dma_start3A_218] : memref<200x8x32x8x128xf32, #tpu.memory_space<hbm>> -> memref<1x8x1x8x128xf32, #tpu.memory_space<hbm>>
      %dma_start3A_220 = tpu.memref_squeeze %dma_start3A_219 : memref<1x8x1x8x128xf32, #tpu.memory_space<hbm>> -> memref<8x8x128xf32, #tpu.memory_space<hbm>>
      %dma_start3A_221 = arith.constant 0 : i32
      %dma_start3A_222 = arith.constant 0 : i32
      %dma_start3A_223 = arith.constant 0 : i32
      %dma_start3A_224 = tpu.memref_slice %arg5[%add3A_197, %dma_start3A_221, %add3A, %dma_start3A_222, %dma_start3A_223] : memref<200x8x32x8x128xf32, #tpu.memory_space<hbm>> -> memref<1x8x1x8x128xf32, #tpu.memory_space<hbm>>
      %dma_start3A_225 = tpu.memref_squeeze %dma_start3A_224 : memref<1x8x1x8x128xf32, #tpu.memory_space<hbm>> -> memref<8x8x128xf32, #tpu.memory_space<hbm>>
      tpu.enqueue_dma source(%arg13 : memref<8x8x128xf32, #tpu.memory_space<vmem>>) target(%dma_start3A_225 : memref<8x8x128xf32, #tpu.memory_space<hbm>>) target_semaphore(%arg19 : memref<!tpu.dma_semaphore, #tpu.memory_space<semaphore_mem>>)
      %add3A_226 = arith.constant 4 : i32
      %add3A_227 = arith.addi %add3A_197, %add3A_226 : i32
      %lt3A_228 = arith.constant 200 : i32
      %lt3A_229 = arith.cmpi slt, %add3A_227, %lt3A_228 : i32
      %convert_element_type3A_230 = arith.extui %lt3A_229 : i1 to i32
      %cond3A_231 = arith.constant 0 : i32
      %cond3A_232 = arith.cmpi ne, %convert_element_type3A_230, %cond3A_231 : i32
      scf.if %cond3A_232 {
        %dma_start3A_233 = arith.constant 0 : i32
        %dma_start3A_234 = tpu.memref_slice %arg7[%add3A_227, %dma_start3A_233] : memref<200x128xi32, #tpu.memory_space<vmem>> -> memref<1x128xi32, #tpu.memory_space<vmem>>
        %dma_start3A_235 = tpu.memref_squeeze %dma_start3A_234 : memref<1x128xi32, #tpu.memory_space<vmem>> -> memref<128xi32, #tpu.memory_space<vmem>>
        %dma_start3A_236 = arith.constant 0 : i32
        %dma_start3A_237 = arith.constant 0 : i32
        %dma_start3A_238 = tpu.memref_slice %arg2[%dma_start3A_236, %dma_start3A_237] : memref<1000000x64xf32, #tpu.memory_space<hbm>> -> memref<1000000x64xf32, #tpu.memory_space<hbm>>
        tpu.enqueue_indirect_dma source(%dma_start3A_238 : memref<1000000x64xf32, #tpu.memory_space<hbm>>) target(%arg11 : memref<128x64xf32, #tpu.memory_space<vmem>>) offsets(%dma_start3A_235 : memref<128xi32, #tpu.memory_space<vmem>>) semaphore(%arg17 : memref<!tpu.dma_semaphore, #tpu.memory_space<semaphore_mem>>)
      } else {
      }
    }
    %scan3A_58 = arith.constant 50 : i32
    %dma_wait3A = arith.constant 0 : i32
    %dma_wait3A_59 = arith.constant 0 : i32
    %dma_wait3A_60 = arith.constant 0 : i32
    %dma_wait3A_61 = arith.constant 0 : i32
    %dma_wait3A_62 = tpu.memref_slice %arg5[%dma_wait3A, %dma_wait3A_59, %add3A, %dma_wait3A_60, %dma_wait3A_61] : memref<200x8x32x8x128xf32, #tpu.memory_space<hbm>> -> memref<1x8x1x8x128xf32, #tpu.memory_space<hbm>>
    %dma_wait3A_63 = tpu.memref_squeeze %dma_wait3A_62 : memref<1x8x1x8x128xf32, #tpu.memory_space<hbm>> -> memref<8x8x128xf32, #tpu.memory_space<hbm>>
    %dma_wait3A_64 = arith.constant 0 : i32
    %dma_wait3A_65 = arith.constant 0 : i32
    %dma_wait3A_66 = arith.constant 0 : i32
    %dma_wait3A_67 = tpu.memref_slice %arg5[%dma_wait3A, %dma_wait3A_64, %add3A, %dma_wait3A_65, %dma_wait3A_66] : memref<200x8x32x8x128xf32, #tpu.memory_space<hbm>> -> memref<1x8x1x8x128xf32, #tpu.memory_space<hbm>>
    %dma_wait3A_68 = tpu.memref_squeeze %dma_wait3A_67 : memref<1x8x1x8x128xf32, #tpu.memory_space<hbm>> -> memref<8x8x128xf32, #tpu.memory_space<hbm>>
    tpu.wait_dma2 semaphore(%arg18 : memref<!tpu.dma_semaphore, #tpu.memory_space<semaphore_mem>>) src(%arg12 : memref<8x8x128xf32, #tpu.memory_space<vmem>>) dst(%dma_wait3A_68 : memref<8x8x128xf32, #tpu.memory_space<hbm>>)
    %dma_wait3A_69 = arith.constant 0 : i32
    %dma_wait3A_70 = arith.constant 0 : i32
    %dma_wait3A_71 = arith.constant 0 : i32
    %dma_wait3A_72 = arith.constant 0 : i32
    %dma_wait3A_73 = tpu.memref_slice %arg5[%dma_wait3A_69, %dma_wait3A_70, %add3A, %dma_wait3A_71, %dma_wait3A_72] : memref<200x8x32x8x128xf32, #tpu.memory_space<hbm>> -> memref<1x8x1x8x128xf32, #tpu.memory_space<hbm>>
    %dma_wait3A_74 = tpu.memref_squeeze %dma_wait3A_73 : memref<1x8x1x8x128xf32, #tpu.memory_space<hbm>> -> memref<8x8x128xf32, #tpu.memory_space<hbm>>
    %dma_wait3A_75 = arith.constant 0 : i32
    %dma_wait3A_76 = arith.constant 0 : i32
    %dma_wait3A_77 = arith.constant 0 : i32
    %dma_wait3A_78 = tpu.memref_slice %arg5[%dma_wait3A_69, %dma_wait3A_75, %add3A, %dma_wait3A_76, %dma_wait3A_77] : memref<200x8x32x8x128xf32, #tpu.memory_space<hbm>> -> memref<1x8x1x8x128xf32, #tpu.memory_space<hbm>>
    %dma_wait3A_79 = tpu.memref_squeeze %dma_wait3A_78 : memref<1x8x1x8x128xf32, #tpu.memory_space<hbm>> -> memref<8x8x128xf32, #tpu.memory_space<hbm>>
    tpu.wait_dma2 semaphore(%arg19 : memref<!tpu.dma_semaphore, #tpu.memory_space<semaphore_mem>>) src(%arg13 : memref<8x8x128xf32, #tpu.memory_space<vmem>>) dst(%dma_wait3A_79 : memref<8x8x128xf32, #tpu.memory_space<hbm>>)
    return
  }
}

#map = affine_map<(d0, d1) -> (0, 0)>
#map1 = affine_map<(d0, d1) -> (0)>
module attributes {stable_mosaic.version = 14 : i64} {
  func.func @repack_fn(%arg0: i32, %arg1: i32, %arg2: memref<64x1000000xf32, #tpu.memory_space<hbm>>, %arg3: memref<64x64xf32, #tpu.memory_space<hbm>>, %arg4: memref<64000000xf32, #tpu.memory_space<hbm>>, %arg5: memref<64x384xf32, #tpu.memory_space<vmem>>, %arg6: memref<64x384xf32, #tpu.memory_space<vmem>>, %arg7: memref<24576xf32, #tpu.memory_space<vmem>>, %arg8: memref<24576xf32, #tpu.memory_space<vmem>>, %arg9: memref<64x64xf32, #tpu.memory_space<vmem>>, %arg10: memref<!tpu.dma_semaphore, #tpu.memory_space<semaphore_mem>>, %arg11: memref<!tpu.dma_semaphore, #tpu.memory_space<semaphore_mem>>, %arg12: memref<!tpu.dma_semaphore, #tpu.memory_space<semaphore_mem>>, %arg13: memref<!tpu.dma_semaphore, #tpu.memory_space<semaphore_mem>>) attributes {dimension_semantics = [#tpu.dimension_semantics<core_parallel>, #tpu.dimension_semantics<subcore_parallel>], iteration_bounds = array<i64: 2, 16>, scalar_prefetch = 0 : i64, scratch_operands = 9 : i64, tpu.core_type = #tpu.core_type<sc_vector_subcore>, window_params = [{transform_indices = #map}, {transform_indices = #map}, {transform_indices = #map1}]} {
    %mul3A = arith.constant 2 : i32
    %mul3A_0 = arith.muli %arg1, %mul3A : i32
    %add3A = arith.addi %mul3A_0, %arg0 : i32
    %iota3A = tpu.iota {dimensions = array<i32: 0>} : vector<16xi32>
    %add3A_1 = arith.constant 0 : i32
    %add3A_2 = vector.broadcast %add3A_1 : i32 to vector<16xi32>
    %add3A_3 = arith.addi %iota3A, %add3A_2 : vector<16xi32>
    %add3A_4 = arith.constant 16 : i32
    %add3A_5 = vector.broadcast %add3A_4 : i32 to vector<16xi32>
    %add3A_6 = arith.addi %iota3A, %add3A_5 : vector<16xi32>
    %add3A_7 = arith.constant 32 : i32
    %add3A_8 = vector.broadcast %add3A_7 : i32 to vector<16xi32>
    %add3A_9 = arith.addi %iota3A, %add3A_8 : vector<16xi32>
    %add3A_10 = arith.constant 48 : i32
    %add3A_11 = vector.broadcast %add3A_10 : i32 to vector<16xi32>
    %add3A_12 = arith.addi %iota3A, %add3A_11 : vector<16xi32>
    %mul3A_13 = arith.constant 64 : i32
    %mul3A_14 = vector.broadcast %mul3A_13 : i32 to vector<16xi32>
    %mul3A_15 = arith.muli %iota3A, %mul3A_14 : vector<16xi32>
    %mul3A_16 = arith.constant 0 : i32
    %mul3A_17 = arith.constant 32 : i32
    %mul3A_18 = arith.muli %mul3A_16, %mul3A_17 : i32
    %add3A_19 = arith.addi %mul3A_18, %add3A : i32
    %min3A = arith.constant 2603 : i32
    %min3A_20 = arith.minsi %add3A_19, %min3A : i32
    %mul3A_21 = arith.constant 384 : i32
    %mul3A_22 = arith.muli %min3A_20, %mul3A_21 : i32
    %multiple_of3A = tpu.assume_multiple %mul3A_22, 128 : i32
    %dma_start3A = arith.constant 0 : i32
    %dma_start3A_23 = tpu.memref_slice %arg2[%dma_start3A, %multiple_of3A] : memref<64x1000000xf32, #tpu.memory_space<hbm>> -> memref<64x384xf32, #tpu.memory_space<hbm>>
    %dma_start3A_24 = arith.constant 0 : i32
    %dma_start3A_25 = tpu.memref_slice %arg2[%dma_start3A_24, %multiple_of3A] : memref<64x1000000xf32, #tpu.memory_space<hbm>> -> memref<64x384xf32, #tpu.memory_space<hbm>>
    tpu.enqueue_dma source(%dma_start3A_25 : memref<64x384xf32, #tpu.memory_space<hbm>>) target(%arg5 : memref<64x384xf32, #tpu.memory_space<vmem>>) target_semaphore(%arg10 : memref<!tpu.dma_semaphore, #tpu.memory_space<semaphore_mem>>)
    %mul3A_26 = arith.constant 1 : i32
    %mul3A_27 = arith.constant 32 : i32
    %mul3A_28 = arith.muli %mul3A_26, %mul3A_27 : i32
    %add3A_29 = arith.addi %mul3A_28, %add3A : i32
    %min3A_30 = arith.constant 2603 : i32
    %min3A_31 = arith.minsi %add3A_29, %min3A_30 : i32
    %mul3A_32 = arith.constant 384 : i32
    %mul3A_33 = arith.muli %min3A_31, %mul3A_32 : i32
    %multiple_of3A_34 = tpu.assume_multiple %mul3A_33, 128 : i32
    %dma_start3A_35 = arith.constant 0 : i32
    %dma_start3A_36 = tpu.memref_slice %arg2[%dma_start3A_35, %multiple_of3A_34] : memref<64x1000000xf32, #tpu.memory_space<hbm>> -> memref<64x384xf32, #tpu.memory_space<hbm>>
    %dma_start3A_37 = arith.constant 0 : i32
    %dma_start3A_38 = tpu.memref_slice %arg2[%dma_start3A_37, %multiple_of3A_34] : memref<64x1000000xf32, #tpu.memory_space<hbm>> -> memref<64x384xf32, #tpu.memory_space<hbm>>
    tpu.enqueue_dma source(%dma_start3A_38 : memref<64x384xf32, #tpu.memory_space<hbm>>) target(%arg6 : memref<64x384xf32, #tpu.memory_space<vmem>>) target_semaphore(%arg11 : memref<!tpu.dma_semaphore, #tpu.memory_space<semaphore_mem>>)
    %scan3A = arith.constant 0 : i32
    %scan3A_39 = arith.constant 0 : i32
    %scan3A_40 = arith.constant 41 : i32
    %scan3A_41 = arith.addi %scan3A_39, %scan3A_40 : i32
    %scan3A_42 = arith.constant 1 : i32
    scf.for %scan3A_53 = %scan3A_39 to %scan3A_41 step %scan3A_42  : i32 {
      %mul3A_54 = arith.constant 2 : i32
      %mul3A_55 = arith.muli %mul3A_54, %scan3A_53 : i32
      %add3A_56 = arith.constant 0 : i32
      %add3A_57 = arith.addi %mul3A_55, %add3A_56 : i32
      %dma_wait3A_58 = arith.constant 0 : i32
      %dma_wait3A_59 = arith.constant 0 : i32
      %dma_wait3A_60 = tpu.memref_slice %arg2[%dma_wait3A_58, %dma_wait3A_59] : memref<64x1000000xf32, #tpu.memory_space<hbm>> -> memref<64x384xf32, #tpu.memory_space<hbm>>
      %dma_wait3A_61 = arith.constant 0 : i32
      %dma_wait3A_62 = arith.constant 0 : i32
      %dma_wait3A_63 = tpu.memref_slice %arg2[%dma_wait3A_61, %dma_wait3A_62] : memref<64x1000000xf32, #tpu.memory_space<hbm>> -> memref<64x384xf32, #tpu.memory_space<hbm>>
      tpu.wait_dma2 semaphore(%arg10 : memref<!tpu.dma_semaphore, #tpu.memory_space<semaphore_mem>>) src(%dma_wait3A_63 : memref<64x384xf32, #tpu.memory_space<hbm>>) dst(%arg5 : memref<64x384xf32, #tpu.memory_space<vmem>>)
      %ge3A = arith.constant 2 : i32
      %ge3A_64 = arith.cmpi sge, %add3A_57, %ge3A : i32
      %convert_element_type3A_65 = arith.extui %ge3A_64 : i1 to i32
      %cond3A_66 = arith.constant 0 : i32
      %cond3A_67 = arith.cmpi ne, %convert_element_type3A_65, %cond3A_66 : i32
      scf.if %cond3A_67 {
        %dma_wait3A_134 = arith.constant 0 : i32
        %dma_wait3A_135 = tpu.memref_slice %arg4[%dma_wait3A_134] : memref<64000000xf32, #tpu.memory_space<hbm>> -> memref<24576xf32, #tpu.memory_space<hbm>>
        %dma_wait3A_136 = arith.constant 0 : i32
        %dma_wait3A_137 = tpu.memref_slice %arg4[%dma_wait3A_136] : memref<64000000xf32, #tpu.memory_space<hbm>> -> memref<24576xf32, #tpu.memory_space<hbm>>
        tpu.wait_dma2 semaphore(%arg12 : memref<!tpu.dma_semaphore, #tpu.memory_space<semaphore_mem>>) src(%arg7 : memref<24576xf32, #tpu.memory_space<vmem>>) dst(%dma_wait3A_137 : memref<24576xf32, #tpu.memory_space<hbm>>)
      } else {
      }
      %scan3A_68 = arith.constant 0 : i32
      %scan3A_69 = arith.constant 0 : i32
      %scan3A_70 = arith.constant 16 : i32
      %scan3A_71 = arith.addi %scan3A_69, %scan3A_70 : i32
      %scan3A_72 = arith.constant 1 : i32
      scf.for %scan3A_134 = %scan3A_69 to %scan3A_71 step %scan3A_72  : i32 {
        %add3A_135 = vector.broadcast %scan3A_134 : i32 to vector<16xi32>
        %add3A_136 = arith.addi %iota3A, %add3A_135 : vector<16xi32>
        %and3A = arith.constant 15 : i32
        %and3A_137 = vector.broadcast %and3A : i32 to vector<16xi32>
        %and3A_138 = arith.andi %add3A_136, %and3A_137 : vector<16xi32>
        %add3A_139 = arith.addi %mul3A_15, %and3A_138 : vector<16xi32>
        %scan3A_140 = arith.constant 0 : i32
        %scan3A_141 = arith.constant 0 : i32
        %scan3A_142 = arith.constant 24 : i32
        %scan3A_143 = arith.addi %scan3A_141, %scan3A_142 : i32
        %scan3A_144 = arith.constant 2 : i32
        scf.for %scan3A_146 = %scan3A_141 to %scan3A_143 step %scan3A_144  : i32 {
          %mul3A_147 = arith.constant 16 : i32
          %mul3A_148 = arith.muli %scan3A_146, %mul3A_147 : i32
          %add3A_149 = vector.broadcast %mul3A_148 : i32 to vector<16xi32>
          %add3A_150 = arith.addi %iota3A, %add3A_149 : vector<16xi32>
          %add3A_151 = arith.constant 0 : i32
          %add3A_152 = vector.broadcast %add3A_151 : i32 to vector<16xi32>
          %add3A_153 = arith.addi %and3A_138, %add3A_152 : vector<16xi32>
          %gather3A = tpu.vector_load_idx %arg5[%add3A_153, %add3A_150] : memref<64x384xf32, #tpu.memory_space<vmem>>[vector<16xi32>, vector<16xi32>], vector<16xf32>,
          %mul3A_154 = arith.constant 1024 : i32
          %mul3A_155 = arith.muli %scan3A_146, %mul3A_154 : i32
          %add3A_156 = arith.constant 0 : i32
          %add3A_157 = arith.addi %mul3A_155, %add3A_156 : i32
          %add3A_158 = vector.broadcast %add3A_157 : i32 to vector<16xi32>
          %add3A_159 = arith.addi %add3A_139, %add3A_158 : vector<16xi32>
          tpu.vector_store_idx %arg7[%add3A_159], %gather3A : memref<24576xf32, #tpu.memory_space<vmem>>[vector<16xi32>], vector<16xf32>,
          %add3A_160 = arith.constant 16 : i32
          %add3A_161 = vector.broadcast %add3A_160 : i32 to vector<16xi32>
          %add3A_162 = arith.addi %and3A_138, %add3A_161 : vector<16xi32>
          %gather3A_163 = tpu.vector_load_idx %arg5[%add3A_162, %add3A_150] : memref<64x384xf32, #tpu.memory_space<vmem>>[vector<16xi32>, vector<16xi32>], vector<16xf32>,
          %mul3A_164 = arith.constant 1024 : i32
          %mul3A_165 = arith.muli %scan3A_146, %mul3A_164 : i32
          %add3A_166 = arith.constant 16 : i32
          %add3A_167 = arith.addi %mul3A_165, %add3A_166 : i32
          %add3A_168 = vector.broadcast %add3A_167 : i32 to vector<16xi32>
          %add3A_169 = arith.addi %add3A_139, %add3A_168 : vector<16xi32>
          tpu.vector_store_idx %arg7[%add3A_169], %gather3A_163 : memref<24576xf32, #tpu.memory_space<vmem>>[vector<16xi32>], vector<16xf32>,
          %add3A_170 = arith.constant 32 : i32
          %add3A_171 = vector.broadcast %add3A_170 : i32 to vector<16xi32>
          %add3A_172 = arith.addi %and3A_138, %add3A_171 : vector<16xi32>
          %gather3A_173 = tpu.vector_load_idx %arg5[%add3A_172, %add3A_150] : memref<64x384xf32, #tpu.memory_space<vmem>>[vector<16xi32>, vector<16xi32>], vector<16xf32>,
          %mul3A_174 = arith.constant 1024 : i32
          %mul3A_175 = arith.muli %scan3A_146, %mul3A_174 : i32
          %add3A_176 = arith.constant 32 : i32
          %add3A_177 = arith.addi %mul3A_175, %add3A_176 : i32
          %add3A_178 = vector.broadcast %add3A_177 : i32 to vector<16xi32>
          %add3A_179 = arith.addi %add3A_139, %add3A_178 : vector<16xi32>
          tpu.vector_store_idx %arg7[%add3A_179], %gather3A_173 : memref<24576xf32, #tpu.memory_space<vmem>>[vector<16xi32>], vector<16xf32>,
          %add3A_180 = arith.constant 48 : i32
          %add3A_181 = vector.broadcast %add3A_180 : i32 to vector<16xi32>
          %add3A_182 = arith.addi %and3A_138, %add3A_181 : vector<16xi32>
          %gather3A_183 = tpu.vector_load_idx %arg5[%add3A_182, %add3A_150] : memref<64x384xf32, #tpu.memory_space<vmem>>[vector<16xi32>, vector<16xi32>], vector<16xf32>,
          %mul3A_184 = arith.constant 1024 : i32
          %mul3A_185 = arith.muli %scan3A_146, %mul3A_184 : i32
          %add3A_186 = arith.constant 48 : i32
          %add3A_187 = arith.addi %mul3A_185, %add3A_186 : i32
          %add3A_188 = vector.broadcast %add3A_187 : i32 to vector<16xi32>
          %add3A_189 = arith.addi %add3A_139, %add3A_188 : vector<16xi32>
          tpu.vector_store_idx %arg7[%add3A_189], %gather3A_183 : memref<24576xf32, #tpu.memory_space<vmem>>[vector<16xi32>], vector<16xf32>,
          %scan3A_190 = arith.constant 1 : i32
          %scan3A_191 = arith.addi %scan3A_146, %scan3A_190 : i32
          %mul3A_192 = arith.constant 16 : i32
          %mul3A_193 = arith.muli %scan3A_191, %mul3A_192 : i32
          %add3A_194 = vector.broadcast %mul3A_193 : i32 to vector<16xi32>
          %add3A_195 = arith.addi %iota3A, %add3A_194 : vector<16xi32>
          %add3A_196 = arith.constant 0 : i32
          %add3A_197 = vector.broadcast %add3A_196 : i32 to vector<16xi32>
          %add3A_198 = arith.addi %and3A_138, %add3A_197 : vector<16xi32>
          %gather3A_199 = tpu.vector_load_idx %arg5[%add3A_198, %add3A_195] : memref<64x384xf32, #tpu.memory_space<vmem>>[vector<16xi32>, vector<16xi32>], vector<16xf32>,
          %mul3A_200 = arith.constant 1024 : i32
          %mul3A_201 = arith.muli %scan3A_191, %mul3A_200 : i32
          %add3A_202 = arith.constant 0 : i32
          %add3A_203 = arith.addi %mul3A_201, %add3A_202 : i32
          %add3A_204 = vector.broadcast %add3A_203 : i32 to vector<16xi32>
          %add3A_205 = arith.addi %add3A_139, %add3A_204 : vector<16xi32>
          tpu.vector_store_idx %arg7[%add3A_205], %gather3A_199 : memref<24576xf32, #tpu.memory_space<vmem>>[vector<16xi32>], vector<16xf32>,
          %add3A_206 = arith.constant 16 : i32
          %add3A_207 = vector.broadcast %add3A_206 : i32 to vector<16xi32>
          %add3A_208 = arith.addi %and3A_138, %add3A_207 : vector<16xi32>
          %gather3A_209 = tpu.vector_load_idx %arg5[%add3A_208, %add3A_195] : memref<64x384xf32, #tpu.memory_space<vmem>>[vector<16xi32>, vector<16xi32>], vector<16xf32>,
          %mul3A_210 = arith.constant 1024 : i32
          %mul3A_211 = arith.muli %scan3A_191, %mul3A_210 : i32
          %add3A_212 = arith.constant 16 : i32
          %add3A_213 = arith.addi %mul3A_211, %add3A_212 : i32
          %add3A_214 = vector.broadcast %add3A_213 : i32 to vector<16xi32>
          %add3A_215 = arith.addi %add3A_139, %add3A_214 : vector<16xi32>
          tpu.vector_store_idx %arg7[%add3A_215], %gather3A_209 : memref<24576xf32, #tpu.memory_space<vmem>>[vector<16xi32>], vector<16xf32>,
          %add3A_216 = arith.constant 32 : i32
          %add3A_217 = vector.broadcast %add3A_216 : i32 to vector<16xi32>
          %add3A_218 = arith.addi %and3A_138, %add3A_217 : vector<16xi32>
          %gather3A_219 = tpu.vector_load_idx %arg5[%add3A_218, %add3A_195] : memref<64x384xf32, #tpu.memory_space<vmem>>[vector<16xi32>, vector<16xi32>], vector<16xf32>,
          %mul3A_220 = arith.constant 1024 : i32
          %mul3A_221 = arith.muli %scan3A_191, %mul3A_220 : i32
          %add3A_222 = arith.constant 32 : i32
          %add3A_223 = arith.addi %mul3A_221, %add3A_222 : i32
          %add3A_224 = vector.broadcast %add3A_223 : i32 to vector<16xi32>
          %add3A_225 = arith.addi %add3A_139, %add3A_224 : vector<16xi32>
          tpu.vector_store_idx %arg7[%add3A_225], %gather3A_219 : memref<24576xf32, #tpu.memory_space<vmem>>[vector<16xi32>], vector<16xf32>,
          %add3A_226 = arith.constant 48 : i32
          %add3A_227 = vector.broadcast %add3A_226 : i32 to vector<16xi32>
          %add3A_228 = arith.addi %and3A_138, %add3A_227 : vector<16xi32>
          %gather3A_229 = tpu.vector_load_idx %arg5[%add3A_228, %add3A_195] : memref<64x384xf32, #tpu.memory_space<vmem>>[vector<16xi32>, vector<16xi32>], vector<16xf32>,
          %mul3A_230 = arith.constant 1024 : i32
          %mul3A_231 = arith.muli %scan3A_191, %mul3A_230 : i32
          %add3A_232 = arith.constant 48 : i32
          %add3A_233 = arith.addi %mul3A_231, %add3A_232 : i32
          %add3A_234 = vector.broadcast %add3A_233 : i32 to vector<16xi32>
          %add3A_235 = arith.addi %add3A_139, %add3A_234 : vector<16xi32>
          tpu.vector_store_idx %arg7[%add3A_235], %gather3A_229 : memref<24576xf32, #tpu.memory_space<vmem>>[vector<16xi32>], vector<16xf32>,
        }
        %scan3A_145 = arith.constant 24 : i32
      }
      %scan3A_73 = arith.constant 16 : i32
      %mul3A_74 = arith.constant 32 : i32
      %mul3A_75 = arith.muli %add3A_57, %mul3A_74 : i32
      %add3A_76 = arith.addi %mul3A_75, %add3A : i32
      %min3A_77 = arith.constant 2603 : i32
      %min3A_78 = arith.minsi %add3A_76, %min3A_77 : i32
      %mul3A_79 = arith.constant 384 : i32
      %mul3A_80 = arith.muli %min3A_78, %mul3A_79 : i32
      %multiple_of3A_81 = tpu.assume_multiple %mul3A_80, 128 : i32
      %mul3A_82 = arith.constant 64 : i32
      %mul3A_83 = arith.muli %multiple_of3A_81, %mul3A_82 : i32
      %multiple_of3A_84 = tpu.assume_multiple %mul3A_83, 8 : i32
      %dma_start3A_85 = tpu.memref_slice %arg4[%multiple_of3A_84] : memref<64000000xf32, #tpu.memory_space<hbm>> -> memref<24576xf32, #tpu.memory_space<hbm>>
      %dma_start3A_86 = tpu.memref_slice %arg4[%multiple_of3A_84] : memref<64000000xf32, #tpu.memory_space<hbm>> -> memref<24576xf32, #tpu.memory_space<hbm>>
      tpu.enqueue_dma source(%arg7 : memref<24576xf32, #tpu.memory_space<vmem>>) target(%dma_start3A_86 : memref<24576xf32, #tpu.memory_space<hbm>>) target_semaphore(%arg12 : memref<!tpu.dma_semaphore, #tpu.memory_space<semaphore_mem>>)
      %add3A_87 = arith.constant 2 : i32
      %add3A_88 = arith.addi %add3A_57, %add3A_87 : i32
      %lt3A = arith.constant 82 : i32
      %lt3A_89 = arith.cmpi slt, %add3A_88, %lt3A : i32
      %convert_element_type3A_90 = arith.extui %lt3A_89 : i1 to i32
      %cond3A_91 = arith.constant 0 : i32
      %cond3A_92 = arith.cmpi ne, %convert_element_type3A_90, %cond3A_91 : i32
      scf.if %cond3A_92 {
        %add3A_134 = arith.constant 2 : i32
        %add3A_135 = arith.addi %add3A_57, %add3A_134 : i32
        %mul3A_136 = arith.constant 32 : i32
        %mul3A_137 = arith.muli %add3A_135, %mul3A_136 : i32
        %add3A_138 = arith.addi %mul3A_137, %add3A : i32
        %min3A_139 = arith.constant 2603 : i32
        %min3A_140 = arith.minsi %add3A_138, %min3A_139 : i32
        %mul3A_141 = arith.constant 384 : i32
        %mul3A_142 = arith.muli %min3A_140, %mul3A_141 : i32
        %multiple_of3A_143 = tpu.assume_multiple %mul3A_142, 128 : i32
        %dma_start3A_144 = arith.constant 0 : i32
        %dma_start3A_145 = tpu.memref_slice %arg2[%dma_start3A_144, %multiple_of3A_143] : memref<64x1000000xf32, #tpu.memory_space<hbm>> -> memref<64x384xf32, #tpu.memory_space<hbm>>
        %dma_start3A_146 = arith.constant 0 : i32
        %dma_start3A_147 = tpu.memref_slice %arg2[%dma_start3A_146, %multiple_of3A_143] : memref<64x1000000xf32, #tpu.memory_space<hbm>> -> memref<64x384xf32, #tpu.memory_space<hbm>>
        tpu.enqueue_dma source(%dma_start3A_147 : memref<64x384xf32, #tpu.memory_space<hbm>>) target(%arg5 : memref<64x384xf32, #tpu.memory_space<vmem>>) target_semaphore(%arg10 : memref<!tpu.dma_semaphore, #tpu.memory_space<semaphore_mem>>)
      } else {
      }
      %mul3A_93 = arith.constant 2 : i32
      %mul3A_94 = arith.muli %mul3A_93, %scan3A_53 : i32
      %add3A_95 = arith.constant 1 : i32
      %add3A_96 = arith.addi %mul3A_94, %add3A_95 : i32
      %dma_wait3A_97 = arith.constant 0 : i32
      %dma_wait3A_98 = arith.constant 0 : i32
      %dma_wait3A_99 = tpu.memref_slice %arg2[%dma_wait3A_97, %dma_wait3A_98] : memref<64x1000000xf32, #tpu.memory_space<hbm>> -> memref<64x384xf32, #tpu.memory_space<hbm>>
      %dma_wait3A_100 = arith.constant 0 : i32
      %dma_wait3A_101 = arith.constant 0 : i32
      %dma_wait3A_102 = tpu.memref_slice %arg2[%dma_wait3A_100, %dma_wait3A_101] : memref<64x1000000xf32, #tpu.memory_space<hbm>> -> memref<64x384xf32, #tpu.memory_space<hbm>>
      tpu.wait_dma2 semaphore(%arg11 : memref<!tpu.dma_semaphore, #tpu.memory_space<semaphore_mem>>) src(%dma_wait3A_102 : memref<64x384xf32, #tpu.memory_space<hbm>>) dst(%arg6 : memref<64x384xf32, #tpu.memory_space<vmem>>)
      %ge3A_103 = arith.constant 2 : i32
      %ge3A_104 = arith.cmpi sge, %add3A_96, %ge3A_103 : i32
      %convert_element_type3A_105 = arith.extui %ge3A_104 : i1 to i32
      %cond3A_106 = arith.constant 0 : i32
      %cond3A_107 = arith.cmpi ne, %convert_element_type3A_105, %cond3A_106 : i32
      scf.if %cond3A_107 {
        %dma_wait3A_134 = arith.constant 0 : i32
        %dma_wait3A_135 = tpu.memref_slice %arg4[%dma_wait3A_134] : memref<64000000xf32, #tpu.memory_space<hbm>> -> memref<24576xf32, #tpu.memory_space<hbm>>
        %dma_wait3A_136 = arith.constant 0 : i32
        %dma_wait3A_137 = tpu.memref_slice %arg4[%dma_wait3A_136] : memref<64000000xf32, #tpu.memory_space<hbm>> -> memref<24576xf32, #tpu.memory_space<hbm>>
        tpu.wait_dma2 semaphore(%arg13 : memref<!tpu.dma_semaphore, #tpu.memory_space<semaphore_mem>>) src(%arg8 : memref<24576xf32, #tpu.memory_space<vmem>>) dst(%dma_wait3A_137 : memref<24576xf32, #tpu.memory_space<hbm>>)
      } else {
      }
      %scan3A_108 = arith.constant 0 : i32
      %scan3A_109 = arith.constant 0 : i32
      %scan3A_110 = arith.constant 16 : i32
      %scan3A_111 = arith.addi %scan3A_109, %scan3A_110 : i32
      %scan3A_112 = arith.constant 1 : i32
      scf.for %scan3A_134 = %scan3A_109 to %scan3A_111 step %scan3A_112  : i32 {
        %add3A_135 = vector.broadcast %scan3A_134 : i32 to vector<16xi32>
        %add3A_136 = arith.addi %iota3A, %add3A_135 : vector<16xi32>
        %and3A = arith.constant 15 : i32
        %and3A_137 = vector.broadcast %and3A : i32 to vector<16xi32>
        %and3A_138 = arith.andi %add3A_136, %and3A_137 : vector<16xi32>
        %add3A_139 = arith.addi %mul3A_15, %and3A_138 : vector<16xi32>
        %scan3A_140 = arith.constant 0 : i32
        %scan3A_141 = arith.constant 0 : i32
        %scan3A_142 = arith.constant 24 : i32
        %scan3A_143 = arith.addi %scan3A_141, %scan3A_142 : i32
        %scan3A_144 = arith.constant 2 : i32
        scf.for %scan3A_146 = %scan3A_141 to %scan3A_143 step %scan3A_144  : i32 {
          %mul3A_147 = arith.constant 16 : i32
          %mul3A_148 = arith.muli %scan3A_146, %mul3A_147 : i32
          %add3A_149 = vector.broadcast %mul3A_148 : i32 to vector<16xi32>
          %add3A_150 = arith.addi %iota3A, %add3A_149 : vector<16xi32>
          %add3A_151 = arith.constant 0 : i32
          %add3A_152 = vector.broadcast %add3A_151 : i32 to vector<16xi32>
          %add3A_153 = arith.addi %and3A_138, %add3A_152 : vector<16xi32>
          %gather3A = tpu.vector_load_idx %arg6[%add3A_153, %add3A_150] : memref<64x384xf32, #tpu.memory_space<vmem>>[vector<16xi32>, vector<16xi32>], vector<16xf32>,
          %mul3A_154 = arith.constant 1024 : i32
          %mul3A_155 = arith.muli %scan3A_146, %mul3A_154 : i32
          %add3A_156 = arith.constant 0 : i32
          %add3A_157 = arith.addi %mul3A_155, %add3A_156 : i32
          %add3A_158 = vector.broadcast %add3A_157 : i32 to vector<16xi32>
          %add3A_159 = arith.addi %add3A_139, %add3A_158 : vector<16xi32>
          tpu.vector_store_idx %arg8[%add3A_159], %gather3A : memref<24576xf32, #tpu.memory_space<vmem>>[vector<16xi32>], vector<16xf32>,
          %add3A_160 = arith.constant 16 : i32
          %add3A_161 = vector.broadcast %add3A_160 : i32 to vector<16xi32>
          %add3A_162 = arith.addi %and3A_138, %add3A_161 : vector<16xi32>
          %gather3A_163 = tpu.vector_load_idx %arg6[%add3A_162, %add3A_150] : memref<64x384xf32, #tpu.memory_space<vmem>>[vector<16xi32>, vector<16xi32>], vector<16xf32>,
          %mul3A_164 = arith.constant 1024 : i32
          %mul3A_165 = arith.muli %scan3A_146, %mul3A_164 : i32
          %add3A_166 = arith.constant 16 : i32
          %add3A_167 = arith.addi %mul3A_165, %add3A_166 : i32
          %add3A_168 = vector.broadcast %add3A_167 : i32 to vector<16xi32>
          %add3A_169 = arith.addi %add3A_139, %add3A_168 : vector<16xi32>
          tpu.vector_store_idx %arg8[%add3A_169], %gather3A_163 : memref<24576xf32, #tpu.memory_space<vmem>>[vector<16xi32>], vector<16xf32>,
          %add3A_170 = arith.constant 32 : i32
          %add3A_171 = vector.broadcast %add3A_170 : i32 to vector<16xi32>
          %add3A_172 = arith.addi %and3A_138, %add3A_171 : vector<16xi32>
          %gather3A_173 = tpu.vector_load_idx %arg6[%add3A_172, %add3A_150] : memref<64x384xf32, #tpu.memory_space<vmem>>[vector<16xi32>, vector<16xi32>], vector<16xf32>,
          %mul3A_174 = arith.constant 1024 : i32
          %mul3A_175 = arith.muli %scan3A_146, %mul3A_174 : i32
          %add3A_176 = arith.constant 32 : i32
          %add3A_177 = arith.addi %mul3A_175, %add3A_176 : i32
          %add3A_178 = vector.broadcast %add3A_177 : i32 to vector<16xi32>
          %add3A_179 = arith.addi %add3A_139, %add3A_178 : vector<16xi32>
          tpu.vector_store_idx %arg8[%add3A_179], %gather3A_173 : memref<24576xf32, #tpu.memory_space<vmem>>[vector<16xi32>], vector<16xf32>,
          %add3A_180 = arith.constant 48 : i32
          %add3A_181 = vector.broadcast %add3A_180 : i32 to vector<16xi32>
          %add3A_182 = arith.addi %and3A_138, %add3A_181 : vector<16xi32>
          %gather3A_183 = tpu.vector_load_idx %arg6[%add3A_182, %add3A_150] : memref<64x384xf32, #tpu.memory_space<vmem>>[vector<16xi32>, vector<16xi32>], vector<16xf32>,
          %mul3A_184 = arith.constant 1024 : i32
          %mul3A_185 = arith.muli %scan3A_146, %mul3A_184 : i32
          %add3A_186 = arith.constant 48 : i32
          %add3A_187 = arith.addi %mul3A_185, %add3A_186 : i32
          %add3A_188 = vector.broadcast %add3A_187 : i32 to vector<16xi32>
          %add3A_189 = arith.addi %add3A_139, %add3A_188 : vector<16xi32>
          tpu.vector_store_idx %arg8[%add3A_189], %gather3A_183 : memref<24576xf32, #tpu.memory_space<vmem>>[vector<16xi32>], vector<16xf32>,
          %scan3A_190 = arith.constant 1 : i32
          %scan3A_191 = arith.addi %scan3A_146, %scan3A_190 : i32
          %mul3A_192 = arith.constant 16 : i32
          %mul3A_193 = arith.muli %scan3A_191, %mul3A_192 : i32
          %add3A_194 = vector.broadcast %mul3A_193 : i32 to vector<16xi32>
          %add3A_195 = arith.addi %iota3A, %add3A_194 : vector<16xi32>
          %add3A_196 = arith.constant 0 : i32
          %add3A_197 = vector.broadcast %add3A_196 : i32 to vector<16xi32>
          %add3A_198 = arith.addi %and3A_138, %add3A_197 : vector<16xi32>
          %gather3A_199 = tpu.vector_load_idx %arg6[%add3A_198, %add3A_195] : memref<64x384xf32, #tpu.memory_space<vmem>>[vector<16xi32>, vector<16xi32>], vector<16xf32>,
          %mul3A_200 = arith.constant 1024 : i32
          %mul3A_201 = arith.muli %scan3A_191, %mul3A_200 : i32
          %add3A_202 = arith.constant 0 : i32
          %add3A_203 = arith.addi %mul3A_201, %add3A_202 : i32
          %add3A_204 = vector.broadcast %add3A_203 : i32 to vector<16xi32>
          %add3A_205 = arith.addi %add3A_139, %add3A_204 : vector<16xi32>
          tpu.vector_store_idx %arg8[%add3A_205], %gather3A_199 : memref<24576xf32, #tpu.memory_space<vmem>>[vector<16xi32>], vector<16xf32>,
          %add3A_206 = arith.constant 16 : i32
          %add3A_207 = vector.broadcast %add3A_206 : i32 to vector<16xi32>
          %add3A_208 = arith.addi %and3A_138, %add3A_207 : vector<16xi32>
          %gather3A_209 = tpu.vector_load_idx %arg6[%add3A_208, %add3A_195] : memref<64x384xf32, #tpu.memory_space<vmem>>[vector<16xi32>, vector<16xi32>], vector<16xf32>,
          %mul3A_210 = arith.constant 1024 : i32
          %mul3A_211 = arith.muli %scan3A_191, %mul3A_210 : i32
          %add3A_212 = arith.constant 16 : i32
          %add3A_213 = arith.addi %mul3A_211, %add3A_212 : i32
          %add3A_214 = vector.broadcast %add3A_213 : i32 to vector<16xi32>
          %add3A_215 = arith.addi %add3A_139, %add3A_214 : vector<16xi32>
          tpu.vector_store_idx %arg8[%add3A_215], %gather3A_209 : memref<24576xf32, #tpu.memory_space<vmem>>[vector<16xi32>], vector<16xf32>,
          %add3A_216 = arith.constant 32 : i32
          %add3A_217 = vector.broadcast %add3A_216 : i32 to vector<16xi32>
          %add3A_218 = arith.addi %and3A_138, %add3A_217 : vector<16xi32>
          %gather3A_219 = tpu.vector_load_idx %arg6[%add3A_218, %add3A_195] : memref<64x384xf32, #tpu.memory_space<vmem>>[vector<16xi32>, vector<16xi32>], vector<16xf32>,
          %mul3A_220 = arith.constant 1024 : i32
          %mul3A_221 = arith.muli %scan3A_191, %mul3A_220 : i32
          %add3A_222 = arith.constant 32 : i32
          %add3A_223 = arith.addi %mul3A_221, %add3A_222 : i32
          %add3A_224 = vector.broadcast %add3A_223 : i32 to vector<16xi32>
          %add3A_225 = arith.addi %add3A_139, %add3A_224 : vector<16xi32>
          tpu.vector_store_idx %arg8[%add3A_225], %gather3A_219 : memref<24576xf32, #tpu.memory_space<vmem>>[vector<16xi32>], vector<16xf32>,
          %add3A_226 = arith.constant 48 : i32
          %add3A_227 = vector.broadcast %add3A_226 : i32 to vector<16xi32>
          %add3A_228 = arith.addi %and3A_138, %add3A_227 : vector<16xi32>
          %gather3A_229 = tpu.vector_load_idx %arg6[%add3A_228, %add3A_195] : memref<64x384xf32, #tpu.memory_space<vmem>>[vector<16xi32>, vector<16xi32>], vector<16xf32>,
          %mul3A_230 = arith.constant 1024 : i32
          %mul3A_231 = arith.muli %scan3A_191, %mul3A_230 : i32
          %add3A_232 = arith.constant 48 : i32
          %add3A_233 = arith.addi %mul3A_231, %add3A_232 : i32
          %add3A_234 = vector.broadcast %add3A_233 : i32 to vector<16xi32>
          %add3A_235 = arith.addi %add3A_139, %add3A_234 : vector<16xi32>
          tpu.vector_store_idx %arg8[%add3A_235], %gather3A_229 : memref<24576xf32, #tpu.memory_space<vmem>>[vector<16xi32>], vector<16xf32>,
        }
        %scan3A_145 = arith.constant 24 : i32
      }
      %scan3A_113 = arith.constant 16 : i32
      %mul3A_114 = arith.constant 32 : i32
      %mul3A_115 = arith.muli %add3A_96, %mul3A_114 : i32
      %add3A_116 = arith.addi %mul3A_115, %add3A : i32
      %min3A_117 = arith.constant 2603 : i32
      %min3A_118 = arith.minsi %add3A_116, %min3A_117 : i32
      %mul3A_119 = arith.constant 384 : i32
      %mul3A_120 = arith.muli %min3A_118, %mul3A_119 : i32
      %multiple_of3A_121 = tpu.assume_multiple %mul3A_120, 128 : i32
      %mul3A_122 = arith.constant 64 : i32
      %mul3A_123 = arith.muli %multiple_of3A_121, %mul3A_122 : i32
      %multiple_of3A_124 = tpu.assume_multiple %mul3A_123, 8 : i32
      %dma_start3A_125 = tpu.memref_slice %arg4[%multiple_of3A_124] : memref<64000000xf32, #tpu.memory_space<hbm>> -> memref<24576xf32, #tpu.memory_space<hbm>>
      %dma_start3A_126 = tpu.memref_slice %arg4[%multiple_of3A_124] : memref<64000000xf32, #tpu.memory_space<hbm>> -> memref<24576xf32, #tpu.memory_space<hbm>>
      tpu.enqueue_dma source(%arg8 : memref<24576xf32, #tpu.memory_space<vmem>>) target(%dma_start3A_126 : memref<24576xf32, #tpu.memory_space<hbm>>) target_semaphore(%arg13 : memref<!tpu.dma_semaphore, #tpu.memory_space<semaphore_mem>>)
      %add3A_127 = arith.constant 2 : i32
      %add3A_128 = arith.addi %add3A_96, %add3A_127 : i32
      %lt3A_129 = arith.constant 82 : i32
      %lt3A_130 = arith.cmpi slt, %add3A_128, %lt3A_129 : i32
      %convert_element_type3A_131 = arith.extui %lt3A_130 : i1 to i32
      %cond3A_132 = arith.constant 0 : i32
      %cond3A_133 = arith.cmpi ne, %convert_element_type3A_131, %cond3A_132 : i32
      scf.if %cond3A_133 {
        %add3A_134 = arith.constant 2 : i32
        %add3A_135 = arith.addi %add3A_96, %add3A_134 : i32
        %mul3A_136 = arith.constant 32 : i32
        %mul3A_137 = arith.muli %add3A_135, %mul3A_136 : i32
        %add3A_138 = arith.addi %mul3A_137, %add3A : i32
        %min3A_139 = arith.constant 2603 : i32
        %min3A_140 = arith.minsi %add3A_138, %min3A_139 : i32
        %mul3A_141 = arith.constant 384 : i32
        %mul3A_142 = arith.muli %min3A_140, %mul3A_141 : i32
        %multiple_of3A_143 = tpu.assume_multiple %mul3A_142, 128 : i32
        %dma_start3A_144 = arith.constant 0 : i32
        %dma_start3A_145 = tpu.memref_slice %arg2[%dma_start3A_144, %multiple_of3A_143] : memref<64x1000000xf32, #tpu.memory_space<hbm>> -> memref<64x384xf32, #tpu.memory_space<hbm>>
        %dma_start3A_146 = arith.constant 0 : i32
        %dma_start3A_147 = tpu.memref_slice %arg2[%dma_start3A_146, %multiple_of3A_143] : memref<64x1000000xf32, #tpu.memory_space<hbm>> -> memref<64x384xf32, #tpu.memory_space<hbm>>
        tpu.enqueue_dma source(%dma_start3A_147 : memref<64x384xf32, #tpu.memory_space<hbm>>) target(%arg6 : memref<64x384xf32, #tpu.memory_space<vmem>>) target_semaphore(%arg11 : memref<!tpu.dma_semaphore, #tpu.memory_space<semaphore_mem>>)
      } else {
      }
    }
    %scan3A_43 = arith.constant 41 : i32
    %dma_wait3A = arith.constant 0 : i32
    %dma_wait3A_44 = tpu.memref_slice %arg4[%dma_wait3A] : memref<64000000xf32, #tpu.memory_space<hbm>> -> memref<24576xf32, #tpu.memory_space<hbm>>
    %dma_wait3A_45 = arith.constant 0 : i32
    %dma_wait3A_46 = tpu.memref_slice %arg4[%dma_wait3A_45] : memref<64000000xf32, #tpu.memory_space<hbm>> -> memref<24576xf32, #tpu.memory_space<hbm>>
    tpu.wait_dma2 semaphore(%arg12 : memref<!tpu.dma_semaphore, #tpu.memory_space<semaphore_mem>>) src(%arg7 : memref<24576xf32, #tpu.memory_space<vmem>>) dst(%dma_wait3A_46 : memref<24576xf32, #tpu.memory_space<hbm>>)
    %dma_wait3A_47 = arith.constant 0 : i32
    %dma_wait3A_48 = tpu.memref_slice %arg4[%dma_wait3A_47] : memref<64000000xf32, #tpu.memory_space<hbm>> -> memref<24576xf32, #tpu.memory_space<hbm>>
    %dma_wait3A_49 = arith.constant 0 : i32
    %dma_wait3A_50 = tpu.memref_slice %arg4[%dma_wait3A_49] : memref<64000000xf32, #tpu.memory_space<hbm>> -> memref<24576xf32, #tpu.memory_space<hbm>>
    tpu.wait_dma2 semaphore(%arg13 : memref<!tpu.dma_semaphore, #tpu.memory_space<semaphore_mem>>) src(%arg8 : memref<24576xf32, #tpu.memory_space<vmem>>) dst(%dma_wait3A_50 : memref<24576xf32, #tpu.memory_space<hbm>>)
    %eq3A = arith.constant 1 : i32
    %eq3A_51 = arith.cmpi eq, %add3A, %eq3A : i32
    %convert_element_type3A = arith.extui %eq3A_51 : i1 to i32
    %cond3A = arith.constant 0 : i32
    %cond3A_52 = arith.cmpi ne, %convert_element_type3A, %cond3A : i32
    scf.if %cond3A_52 {
      "tpu.region"() ({
        %run_scoped3A = tpu.sem_alloc : memref<!tpu.dma_semaphore, #tpu.memory_space<semaphore_mem>>
        tpu.enqueue_dma source(%arg3 : memref<64x64xf32, #tpu.memory_space<hbm>>) target(%arg9 : memref<64x64xf32, #tpu.memory_space<vmem>>) target_semaphore(%run_scoped3A : memref<!tpu.dma_semaphore, #tpu.memory_space<semaphore_mem>>)
        tpu.wait_dma2 semaphore(%run_scoped3A : memref<!tpu.dma_semaphore, #tpu.memory_space<semaphore_mem>>) src(%arg3 : memref<64x64xf32, #tpu.memory_space<hbm>>) dst(%arg9 : memref<64x64xf32, #tpu.memory_space<vmem>>)
        tpu.yield
      }) : () -> ()
      %scan3A_53 = arith.constant 0 : i32
      %scan3A_54 = arith.constant 0 : i32
      %scan3A_55 = arith.constant 16 : i32
      %scan3A_56 = arith.addi %scan3A_54, %scan3A_55 : i32
      %scan3A_57 = arith.constant 1 : i32
      scf.for %scan3A_59 = %scan3A_54 to %scan3A_56 step %scan3A_57  : i32 {
        %add3A_60 = vector.broadcast %scan3A_59 : i32 to vector<16xi32>
        %add3A_61 = arith.addi %iota3A, %add3A_60 : vector<16xi32>
        %and3A = arith.constant 15 : i32
        %and3A_62 = vector.broadcast %and3A : i32 to vector<16xi32>
        %and3A_63 = arith.andi %add3A_61, %and3A_62 : vector<16xi32>
        %add3A_64 = arith.addi %mul3A_15, %and3A_63 : vector<16xi32>
        %scan3A_65 = arith.constant 0 : i32
        %scan3A_66 = arith.constant 0 : i32
        %scan3A_67 = arith.constant 4 : i32
        %scan3A_68 = arith.addi %scan3A_66, %scan3A_67 : i32
        %scan3A_69 = arith.constant 2 : i32
        scf.for %scan3A_71 = %scan3A_66 to %scan3A_68 step %scan3A_69  : i32 {
          %mul3A_72 = arith.constant 16 : i32
          %mul3A_73 = arith.muli %scan3A_71, %mul3A_72 : i32
          %add3A_74 = vector.broadcast %mul3A_73 : i32 to vector<16xi32>
          %add3A_75 = arith.addi %iota3A, %add3A_74 : vector<16xi32>
          %add3A_76 = arith.constant 0 : i32
          %add3A_77 = vector.broadcast %add3A_76 : i32 to vector<16xi32>
          %add3A_78 = arith.addi %and3A_63, %add3A_77 : vector<16xi32>
          %gather3A = tpu.vector_load_idx %arg9[%add3A_78, %add3A_75] : memref<64x64xf32, #tpu.memory_space<vmem>>[vector<16xi32>, vector<16xi32>], vector<16xf32>,
          %mul3A_79 = arith.constant 1024 : i32
          %mul3A_80 = arith.muli %scan3A_71, %mul3A_79 : i32
          %add3A_81 = arith.constant 0 : i32
          %add3A_82 = arith.addi %mul3A_80, %add3A_81 : i32
          %add3A_83 = vector.broadcast %add3A_82 : i32 to vector<16xi32>
          %add3A_84 = arith.addi %add3A_64, %add3A_83 : vector<16xi32>
          tpu.vector_store_idx %arg7[%add3A_84], %gather3A : memref<24576xf32, #tpu.memory_space<vmem>>[vector<16xi32>], vector<16xf32>,
          %add3A_85 = arith.constant 16 : i32
          %add3A_86 = vector.broadcast %add3A_85 : i32 to vector<16xi32>
          %add3A_87 = arith.addi %and3A_63, %add3A_86 : vector<16xi32>
          %gather3A_88 = tpu.vector_load_idx %arg9[%add3A_87, %add3A_75] : memref<64x64xf32, #tpu.memory_space<vmem>>[vector<16xi32>, vector<16xi32>], vector<16xf32>,
          %mul3A_89 = arith.constant 1024 : i32
          %mul3A_90 = arith.muli %scan3A_71, %mul3A_89 : i32
          %add3A_91 = arith.constant 16 : i32
          %add3A_92 = arith.addi %mul3A_90, %add3A_91 : i32
          %add3A_93 = vector.broadcast %add3A_92 : i32 to vector<16xi32>
          %add3A_94 = arith.addi %add3A_64, %add3A_93 : vector<16xi32>
          tpu.vector_store_idx %arg7[%add3A_94], %gather3A_88 : memref<24576xf32, #tpu.memory_space<vmem>>[vector<16xi32>], vector<16xf32>,
          %add3A_95 = arith.constant 32 : i32
          %add3A_96 = vector.broadcast %add3A_95 : i32 to vector<16xi32>
          %add3A_97 = arith.addi %and3A_63, %add3A_96 : vector<16xi32>
          %gather3A_98 = tpu.vector_load_idx %arg9[%add3A_97, %add3A_75] : memref<64x64xf32, #tpu.memory_space<vmem>>[vector<16xi32>, vector<16xi32>], vector<16xf32>,
          %mul3A_99 = arith.constant 1024 : i32
          %mul3A_100 = arith.muli %scan3A_71, %mul3A_99 : i32
          %add3A_101 = arith.constant 32 : i32
          %add3A_102 = arith.addi %mul3A_100, %add3A_101 : i32
          %add3A_103 = vector.broadcast %add3A_102 : i32 to vector<16xi32>
          %add3A_104 = arith.addi %add3A_64, %add3A_103 : vector<16xi32>
          tpu.vector_store_idx %arg7[%add3A_104], %gather3A_98 : memref<24576xf32, #tpu.memory_space<vmem>>[vector<16xi32>], vector<16xf32>,
          %add3A_105 = arith.constant 48 : i32
          %add3A_106 = vector.broadcast %add3A_105 : i32 to vector<16xi32>
          %add3A_107 = arith.addi %and3A_63, %add3A_106 : vector<16xi32>
          %gather3A_108 = tpu.vector_load_idx %arg9[%add3A_107, %add3A_75] : memref<64x64xf32, #tpu.memory_space<vmem>>[vector<16xi32>, vector<16xi32>], vector<16xf32>,
          %mul3A_109 = arith.constant 1024 : i32
          %mul3A_110 = arith.muli %scan3A_71, %mul3A_109 : i32
          %add3A_111 = arith.constant 48 : i32
          %add3A_112 = arith.addi %mul3A_110, %add3A_111 : i32
          %add3A_113 = vector.broadcast %add3A_112 : i32 to vector<16xi32>
          %add3A_114 = arith.addi %add3A_64, %add3A_113 : vector<16xi32>
          tpu.vector_store_idx %arg7[%add3A_114], %gather3A_108 : memref<24576xf32, #tpu.memory_space<vmem>>[vector<16xi32>], vector<16xf32>,
          %scan3A_115 = arith.constant 1 : i32
          %scan3A_116 = arith.addi %scan3A_71, %scan3A_115 : i32
          %mul3A_117 = arith.constant 16 : i32
          %mul3A_118 = arith.muli %scan3A_116, %mul3A_117 : i32
          %add3A_119 = vector.broadcast %mul3A_118 : i32 to vector<16xi32>
          %add3A_120 = arith.addi %iota3A, %add3A_119 : vector<16xi32>
          %add3A_121 = arith.constant 0 : i32
          %add3A_122 = vector.broadcast %add3A_121 : i32 to vector<16xi32>
          %add3A_123 = arith.addi %and3A_63, %add3A_122 : vector<16xi32>
          %gather3A_124 = tpu.vector_load_idx %arg9[%add3A_123, %add3A_120] : memref<64x64xf32, #tpu.memory_space<vmem>>[vector<16xi32>, vector<16xi32>], vector<16xf32>,
          %mul3A_125 = arith.constant 1024 : i32
          %mul3A_126 = arith.muli %scan3A_116, %mul3A_125 : i32
          %add3A_127 = arith.constant 0 : i32
          %add3A_128 = arith.addi %mul3A_126, %add3A_127 : i32
          %add3A_129 = vector.broadcast %add3A_128 : i32 to vector<16xi32>
          %add3A_130 = arith.addi %add3A_64, %add3A_129 : vector<16xi32>
          tpu.vector_store_idx %arg7[%add3A_130], %gather3A_124 : memref<24576xf32, #tpu.memory_space<vmem>>[vector<16xi32>], vector<16xf32>,
          %add3A_131 = arith.constant 16 : i32
          %add3A_132 = vector.broadcast %add3A_131 : i32 to vector<16xi32>
          %add3A_133 = arith.addi %and3A_63, %add3A_132 : vector<16xi32>
          %gather3A_134 = tpu.vector_load_idx %arg9[%add3A_133, %add3A_120] : memref<64x64xf32, #tpu.memory_space<vmem>>[vector<16xi32>, vector<16xi32>], vector<16xf32>,
          %mul3A_135 = arith.constant 1024 : i32
          %mul3A_136 = arith.muli %scan3A_116, %mul3A_135 : i32
          %add3A_137 = arith.constant 16 : i32
          %add3A_138 = arith.addi %mul3A_136, %add3A_137 : i32
          %add3A_139 = vector.broadcast %add3A_138 : i32 to vector<16xi32>
          %add3A_140 = arith.addi %add3A_64, %add3A_139 : vector<16xi32>
          tpu.vector_store_idx %arg7[%add3A_140], %gather3A_134 : memref<24576xf32, #tpu.memory_space<vmem>>[vector<16xi32>], vector<16xf32>,
          %add3A_141 = arith.constant 32 : i32
          %add3A_142 = vector.broadcast %add3A_141 : i32 to vector<16xi32>
          %add3A_143 = arith.addi %and3A_63, %add3A_142 : vector<16xi32>
          %gather3A_144 = tpu.vector_load_idx %arg9[%add3A_143, %add3A_120] : memref<64x64xf32, #tpu.memory_space<vmem>>[vector<16xi32>, vector<16xi32>], vector<16xf32>,
          %mul3A_145 = arith.constant 1024 : i32
          %mul3A_146 = arith.muli %scan3A_116, %mul3A_145 : i32
          %add3A_147 = arith.constant 32 : i32
          %add3A_148 = arith.addi %mul3A_146, %add3A_147 : i32
          %add3A_149 = vector.broadcast %add3A_148 : i32 to vector<16xi32>
          %add3A_150 = arith.addi %add3A_64, %add3A_149 : vector<16xi32>
          tpu.vector_store_idx %arg7[%add3A_150], %gather3A_144 : memref<24576xf32, #tpu.memory_space<vmem>>[vector<16xi32>], vector<16xf32>,
          %add3A_151 = arith.constant 48 : i32
          %add3A_152 = vector.broadcast %add3A_151 : i32 to vector<16xi32>
          %add3A_153 = arith.addi %and3A_63, %add3A_152 : vector<16xi32>
          %gather3A_154 = tpu.vector_load_idx %arg9[%add3A_153, %add3A_120] : memref<64x64xf32, #tpu.memory_space<vmem>>[vector<16xi32>, vector<16xi32>], vector<16xf32>,
          %mul3A_155 = arith.constant 1024 : i32
          %mul3A_156 = arith.muli %scan3A_116, %mul3A_155 : i32
          %add3A_157 = arith.constant 48 : i32
          %add3A_158 = arith.addi %mul3A_156, %add3A_157 : i32
          %add3A_159 = vector.broadcast %add3A_158 : i32 to vector<16xi32>
          %add3A_160 = arith.addi %add3A_64, %add3A_159 : vector<16xi32>
          tpu.vector_store_idx %arg7[%add3A_160], %gather3A_154 : memref<24576xf32, #tpu.memory_space<vmem>>[vector<16xi32>], vector<16xf32>,
        }
        %scan3A_70 = arith.constant 4 : i32
      }
      %scan3A_58 = arith.constant 16 : i32
      "tpu.region"() ({
        %run_scoped3A = tpu.sem_alloc : memref<!tpu.dma_semaphore, #tpu.memory_space<semaphore_mem>>
        %dma_start3A_59 = arith.constant 0 : i32
        %dma_start3A_60 = tpu.memref_slice %arg7[%dma_start3A_59] : memref<24576xf32, #tpu.memory_space<vmem>> -> memref<4096xf32, #tpu.memory_space<vmem>>
        %dma_start3A_61 = arith.constant 63995904 : i32
        %dma_start3A_62 = tpu.memref_slice %arg4[%dma_start3A_61] : memref<64000000xf32, #tpu.memory_space<hbm>> -> memref<4096xf32, #tpu.memory_space<hbm>>
        %dma_start3A_63 = arith.constant 63995904 : i32
        %dma_start3A_64 = tpu.memref_slice %arg4[%dma_start3A_63] : memref<64000000xf32, #tpu.memory_space<hbm>> -> memref<4096xf32, #tpu.memory_space<hbm>>
        %dma_start3A_65 = arith.constant 0 : i32
        %dma_start3A_66 = tpu.memref_slice %arg7[%dma_start3A_65] : memref<24576xf32, #tpu.memory_space<vmem>> -> memref<4096xf32, #tpu.memory_space<vmem>>
        tpu.enqueue_dma source(%dma_start3A_66 : memref<4096xf32, #tpu.memory_space<vmem>>) target(%dma_start3A_64 : memref<4096xf32, #tpu.memory_space<hbm>>) target_semaphore(%run_scoped3A : memref<!tpu.dma_semaphore, #tpu.memory_space<semaphore_mem>>)
        %dma_wait3A_67 = arith.constant 0 : i32
        %dma_wait3A_68 = tpu.memref_slice %arg7[%dma_wait3A_67] : memref<24576xf32, #tpu.memory_space<vmem>> -> memref<4096xf32, #tpu.memory_space<vmem>>
        %dma_wait3A_69 = arith.constant 63995904 : i32
        %dma_wait3A_70 = tpu.memref_slice %arg4[%dma_wait3A_69] : memref<64000000xf32, #tpu.memory_space<hbm>> -> memref<4096xf32, #tpu.memory_space<hbm>>
        %dma_wait3A_71 = arith.constant 63995904 : i32
        %dma_wait3A_72 = tpu.memref_slice %arg4[%dma_wait3A_71] : memref<64000000xf32, #tpu.memory_space<hbm>> -> memref<4096xf32, #tpu.memory_space<hbm>>
        %dma_wait3A_73 = arith.constant 0 : i32
        %dma_wait3A_74 = tpu.memref_slice %arg7[%dma_wait3A_73] : memref<24576xf32, #tpu.memory_space<vmem>> -> memref<4096xf32, #tpu.memory_space<vmem>>
        tpu.wait_dma2 semaphore(%run_scoped3A : memref<!tpu.dma_semaphore, #tpu.memory_space<semaphore_mem>>) src(%dma_wait3A_74 : memref<4096xf32, #tpu.memory_space<vmem>>) dst(%dma_wait3A_72 : memref<4096xf32, #tpu.memory_space<hbm>>)
        tpu.yield
      }) : () -> ()
    } else {
    }
    return
  }
}

</mosaic_0001>

<sc_bundles>
// kernel: kernel.4.cloned.1.call-start
scs
__scs_entry_jumppad:
0x0: {  	(pc) =	sbr.rel $0x88, $3  }
0x1: {  	(tag) =	ssettag $0x0;
	lr =	simm.s32 $0x1  }
0x2: {  	[smem:$0x3F9E] =	sst lr;
	_ =	strace $0xD0000000  }
0x3: {  	_ = 	snop  }
0x4: {  	_ = 	snop  }
0x5: {  	_ = 	snop  }
0x6: {  	_ = 	snop  }
0x7: {  	_ = 	snop  }
__scs_overlays_trampoline_lowered:
0x8: {  	[smem:$0x3FAD] =	sst s0  }
0x9: {  	[smem:$0x3FAE] =	sst s1  }
0xa: {  	[smem:$0x3FAF] =	sst s2  }
0xb: {  	[smem:$0x3FB0] =	sst s3  }
0xc: {  	[smem:$0x3FB1] =	sst s4  }
0xd: {  	[smem:$0x3FB2] =	sst s5  }
0xe: {  	[smem:$0x3FB3] =	sst s6  }
0xf: {  	[smem:$0x3FB4] =	sst s7  }
0x10: {  	[smem:$0x3FB5] =	sst s8  }
0x11: {  	[smem:$0x3FB6] =	sst s9;
	s0 =	simm.s32 @!p0 $0x0  }
0x12: {  	s1 =	sld [smem:$0x3F9C];
	s0 =	simm.s32 @p0 $0x1  }
0x13: {  	[smem:$0x3FB7] =	sst s0;
	s0 =	simm.s32 @!p1 $0x0  }
0x14: {  	s2 =	sld [smem:$0x3F9B];
	s0 =	simm.s32 @p1 $0x1  }
0x15: {  	[smem:$0x3FB8] =	sst s0;
	s0 =	simm.s32 @!p2 $0x0  }
0x16: {  	s3 =	sld [smem:$0x3FDB];
	s0 =	simm.s32 @p2 $0x1  }
0x17: {  	s4 =	simm.s32 $0x1BF5;
	[smem:$0x3FBA] =	sst s0  }
0x18: {  	s0 =	sld [smem:$0x3F9D];
	_ =	swait.ge [sflag:s4], $0x0  }
0x19: {  	s7 =	sld [smem:$0x3F9E]  }
0x1a: {  	s8 =	sadd.s32 $0xFFFFE003, lr  }
0x1b: {  	s9 =	sadd.s32 $0xFFFFFEF7, lr;
	s5 =	simm.s32 $0xFFFFFFFF;
	p2 =	slt.u32 s8, $0xFFFFF086  }
0x1c: {  	p1 =	slt.u32 s9, $0xF7A;
	s5 =	simm.s32 @!p2 $0x0  }
0x1d: {  	s5 =	simm.s32 @p1 $0x1;
	p0 =	seq.s32 s7, s2  }
0x1e: {  	s7 =	smul.u32 @!p0 $0xF7A, s2;
	p2 =	seq.s32 @!p0 s5, $0x0  }
0x1f: {  	s9 =	smul.u32 $0xF7A, s1;
	s8 =	simm.s32 @!p0 $0x1BF5;
	p2 =	por !p2, p0  }
0x20: {  	[sflag:s8] =	ssyncset.s32 @!p0 $0xFFFFF086;
	s6 =	sadd.s32 @!p0 s3, s7;
	s7 =	simm.s32 @!p0 $0x108  }
0x21: {  	s3 =	sadd.s32 s3, s9;
	s6 =	sadd.s32 @!p0 $0x88, s6;
	s7 =	simm.s32 @p2 $0x1082  }
0x22: {  	[simem:s7], [sflag:s8] =	dma.local @!p0 [hbm:s6], $0xF7A  }
0x23: {  	s9 =	sor.u32 $0xD0000000, s2;
	s6 =	simm.s32 $0x108;
	_ =	swait.ge @!p0 [sflag:s8], $0x0  }
0x24: {  	s3 =	sadd.s32 $0x88, s3;
	s6 =	simm.s32 @!p1 $0x1082;
	[sflag:s4] =	ssyncset.s32 $0xFFFFF086  }
0x25: {  	[simem:s6], [sflag:s4] =	dma.local [hbm:s3], $0xF7A  }
0x26: {  	[smem:$0x3F9E] =	sst s1;
	(tag) =	ssettag s2;
	_ =	strace s9  }
0x27: {  	s1 =	sld [smem:$0x3FAE]  }
0x28: {  	s2 =	sld [smem:$0x3FAF]  }
0x29: {  	s4 =	sld [smem:$0x3FB1]  }
0x2a: {  	p0 =	seq.s32 s5, $0x0;
	s5 =	sld [smem:$0x3FB2]  }
0x2b: {  	s6 =	sld [smem:$0x3FB3]  }
0x2c: {  	s7 =	sld [smem:$0x3FB4]  }
0x2d: {  	s3 =	simm.s32 $0x108;
	s8 =	sld [smem:$0x3FB5]  }
0x2e: {  	s3 =	simm.s32 @!p0 $0x1082;
	s9 =	sld [smem:$0x3FB6]  }
0x2f: {  	lr =	sadd.s32 s0, s3;
	s0 =	sld [smem:$0x3FAD]  }
0x30: {  	s3 =	sld [smem:$0x3FB0]  }
0x31: {  	[smem:$0x3FB9] =	sst s10  }
0x32: {  	s10 =	sld [smem:$0x3FB7];
	_ =	sdelay $0x3  }
0x33: {  	p0 =	seq.s32 s10, $0x1;
	s10 =	sld [smem:$0x3FB9];
	_ =	sdelay $0x3  }
0x34: {  	[smem:$0x3FB9] =	sst s10  }
0x35: {  	s10 =	sld [smem:$0x3FB8];
	_ =	sdelay $0x3  }
0x36: {  	p1 =	seq.s32 s10, $0x1;
	s10 =	sld [smem:$0x3FB9];
	_ =	sdelay $0x3  }
0x37: {  	[smem:$0x3FB9] =	sst s10  }
0x38: {  	s10 =	sld [smem:$0x3FBA]  }
0x39: {  	_ = 	snop;
	(pc) =	sbr.ind lr, $3  }
0x3a: {  	_ = 	snop  }
0x3b: {  	_ = 	snop  }
0x3c: {  	p2 =	seq.s32 s10, $0x1;
	s10 =	sld [smem:$0x3FB9]  }
0x3d: {  	_ =	shalt  }
0x3e: {  	_ =	shalt  }
0x3f: {  	_ =	shalt  }
0x40: {  	_ =	shalt  }
0x41: {  	_ =	shalt  }
0x42: {  	_ =	shalt  }
0x43: {  	_ =	shalt  }
0x44: {  	_ =	shalt  }
0x45: {  	_ =	shalt  }
0x46: {  	_ =	shalt  }
0x47: {  	_ =	shalt  }
0x48: {  	_ =	shalt  }
0x49: {  	_ =	shalt  }
0x4a: {  	_ =	shalt  }
0x4b: {  	_ =	shalt  }
0x4c: {  	_ =	shalt  }
0x4d: {  	_ =	shalt  }
0x4e: {  	_ =	shalt  }
0x4f: {  	_ =	shalt  }
0x50: {  	_ =	shalt  }
0x51: {  	_ =	shalt  }
0x52: {  	_ =	shalt  }
0x53: {  	_ =	shalt  }
0x54: {  	_ =	shalt  }
0x55: {  	_ =	shalt  }
0x56: {  	_ =	shalt  }
0x57: {  	_ =	shalt  }
0x58: {  	_ =	shalt  }
0x59: {  	_ =	shalt  }
0x5a: {  	_ =	shalt  }
0x5b: {  	_ =	shalt  }
0x5c: {  	_ =	shalt  }
0x5d: {  	_ =	shalt  }
0x5e: {  	_ =	shalt  }
0x5f: {  	_ =	shalt  }
0x60: {  	_ =	shalt  }
0x61: {  	_ =	shalt  }
0x62: {  	_ =	shalt  }
0x63: {  	_ =	shalt  }
0x64: {  	_ =	shalt  }
0x65: {  	_ =	shalt  }
0x66: {  	_ =	shalt  }
0x67: {  	_ =	shalt  }
0x68: {  	_ =	shalt  }
0x69: {  	_ =	shalt  }
0x6a: {  	_ =	shalt  }
0x6b: {  	_ =	shalt  }
0x6c: {  	_ =	shalt  }
0x6d: {  	_ =	shalt  }
0x6e: {  	_ =	shalt  }
0x6f: {  	_ =	shalt  }
0x70: {  	_ =	shalt  }
0x71: {  	_ =	shalt  }
0x72: {  	_ =	shalt  }
0x73: {  	_ =	shalt  }
0x74: {  	_ =	shalt  }
0x75: {  	_ =	shalt  }
0x76: {  	_ =	shalt  }
0x77: {  	_ =	shalt  }
0x78: {  	_ =	shalt  }
0x79: {  	_ =	shalt  }
0x7a: {  	_ =	shalt  }
0x7b: {  	_ =	shalt  }
0x7c: {  	_ =	shalt  }
0x7d: {  	_ =	shalt  }
0x7e: {  	_ =	shalt  }
0x7f: {  	_ =	shalt  }
0x80: {  	_ =	shalt  }
0x81: {  	_ =	shalt  }
0x82: {  	_ =	shalt  }
0x83: {  	_ =	shalt  }
0x84: {  	_ =	shalt  }
0x85: {  	_ =	shalt  }
0x86: {  	_ =	shalt  }
0x87: {  	_ =	shalt  }
.Lfunc_end0:
.L_simem_size_0:
called_computation_lowered:
.L_overlay_start_0:
0x88: {  	s2 =	sld [smem:$0x3FD9]  }
0x89: {  	s3 =	sld [smem:$0x3FFE];
	_ =	sdelay $0x1  }
0x8a: {  	s1 =	srdreg.scid  }
0x8b: {  	s0 =	sand.u32 $0x1, s1  }
0x8c: {  	s17 =	sshll.u32 s0, $0xA;
	s2 =	sadd.s32 s3, s2  }
0x8d: {  	s2 =	sadd.s32 s2, s17  }
0x8e: {  	[smem:$0x3FC5] =	sst s2  }
0x8f: {  	_ = 	snop  }
0x90: {  	s2 =	sld [smem:$0x3FC7]  }
0x91: {  	s18 =	sld [smem:$0x3FD0];
	(tm) =	ssettm $0x1  }
0x92: {  	s4 =	sld [smem:$0x3FFB];
	_ =	sdelay $0x3  }
0x93: {  	_ =	strace s4  }
0x94: {  	s4 =	sld [smem:$0x3FFC];
	_ =	sdelay $0x3  }
0x95: {  	_ =	strace s4  }
0x96: {  	s4 =	sld [smem:$0x3FFD];
	_ =	sdelay $0x3  }
0x97: {  	_ =	strace s4  }
0x98: {  	_ =	strace $0x8FFFFFFF  }
0x99: {  	s19 =	sld [smem:$0x3FDB];
	_ =	sdelay $0x1  }
0x9a: {  	s5 =	simm.s32 $_scs_section_size  }
0x9b: {  	s6 =	simm.s32 $_size__tile_overlayer_lowered;
	s7 =	simm.s32 $_tile_overlayer_lowered  }
0x9c: {  	s22 =	simm.s32 $0x1BFF;
	s21 =	sshll.u32 s7, $0x1;
	s4 =	sadd.s32 s5, s19  }
0x9d: {  	s8 =	simm.s32 $0x0;
	s20 =	sshll.u32 s6, $0x1;
	s6 =	sadd.s32 s21, s4  }
0x9e: {  	[timem:s8], [sflag:s22] =	dma.local [hbm:s6], s20  }
0x9f: {  	_ =	swait.ge [sflag:s22], s20  }
0xa0: {  	s5 =	ssub.s32 $0x0, s20;
	[sflag:s22] =	ssyncset.done $0x0  }
0xa1: {  	[sflag:s22] =	ssyncadd.s32 s5;
	_ =	sdelay $0x1  }
0xa2: {  	s23 =	simm.s32 $0x1B8B  }
0xa3: {  	_ =	swait.ge [sflag:s23], $0x1  }
0xa4: {  	[sflag:s23] =	ssyncset.done $0x0  }
0xa5: {  	s25 =	simm.s32 $0x1B8E;
	s24 =	sld [smem:$0x3FFE];
	[sflag:s23] =	ssyncadd.s32 $0xFFFFFFFF  }
0xa6: {  	s26 =	simm.s32 $execute0_lowered;
	[smem:$0x3FD2] =	sst s25  }
0xa7: {  	s6 =	sshll.u32 s26, $0x1;
	_ =	strace $0x80000046;
	[dreg:$0x1] =	wrdreg $0xFFFFFFFF  }
0xa8: {  	s28 =	simm.s32 $_size_execute0_lowered;
	s4 =	sadd.s32 s4, s6;
	[dreg:$0x0] =	wrdreg $0x0  }
0xa9: {  	s6 =	sshll.u32 s28, $0x1;
	[dreg:$0x2] =	wrdreg s4  }
0xaa: {  	[dreg:$0x3] =	wrdreg s6  }
0xab: {  	[dreg:$0x4] =	wrdreg $0xC0  }
0xac: {  	_ =	task [dreg:s8], $0x5FFFF  }
0xad: {  	[dreg:$0x1] =	wrdreg $0xFFFFFFFF  }
0xae: {  	[dreg:$0x0] =	wrdreg $0x60  }
0xaf: {  	[dreg:$0x2] =	wrdreg s2  }
0xb0: {  	[dreg:$0x3] =	wrdreg s18  }
0xb1: {  	[dreg:$0x4] =	wrdreg s24  }
0xb2: {  	[dreg:$0x5] =	wrdreg $0x9  }
0xb3: {  	_ =	task.clear_ibuf [dreg:s8], $0x6FFFF;
	_ =	strace $0x90000046  }
0xb4: {  	s29 =	simm.s32 $0x9;
	_ =	strace $0x80000048  }
0xb5: {  	_ =	swait.ge [sflag:s29], $0x1  }
0xb6: {  	[sflag:s29] =	ssyncadd.s32 $0xFFFFFFFF  }
0xb7: {  	_ =	strace $0x90000048  }
0xb8: {  	_ =	sfence  }
0xb9: {  	s30 =	sld [smem:$0x0];
	_ =	sdelay $0x2  }
0xba: {  	s31 =	sshll.u32 s1, $0xD;
	s1 =	sshrl.u32 s1, $0x2  }
0xbb: {  	s3 =	sand.u32 $0x4000, s31;
	s1 =	sadd.s32 s1, s30  }
0xbc: {  	s0 =	sor.u32 s3, s0;
	s1 =	sshll.u32 s1, $0x11  }
0xbd: {  	s0 =	sor.u32 s1, s0  }
0xbe: {  	s0 =	sadd.s32 $0x8F2B, s0  }
0xbf: {  	[sflag:s0] =	ssyncadd.remote.s32 $0x1  }
0xc0: {  	_ =	sfence.sel $0xFFFF  }
0xc1: {  	[dreg:$0x0] =	wrdreg $0xFFFFFFFF;
	(pc) =	sbr.abs _section_cstart, $3  }
0xc2: {  	[dreg:$0x1] =	wrdreg $0xFFFFFFFF  }
0xc3: {  	_ =	task.clear_ibuf [dreg:s8], $0x2FFFF;
	_ =	strace $0x9FFFFFFF  }
0xc4: {  	(tm) =	ssettm $0x7FFFFFFF  }
0xc5: {  	_ =	shalt  }
tec
execute0_lowered:
.L_overlay_start_1:
0x0: {  	(tag) =	ssettag $0x1  }
0x1: {  	s1 =	rddreg [dreg:$0x0]  }
0x2: {  	s3 =	rddreg [dreg:$0x1];
	s2 =	srdreg.scid  }
0x3: {  	s0 =	stileid.u32;
	s11 =	rddreg [dreg:$0x2];
	s4 =	simm.s32 $0x0  }
0x4: {  	s13 =	simm.s32 $0xC00;
	s14 =	simm.s32 $0x7A1400;
	s15 =	simm.s32 $0x6000  }
0x5: {  	s16 =	simm.s32 $0x1;
	s17 =	simm.s32 $0xC000;
	s18 =	simm.s32 $0x2  }
0x6: {  	s19 =	simm.s32 $0x4;
	s20 =	simm.s32 $0x12000;
	s21 =	simm.s32 $0x3  }
0x7: {  	s22 =	simm.s32 $0x18000;
	s2 =	sand.u32 $0x1, s2;
	s5 =	sshll.u32 s0, $0x1  }
0x8: {  	s23 =	simm.s32 $0x5;
	s24 =	simm.s32 $0x0;
	s5 =	sor.u32 s2, s5  }
0x9: {  	[smem:$0x7FF] =	sst s4;
	s6 =	sadd.s32 $0xC00, s11;
	s7 =	smul.u32 $0xC00, s5  }
.Ltmp0:
0xa: {  	s11 =	sadd.s32 $0x7A1C00, s11;
	s2 =	ssub.s32 $0x2, s2;
	(pc) =	sbr.rel .LBB2_1-.Ltmp0, $4  }
0xb: {  	_ =	strace $0x80000047;
	s8 =	smul.u32 $0x180, s5;
	s9 =	sshrl.u32 s2, $0x1  }
0xc: {  	p0 =	sne.s32 s5, $0x1;
	s2 =	ssub.s32 s2, s9;
	s10 =	sshrl.u32 s7, $0x3  }
0xd: {  	v0 =	vlaneseq.u32;
	s9 =	sor.u32 $0x40, s5;
	s7 =	sadd.s32 s1, s8;
	s31 =	sadd.s32 s1, s10  }
0xe: {  	v1 =	vmul.u32 $0x40, v0;
	s12 =	smax.u32 s2, $0x1;
	s10 =	sor.u32 $0x60, s5;
	s8 =	sadd.s32 $0x3000, s31  }
.LBB2_22:
0xf: {  	s24 =	sadd.s32 $0x1, s24  }
0x10: {  	p1 =	sne.s32 s24, s12  }
.Ltmp1:
0x11: {  	_ = 	snop;
	(pc) =	sbr.rel @!p1 .LBB2_23-.Ltmp1, $1  }
0x12: {  	_ =	sdelay $0x3  }
.LBB2_1:
0x13: {  	[tilespmem:s4], [sflag:$0x1] =	stream.strided.gather [hbm4b:s7+s13], $0x6000, s14, s13, $0x38;
	[tilespmem:$0x1A000] =	vst v63  }
0x14: {  	s25 =	simm.s32 $0x0  }
0x15: {  	[tilespmem:s15], [sflag:$0x2] =	stream.strided.gather [hbm4b:s8+s13], $0x6000, s14, s13, $0x38;
	[tilespmem:$0x1A000] =	vst v63  }
.LBB2_2:
0x16: {  	_ =	swait.ge [sflag:s16], $0x6000  }
0x17: {  	p1 =	seq.s32 s25, $0x0;
	[sflag:s16] =	ssyncset.done $0x0  }
0x18: {  	s2 =	simm.s32 @!p1 $0x3;
	[sflag:s16] =	ssyncadd.s32 $0xFFFFA000  }
0x19: {  	_ =	swait.ge @!p1 [sflag:s2], $0x6000  }
0x1a: {  	[sflag:s2] =	ssyncset.done @!p1 $0x0  }
0x1b: {  	s26 =	sshll.u32 s25, $0x6;
	s28 =	simm.s32 $0x0;
	[sflag:s2] =	ssyncadd.s32 @!p1 $0xFFFFA000  }
.LBB2_3:
0x1c: {  	v2 =	vadd.s32 s28, v0  }
0x1d: {  	v3 =	vand.u32 $0xF, v2  }
0x1e: {  	s2 =	simm.s32 $0x0;
	v4 =	vshrl.u32 v3, $0x3  }
0x1f: {  	v2 =	vshll.u32 v2, $0x7;
	v5 =	vmov s2;
	v4 =	vmul.u32 $0xC00, v4  }
0x20: {  	v2 =	vand.u32 $0x380, v2;
	v5 =	vshll.u32 v5, $0x3  }
0x21: {  	v7 =	vand.u32 $0xC00, v5;
	v2 =	vor.u32 v2, v4;
	v4 =	vor.u32 s2, v0  }
0x22: {  	v8 =	vand.u32 $0x6F, v4;
	v4 =	vadd.s32 v2, v7  }
0x23: {  	v5 =	vor.u32 v8, v4;
	_ =	sdelay $0x3  }
0x24: {  	s0 =	simm.s32 $0x0;
	v3 =	vor.u32 v1, v3;
	v4 =	vadd.s32 $0x1800, v2  }
0x25: {  	v9 =	vor.u32 s0, v3;
	v6 =	vld.idx.msk [tilespmem:v5+s4+$0x0], $0xffff;
	v5 =	vadd.s32 v4, v7  }
0x26: {  	v10 =	vor.u32 v8, v5;
	_ =	sdelay $0x3  }
0x27: {  	s0 =	simm.s32 $0x10;
	v5 =	vor.u32 $0x3000, v2;
	[tilespmem:v9+s17+$0x0] =	vst.idx.msk $0xffff, v6  }
0x28: {  	v6 =	vadd.s32 v5, v7;
	v9 =	vld.idx.msk [tilespmem:v10+s4+$0x0], $0xffff;
	v10 =	vor.u32 s0, v3  }
0x29: {  	v11 =	vor.u32 v8, v6;
	_ =	sdelay $0x3  }
0x2a: {  	v6 =	vadd.s32 $0x4800, v2;
	s0 =	simm.s32 $0x20;
	[tilespmem:v10+s17+$0x0] =	vst.idx.msk $0xffff, v9  }
0x2b: {  	v7 =	vadd.s32 v6, v7;
	v10 =	vor.u32 s0, v3;
	v9 =	vld.idx.msk [tilespmem:v11+s4+$0x0], $0xffff  }
0x2c: {  	v7 =	vor.u32 v8, v7  }
0x2d: {  	s0 =	simm.s32 $0x10  }
0x2e: {  	v8 =	vmov s0  }
0x2f: {  	v8 =	vshll.u32 v8, $0x3  }
0x30: {  	s29 =	simm.s32 $0x30;
	v8 =	vand.u32 $0xC00, v8;
	[tilespmem:v10+s17+$0x0] =	vst.idx.msk $0xffff, v9;
	v9 =	vor.u32 s0, v0  }
0x31: {  	v10 =	vor.u32 s29, v3;
	v7 =	vld.idx.msk [tilespmem:v7+s4+$0x0], $0xffff;
	v11 =	vand.u32 $0x7F, v9;
	v9 =	vadd.s32 v2, v8  }
0x32: {  	v9 =	vor.u32 v11, v9;
	_ =	sdelay $0x3  }
0x33: {  	s0 =	simm.s32 $0x400;
	[tilespmem:v10+s17+$0x0] =	vst.idx.msk $0xffff, v7  }
0x34: {  	v10 =	vadd.s32 v4, v8;
	v7 =	vld.idx.msk [tilespmem:v9+s4+$0x0], $0xffff;
	v9 =	vor.u32 s0, v3  }
0x35: {  	v10 =	vor.u32 v11, v10;
	_ =	sdelay $0x3  }
0x36: {  	s0 =	simm.s32 $0x410;
	[tilespmem:v9+s17+$0x0] =	vst.idx.msk $0xffff, v7  }
0x37: {  	v9 =	vor.u32 s0, v3;
	v7 =	vld.idx.msk [tilespmem:v10+s4+$0x0], $0xffff;
	v10 =	vadd.s32 v5, v8  }
0x38: {  	v10 =	vor.u32 v11, v10;
	_ =	sdelay $0x3  }
0x39: {  	s0 =	simm.s32 $0x420;
	[tilespmem:v9+s17+$0x0] =	vst.idx.msk $0xffff, v7  }
0x3a: {  	v8 =	vadd.s32 v6, v8;
	v9 =	vor.u32 s0, v3;
	v7 =	vld.idx.msk [tilespmem:v10+s4+$0x0], $0xffff  }
0x3b: {  	v8 =	vor.u32 v11, v8  }
0x3c: {  	s30 =	simm.s32 $0x0;
	s31 =	simm.s32 $0x30;
	s29 =	simm.s32 $0x430  }
.LBB2_4:
0x3d: {  	s2 =	sadd.s32 $0xFFFFFFF0, s31;
	s30 =	sadd.s32 $0x2, s30  }
0x3e: {  	v10 =	vmov s2;
	p2 =	slt.u32 s30, $0x16  }
0x3f: {  	v10 =	vshll.u32 v10, $0x3;
	[tilespmem:v9+s17+$0x0] =	vst.idx.msk $0xffff, v7  }
0x40: {  	v7 =	vor.u32 s2, v0;
	v9 =	vand.u32 $0xC00, v10;
	v8 =	vld.idx.msk [tilespmem:v8+s4+$0x0], $0xffff  }
0x41: {  	v11 =	vor.u32 s29, v3;
	v7 =	vand.u32 $0x6F, v7;
	v10 =	vadd.s32 v2, v9  }
0x42: {  	v10 =	vor.u32 v7, v10;
	_ =	sdelay $0x3  }
0x43: {  	s29 =	sadd.s32 $0x800, s29;
	[tilespmem:v11+s17+$0x0] =	vst.idx.msk $0xffff, v8  }
0x44: {  	s2 =	sadd.s32 $0xFFFFFBD0, s29;
	v8 =	vld.idx.msk [tilespmem:v10+s4+$0x0], $0xffff  }
0x45: {  	v11 =	vadd.s32 v4, v9;
	v10 =	vor.u32 s2, v3  }
0x46: {  	v11 =	vor.u32 v7, v11;
	_ =	sdelay $0x3  }
0x47: {  	[tilespmem:v10+s17+$0x0] =	vst.idx.msk $0xffff, v8  }
0x48: {  	s2 =	sadd.s32 $0xFFFFFBE0, s29;
	v8 =	vld.idx.msk [tilespmem:v11+s4+$0x0], $0xffff  }
0x49: {  	v10 =	vor.u32 s2, v3;
	v11 =	vadd.s32 v5, v9  }
0x4a: {  	v11 =	vor.u32 v7, v11;
	_ =	sdelay $0x3  }
0x4b: {  	[tilespmem:v10+s17+$0x0] =	vst.idx.msk $0xffff, v8  }
0x4c: {  	s2 =	sadd.s32 $0xFFFFFBF0, s29;
	v8 =	vld.idx.msk [tilespmem:v11+s4+$0x0], $0xffff  }
0x4d: {  	v9 =	vadd.s32 v6, v9;
	v10 =	vor.u32 s2, v3  }
0x4e: {  	v7 =	vor.u32 v7, v9;
	_ =	sdelay $0x2  }
0x4f: {  	v9 =	vmov s31  }
0x50: {  	[tilespmem:v10+s17+$0x0] =	vst.idx.msk $0xffff, v8;
	v8 =	vshll.u32 v9, $0x3  }
0x51: {  	s2 =	sadd.s32 $0xFFFFFC00, s29;
	v9 =	vor.u32 s31, v0;
	v7 =	vld.idx.msk [tilespmem:v7+s4+$0x0], $0xffff;
	v8 =	vand.u32 $0xC00, v8  }
0x52: {  	v10 =	vor.u32 s2, v3;
	v11 =	vand.u32 $0x7F, v9;
	v9 =	vadd.s32 v2, v8  }
0x53: {  	v9 =	vor.u32 v11, v9;
	_ =	sdelay $0x3  }
0x54: {  	[tilespmem:v10+s17+$0x0] =	vst.idx.msk $0xffff, v7  }
0x55: {  	s2 =	sadd.s32 $0xFFFFFFD0, s29;
	v7 =	vld.idx.msk [tilespmem:v9+s4+$0x0], $0xffff  }
0x56: {  	v10 =	vadd.s32 v4, v8;
	v9 =	vor.u32 s2, v3  }
0x57: {  	v10 =	vor.u32 v11, v10;
	_ =	sdelay $0x3  }
0x58: {  	[tilespmem:v9+s17+$0x0] =	vst.idx.msk $0xffff, v7  }
0x59: {  	s2 =	sadd.s32 $0xFFFFFFE0, s29;
	v7 =	vld.idx.msk [tilespmem:v10+s4+$0x0], $0xffff  }
0x5a: {  	v9 =	vor.u32 s2, v3;
	v10 =	vadd.s32 v5, v8  }
0x5b: {  	v10 =	vor.u32 v11, v10;
	_ =	sdelay $0x3  }
.Ltmp2:
0x5c: {  	[tilespmem:v9+s17+$0x0] =	vst.idx.msk $0xffff, v7;
	(pc) =	sbr.rel @p2 .LBB2_4-.Ltmp2, $4  }
0x5d: {  	s2 =	sadd.s32 $0xFFFFFFF0, s29;
	v7 =	vld.idx.msk [tilespmem:v10+s4+$0x0], $0xffff  }
0x5e: {  	v8 =	vadd.s32 v6, v8;
	v9 =	vor.u32 s2, v3  }
0x5f: {  	v8 =	vor.u32 v11, v8  }
0x60: {  	s31 =	sadd.s32 $0x20, s31  }
0x61: {  	_ =	sdelay $0x3  }
0x62: {  	s28 =	sadd.s32 $0x1, s28;
	[tilespmem:v9+s17+$0x0] =	vst.idx.msk $0xffff, v7  }
0x63: {  	v3 =	vor.u32 s29, v3;
	p2 =	sne.s32 s28, $0x10;
	v2 =	vld.idx.msk [tilespmem:v8+s4+$0x0], $0xffff  }
.Ltmp3:
0x64: {  	_ = 	snop;
	(pc) =	sbr.rel @p2 .LBB2_3-.Ltmp3, $2  }
0x65: {  	_ =	sdelay $0x2  }
0x66: {  	[tilespmem:v3+s17+$0x0] =	vst.idx.msk $0xffff, v2  }
0x67: {  	p2 =	sne.s32 s25, $0x28  }
.Ltmp4:
0x68: {  	s28 =	sor.u32 s5, s26;
	(pc) =	sbr.rel @p2 .LBB2_8-.Ltmp4, $3  }
0x69: {  	s2 =	smul.u32 $0xC00, s28;
	_ =	sdelay $0x1  }
0x6a: {  	s2 =	sadd.s32 s6, s2  }
0x6b: {  	[hbm4b:s2+s4] =	stream.linear.scatter [tilespmem:s17], [sflag:$0x3], $0x6000, $0x38;
	[tilespmem:$0x1A000] =	vst v63  }
.Ltmp5:
0x6c: {  	(pc) =	sbr.rel .LBB2_9-.Ltmp5, $4  }
0x6d: {  	_ = 	snop  }
0x6e: {  	_ =	swait.ge [sflag:s18], $0x6000  }
0x6f: {  	[sflag:s18] =	ssyncset.done $0x0  }
0x70: {  	[sflag:s18] =	ssyncadd.s32 $0xFFFFA000  }
.LBB2_8:
0x71: {  	s2 =	sadd.s32 s9, s26  }
0x72: {  	s2 =	smin.u32 s2, $0xA2B  }
0x73: {  	s2 =	smul.u32 $0x180, s2;
	_ =	sdelay $0x1  }
.Ltmp6:
0x74: {  	s2 =	sadd.s32 s1, s2;
	(pc) =	sbr.rel @p1 .LBB2_10-.Ltmp6, $4  }
0x75: {  	[tilespmem:s4], [sflag:$0x1] =	stream.strided.gather [hbm4b:s2+s13], $0x6000, s14, s13, $0x38;
	[tilespmem:$0x1A000] =	vst v63  }
0x76: {  	_ =	swait.ge [sflag:s18], $0x6000  }
0x77: {  	[sflag:s18] =	ssyncset.done $0x0  }
0x78: {  	[sflag:s18] =	ssyncadd.s32 $0xFFFFA000  }
.LBB2_9:
0x79: {  	_ =	swait.ge [sflag:s19], $0x6000  }
0x7a: {  	[sflag:s19] =	ssyncset.done $0x0  }
0x7b: {  	[sflag:s19] =	ssyncadd.s32 $0xFFFFA000  }
.LBB2_10:
0x7c: {  	s29 =	simm.s32 $0x0  }
.LBB2_11:
0x7d: {  	v2 =	vadd.s32 s29, v0  }
0x7e: {  	v3 =	vand.u32 $0xF, v2  }
0x7f: {  	s2 =	simm.s32 $0x0;
	v4 =	vshrl.u32 v3, $0x3  }
0x80: {  	v2 =	vshll.u32 v2, $0x7;
	v5 =	vmov s2;
	v4 =	vmul.u32 $0xC00, v4  }
0x81: {  	v2 =	vand.u32 $0x380, v2;
	v5 =	vshll.u32 v5, $0x3  }
0x82: {  	v7 =	vand.u32 $0xC00, v5;
	v2 =	vor.u32 v2, v4;
	v4 =	vor.u32 s2, v0  }
0x83: {  	v8 =	vand.u32 $0x6F, v4;
	v4 =	vadd.s32 v2, v7  }
0x84: {  	v5 =	vor.u32 v8, v4;
	_ =	sdelay $0x3  }
0x85: {  	s0 =	simm.s32 $0x0;
	v3 =	vor.u32 v1, v3;
	v4 =	vadd.s32 $0x1800, v2  }
0x86: {  	v9 =	vor.u32 s0, v3;
	v6 =	vld.idx.msk [tilespmem:v5+s15+$0x0], $0xffff;
	v5 =	vadd.s32 v4, v7  }
0x87: {  	v10 =	vor.u32 v8, v5;
	_ =	sdelay $0x3  }
0x88: {  	s0 =	simm.s32 $0x10;
	v5 =	vor.u32 $0x3000, v2;
	[tilespmem:v9+s20+$0x0] =	vst.idx.msk $0xffff, v6  }
0x89: {  	v6 =	vadd.s32 v5, v7;
	v9 =	vld.idx.msk [tilespmem:v10+s15+$0x0], $0xffff;
	v10 =	vor.u32 s0, v3  }
0x8a: {  	v11 =	vor.u32 v8, v6;
	_ =	sdelay $0x3  }
0x8b: {  	v6 =	vadd.s32 $0x4800, v2;
	s0 =	simm.s32 $0x20;
	[tilespmem:v10+s20+$0x0] =	vst.idx.msk $0xffff, v9  }
0x8c: {  	v7 =	vadd.s32 v6, v7;
	v10 =	vor.u32 s0, v3;
	v9 =	vld.idx.msk [tilespmem:v11+s15+$0x0], $0xffff  }
0x8d: {  	v7 =	vor.u32 v8, v7  }
0x8e: {  	s0 =	simm.s32 $0x10  }
0x8f: {  	v8 =	vmov s0  }
0x90: {  	v8 =	vshll.u32 v8, $0x3  }
0x91: {  	s30 =	simm.s32 $0x30;
	v8 =	vand.u32 $0xC00, v8;
	[tilespmem:v10+s20+$0x0] =	vst.idx.msk $0xffff, v9;
	v9 =	vor.u32 s0, v0  }
0x92: {  	v10 =	vor.u32 s30, v3;
	v7 =	vld.idx.msk [tilespmem:v7+s15+$0x0], $0xffff;
	v11 =	vand.u32 $0x7F, v9;
	v9 =	vadd.s32 v2, v8  }
0x93: {  	v9 =	vor.u32 v11, v9;
	_ =	sdelay $0x3  }
0x94: {  	s0 =	simm.s32 $0x400;
	[tilespmem:v10+s20+$0x0] =	vst.idx.msk $0xffff, v7  }
0x95: {  	v10 =	vadd.s32 v4, v8;
	v7 =	vld.idx.msk [tilespmem:v9+s15+$0x0], $0xffff;
	v9 =	vor.u32 s0, v3  }
0x96: {  	v10 =	vor.u32 v11, v10;
	_ =	sdelay $0x3  }
0x97: {  	s0 =	simm.s32 $0x410;
	[tilespmem:v9+s20+$0x0] =	vst.idx.msk $0xffff, v7  }
0x98: {  	v9 =	vor.u32 s0, v3;
	v7 =	vld.idx.msk [tilespmem:v10+s15+$0x0], $0xffff;
	v10 =	vadd.s32 v5, v8  }
0x99: {  	v10 =	vor.u32 v11, v10;
	_ =	sdelay $0x3  }
0x9a: {  	s0 =	simm.s32 $0x420;
	[tilespmem:v9+s20+$0x0] =	vst.idx.msk $0xffff, v7  }
0x9b: {  	v8 =	vadd.s32 v6, v8;
	v9 =	vor.u32 s0, v3;
	v7 =	vld.idx.msk [tilespmem:v10+s15+$0x0], $0xffff  }
0x9c: {  	v8 =	vor.u32 v11, v8  }
0x9d: {  	s31 =	simm.s32 $0x0;
	s2 =	simm.s32 $0x30;
	s30 =	simm.s32 $0x430  }
.LBB2_12:
0x9e: {  	s0 =	sadd.s32 $0xFFFFFFF0, s2;
	s31 =	sadd.s32 $0x2, s31  }
0x9f: {  	v10 =	vmov s0;
	p1 =	slt.u32 s31, $0x16  }
0xa0: {  	v10 =	vshll.u32 v10, $0x3;
	[tilespmem:v9+s20+$0x0] =	vst.idx.msk $0xffff, v7  }
0xa1: {  	v7 =	vor.u32 s0, v0;
	v9 =	vand.u32 $0xC00, v10;
	v8 =	vld.idx.msk [tilespmem:v8+s15+$0x0], $0xffff  }
0xa2: {  	v11 =	vor.u32 s30, v3;
	v7 =	vand.u32 $0x6F, v7;
	v10 =	vadd.s32 v2, v9  }
0xa3: {  	v10 =	vor.u32 v7, v10;
	_ =	sdelay $0x3  }
0xa4: {  	s30 =	sadd.s32 $0x800, s30;
	[tilespmem:v11+s20+$0x0] =	vst.idx.msk $0xffff, v8  }
0xa5: {  	s0 =	sadd.s32 $0xFFFFFBD0, s30;
	v8 =	vld.idx.msk [tilespmem:v10+s15+$0x0], $0xffff  }
0xa6: {  	v11 =	vadd.s32 v4, v9;
	v10 =	vor.u32 s0, v3  }
0xa7: {  	v11 =	vor.u32 v7, v11;
	_ =	sdelay $0x3  }
0xa8: {  	[tilespmem:v10+s20+$0x0] =	vst.idx.msk $0xffff, v8  }
0xa9: {  	s0 =	sadd.s32 $0xFFFFFBE0, s30;
	v8 =	vld.idx.msk [tilespmem:v11+s15+$0x0], $0xffff  }
0xaa: {  	v10 =	vor.u32 s0, v3;
	v11 =	vadd.s32 v5, v9  }
0xab: {  	v11 =	vor.u32 v7, v11;
	_ =	sdelay $0x3  }
0xac: {  	[tilespmem:v10+s20+$0x0] =	vst.idx.msk $0xffff, v8  }
0xad: {  	s0 =	sadd.s32 $0xFFFFFBF0, s30;
	v8 =	vld.idx.msk [tilespmem:v11+s15+$0x0], $0xffff  }
0xae: {  	v9 =	vadd.s32 v6, v9;
	v10 =	vor.u32 s0, v3  }
0xaf: {  	v7 =	vor.u32 v7, v9;
	_ =	sdelay $0x2  }
0xb0: {  	v9 =	vmov s2  }
0xb1: {  	[tilespmem:v10+s20+$0x0] =	vst.idx.msk $0xffff, v8;
	v8 =	vshll.u32 v9, $0x3  }
0xb2: {  	s0 =	sadd.s32 $0xFFFFFC00, s30;
	v9 =	vor.u32 s2, v0;
	v7 =	vld.idx.msk [tilespmem:v7+s15+$0x0], $0xffff;
	v8 =	vand.u32 $0xC00, v8  }
0xb3: {  	v10 =	vor.u32 s0, v3;
	v11 =	vand.u32 $0x7F, v9;
	v9 =	vadd.s32 v2, v8  }
0xb4: {  	v9 =	vor.u32 v11, v9;
	_ =	sdelay $0x3  }
0xb5: {  	[tilespmem:v10+s20+$0x0] =	vst.idx.msk $0xffff, v7  }
0xb6: {  	s0 =	sadd.s32 $0xFFFFFFD0, s30;
	v7 =	vld.idx.msk [tilespmem:v9+s15+$0x0], $0xffff  }
0xb7: {  	v10 =	vadd.s32 v4, v8;
	v9 =	vor.u32 s0, v3  }
0xb8: {  	v10 =	vor.u32 v11, v10;
	_ =	sdelay $0x3  }
0xb9: {  	[tilespmem:v9+s20+$0x0] =	vst.idx.msk $0xffff, v7  }
0xba: {  	s0 =	sadd.s32 $0xFFFFFFE0, s30;
	v7 =	vld.idx.msk [tilespmem:v10+s15+$0x0], $0xffff  }
0xbb: {  	v9 =	vor.u32 s0, v3;
	v10 =	vadd.s32 v5, v8  }
0xbc: {  	v10 =	vor.u32 v11, v10;
	_ =	sdelay $0x3  }
.Ltmp7:
0xbd: {  	[tilespmem:v9+s20+$0x0] =	vst.idx.msk $0xffff, v7;
	(pc) =	sbr.rel @p1 .LBB2_12-.Ltmp7, $4  }
0xbe: {  	s0 =	sadd.s32 $0xFFFFFFF0, s30;
	v7 =	vld.idx.msk [tilespmem:v10+s15+$0x0], $0xffff  }
0xbf: {  	v8 =	vadd.s32 v6, v8;
	v9 =	vor.u32 s0, v3  }
0xc0: {  	v8 =	vor.u32 v11, v8  }
0xc1: {  	s2 =	sadd.s32 $0x20, s2  }
0xc2: {  	_ =	sdelay $0x3  }
0xc3: {  	s29 =	sadd.s32 $0x1, s29;
	[tilespmem:v9+s20+$0x0] =	vst.idx.msk $0xffff, v7  }
0xc4: {  	v3 =	vor.u32 s30, v3;
	p1 =	sne.s32 s29, $0x10;
	v2 =	vld.idx.msk [tilespmem:v8+s15+$0x0], $0xffff  }
.Ltmp8:
0xc5: {  	_ = 	snop;
	(pc) =	sbr.rel @p1 .LBB2_11-.Ltmp8, $2  }
0xc6: {  	_ =	sdelay $0x2  }
0xc7: {  	[tilespmem:v3+s20+$0x0] =	vst.idx.msk $0xffff, v2  }
0xc8: {  	s0 =	sor.u32 $0x20, s28;
	p1 =	seq.s32 s25, $0x28  }
.Ltmp9:
0xc9: {  	s0 =	smin.u32 s0, $0xA2B;
	(pc) =	sbr.rel @p1 .LBB2_16-.Ltmp9, $3  }
0xca: {  	s0 =	smul.u32 $0xC00, s0;
	_ =	sdelay $0x1  }
0xcb: {  	s0 =	sadd.s32 s6, s0  }
0xcc: {  	[hbm4b:s0+s4] =	stream.linear.scatter [tilespmem:s20], [sflag:$0x4], $0x6000, $0x38;
	[tilespmem:$0x1A000] =	vst v63  }
0xcd: {  	s0 =	sadd.s32 s10, s26  }
.Ltmp10:
0xce: {  	s0 =	smin.u32 s0, $0xA2B;
	(pc) =	sbr.rel .LBB2_2-.Ltmp10, $3  }
0xcf: {  	s0 =	smul.u32 $0x180, s0;
	_ =	sdelay $0x1  }
0xd0: {  	s25 =	sadd.s32 $0x1, s25;
	s0 =	sadd.s32 s1, s0  }
0xd1: {  	[tilespmem:s15], [sflag:$0x2] =	stream.strided.gather [hbm4b:s0+s13], $0x6000, s14, s13, $0x38;
	[tilespmem:$0x1A000] =	vst v63  }
.LBB2_16:
0xd2: {  	_ =	swait.ge [sflag:s21], $0x6000  }
.Ltmp11:
0xd3: {  	[sflag:s21] =	ssyncset.done $0x0;
	(pc) =	sbr.rel @p0 .LBB2_22-.Ltmp11, $4  }
0xd4: {  	[sflag:s21] =	ssyncadd.s32 $0xFFFFA000  }
0xd5: {  	_ =	swait.ge [sflag:s19], $0x6000  }
0xd6: {  	[sflag:s19] =	ssyncset.done $0x0  }
0xd7: {  	[sflag:s19] =	ssyncadd.s32 $0xFFFFA000  }
0xd8: {  	s2 =	simm.s32 $0x0  }
0xd9: {  	[tilespmem:s22], [sflag:$0x5] =	stream.linear.gather [hbm4b:s3+s2], $0x2000, $0x38;
	[tilespmem:$0x1A000] =	vst v63  }
0xda: {  	_ =	swait.ge [sflag:s23], $0x2000  }
0xdb: {  	[sflag:s23] =	ssyncset.done $0x0  }
0xdc: {  	[sflag:s23] =	ssyncadd.s32 $0xFFFFE000  }
.LBB2_18:
0xdd: {  	v4 =	vadd.s32 s2, v0  }
0xde: {  	v3 =	vand.u32 $0xF, v4  }
0xdf: {  	v6 =	vshll.u32 v4, $0x7;
	v2 =	vor.u32 v1, v3;
	v3 =	vshll.u32 v3, $0x7  }
0xe0: {  	p1 =	por $0x1, $0x1;
	s25 =	simm.s32 $0x0;
	v4 =	vor.u32 $0x800, v6;
	v6 =	vor.u32 $0x1800, v6;
	v5 =	vor.u32 $0x1000, v3  }
.LBB2_19:
0xe1: {  	s0 =	sshll.u32 s25, $0x4  }
0xe2: {  	v7 =	vor.u32 s0, v0  }
0xe3: {  	v8 =	vor.u32 v3, v7;
	_ =	sdelay $0x3  }
0xe4: {  	s30 =	sshll.u32 s25, $0xA  }
0xe5: {  	v9 =	vor.u32 s30, v2;
	v8 =	vld.idx.msk [tilespmem:v8+s22+$0x0], $0xffff  }
0xe6: {  	v10 =	vor.u32 v4, v7;
	_ =	sdelay $0x3  }
0xe7: {  	s26 =	sor.u32 $0x10, s30;
	[tilespmem:v9+s17+$0x0] =	vst.idx.msk $0xffff, v8  }
0xe8: {  	v57 =	vor.u32 s26, v2;
	v8 =	vld.idx.msk [tilespmem:v10+s22+$0x0], $0xffff  }
0xe9: {  	v58 =	vor.u32 v5, v7;
	_ =	sdelay $0x3  }
0xea: {  	s31 =	sor.u32 $0x20, s30;
	[tilespmem:v57+s17+$0x0] =	vst.idx.msk $0xffff, v8  }
0xeb: {  	v59 =	vor.u32 s31, v2;
	v8 =	vld.idx.msk [tilespmem:v58+s22+$0x0], $0xffff  }
0xec: {  	v7 =	vor.u32 v6, v7;
	_ =	sdelay $0x2  }
0xed: {  	s28 =	sor.u32 $0x1, s25  }
0xee: {  	s0 =	sor.u32 $0x30, s30;
	s29 =	sshll.u32 s28, $0x4;
	[tilespmem:v59+s17+$0x0] =	vst.idx.msk $0xffff, v8  }
0xef: {  	v60 =	vor.u32 s29, v0;
	v8 =	vor.u32 s0, v2;
	v7 =	vld.idx.msk [tilespmem:v7+s22+$0x0], $0xffff  }
0xf0: {  	v61 =	vor.u32 v3, v60;
	_ =	sdelay $0x3  }
0xf1: {  	s30 =	sshll.u32 s28, $0xA;
	[tilespmem:v8+s17+$0x0] =	vst.idx.msk $0xffff, v7  }
0xf2: {  	v8 =	vor.u32 s30, v2;
	v7 =	vld.idx.msk [tilespmem:v61+s22+$0x0], $0xffff  }
0xf3: {  	v62 =	vor.u32 v4, v60;
	_ =	sdelay $0x3  }
0xf4: {  	s25 =	sor.u32 $0x10, s30;
	[tilespmem:v8+s17+$0x0] =	vst.idx.msk $0xffff, v7  }
0xf5: {  	v8 =	vor.u32 s25, v2;
	v7 =	vld.idx.msk [tilespmem:v62+s22+$0x0], $0xffff  }
0xf6: {  	v63 =	vor.u32 v5, v60;
	_ =	sdelay $0x3  }
0xf7: {  	s31 =	sor.u32 $0x20, s30;
	[tilespmem:v8+s17+$0x0] =	vst.idx.msk $0xffff, v7  }
0xf8: {  	v8 =	vor.u32 s31, v2;
	v7 =	vld.idx.msk [tilespmem:v63+s22+$0x0], $0xffff  }
0xf9: {  	v9 =	vor.u32 v6, v60;
	_ =	sdelay $0x3  }
0xfa: {  	s0 =	sor.u32 $0x30, s30;
	[tilespmem:v8+s17+$0x0] =	vst.idx.msk $0xffff, v7  }
0xfb: {  	p2 =	por p1, p1;
	v8 =	vor.u32 s0, v2;
	v7 =	vld.idx.msk [tilespmem:v9+s22+$0x0], $0xffff  }
.Ltmp12:
0xfc: {  	_ = 	snop;
	(pc) =	sbr.rel @p2 .LBB2_19-.Ltmp12, $2  }
0xfd: {  	_ =	sdelay $0x2  }
0xfe: {  	p1 =	por $0x0, $0x0;
	s25 =	simm.s32 $0x2;
	[tilespmem:v8+s17+$0x0] =	vst.idx.msk $0xffff, v7  }
0xff: {  	s2 =	sadd.s32 $0x1, s2  }
0x100: {  	p1 =	sne.s32 s2, $0x10  }
.Ltmp13:
0x101: {  	_ = 	snop;
	(pc) =	sbr.rel @p1 .LBB2_18-.Ltmp13, $1  }
0x102: {  	_ =	sdelay $0x3  }
.Ltmp14:
0x103: {  	(pc) =	sbr.rel .LBB2_22-.Ltmp14, $4  }
0x104: {  	[hbm4b:s11+s4] =	stream.linear.scatter [tilespmem:s17], [sflag:$0x5], $0x1000, $0x38;
	[tilespmem:$0x1A000] =	vst v63  }
0x105: {  	_ =	swait.ge [sflag:s23], $0x1000  }
0x106: {  	[sflag:s23] =	ssyncset.done $0x0  }
0x107: {  	[sflag:s23] =	ssyncadd.s32 $0xFFFFF000  }
.LBB2_23:
0x108: {  	_ =	sfence.sel $0x180000  }
0x109: {  	[bflag:$0x0] =	sbarrier.arrive $0xFFFF  }
0x10a: {  	_ =	strace $0x90000047  }
0x10b: {  	s0 =	stileid.u32;
	[bflag:$0x2] =	sbarrier.arrive $0xFFFF  }
0x10c: {  	p0 =	sne.s32 s0, $0x0;
	s0 =	rddreg [dreg:$0x3]  }
0x10d: {  	s0 =	sadd.s32 @!p0 $0x100000, s0  }
0x10e: {  	[sflag:s0] =	ssyncadd.tile.s32 @!p0 $0x1;
	_ =	shalt  }
.Lfunc_end2:
_tile_overlayer_lowered:
.L_overlay_start_2:
0x10f: {  	(tag) =	ssettag $0x2  }
0x110: {  	s0 =	rddreg [dreg:$0x0];
	s2 =	stileid.u32  }
0x111: {  	s1 =	rddreg [dreg:$0x1];
	p0 =	sne.s32 s2, $0x0  }
0x112: {  	s3 =	rddreg [dreg:$0x2];
	[bflag:$0x3] =	sbarrier.arrive $0xFFFF;
	s2 =	simm.s32 @!p0 $0x1C05  }
0x113: {  	[timem:s3], [sflag:s2] =	dma.local @!p0 [hbm:s0], s1  }
0x114: {  	s0 =	simm.s32 @!p0 $0x5  }
0x115: {  	_ =	swait.ge @!p0 [sflag:s0], s1  }
0x116: {  	s1 =	ssub.s32 @!p0 $0x0, s1;
	[sflag:s0] =	ssyncset.done @!p0 $0x0  }
0x117: {  	[sflag:s0] =	ssyncadd.s32 @!p0 s1  }
0x118: {  	[bflag:$0x3] =	sbarrier.arrive $0xFFFF  }
0x119: {  	_ =	shalt  }

// kernel: kernel.7.cloned.1.call-start
scs
__scs_entry_jumppad:
0x0: {  	(pc) =	sbr.rel $0x88, $3  }
0x1: {  	(tag) =	ssettag $0x0;
	lr =	simm.s32 $0x1  }
0x2: {  	[smem:$0x3F9E] =	sst lr;
	_ =	strace $0xD0000000  }
0x3: {  	_ = 	snop  }
0x4: {  	_ = 	snop  }
0x5: {  	_ = 	snop  }
0x6: {  	_ = 	snop  }
0x7: {  	_ = 	snop  }
__scs_overlays_trampoline_lowered:
0x8: {  	[smem:$0x3FAD] =	sst s0  }
0x9: {  	[smem:$0x3FAE] =	sst s1  }
0xa: {  	[smem:$0x3FAF] =	sst s2  }
0xb: {  	[smem:$0x3FB0] =	sst s3  }
0xc: {  	[smem:$0x3FB1] =	sst s4  }
0xd: {  	[smem:$0x3FB2] =	sst s5  }
0xe: {  	[smem:$0x3FB3] =	sst s6  }
0xf: {  	[smem:$0x3FB4] =	sst s7  }
0x10: {  	[smem:$0x3FB5] =	sst s8  }
0x11: {  	[smem:$0x3FB6] =	sst s9;
	s0 =	simm.s32 @!p0 $0x0  }
0x12: {  	s1 =	sld [smem:$0x3F9C];
	s0 =	simm.s32 @p0 $0x1  }
0x13: {  	[smem:$0x3FB7] =	sst s0;
	s0 =	simm.s32 @!p1 $0x0  }
0x14: {  	s2 =	sld [smem:$0x3F9B];
	s0 =	simm.s32 @p1 $0x1  }
0x15: {  	[smem:$0x3FB8] =	sst s0;
	s0 =	simm.s32 @!p2 $0x0  }
0x16: {  	s3 =	sld [smem:$0x3FDB];
	s0 =	simm.s32 @p2 $0x1  }
0x17: {  	s4 =	simm.s32 $0x1BF5;
	[smem:$0x3FBA] =	sst s0  }
0x18: {  	s0 =	sld [smem:$0x3F9D];
	_ =	swait.ge [sflag:s4], $0x0  }
0x19: {  	s7 =	sld [smem:$0x3F9E]  }
0x1a: {  	s8 =	sadd.s32 $0xFFFFE003, lr  }
0x1b: {  	s9 =	sadd.s32 $0xFFFFFEF7, lr;
	s5 =	simm.s32 $0xFFFFFFFF;
	p2 =	slt.u32 s8, $0xFFFFF086  }
0x1c: {  	p1 =	slt.u32 s9, $0xF7A;
	s5 =	simm.s32 @!p2 $0x0  }
0x1d: {  	s5 =	simm.s32 @p1 $0x1;
	p0 =	seq.s32 s7, s2  }
0x1e: {  	s7 =	smul.u32 @!p0 $0xF7A, s2;
	p2 =	seq.s32 @!p0 s5, $0x0  }
0x1f: {  	s9 =	smul.u32 $0xF7A, s1;
	s8 =	simm.s32 @!p0 $0x1BF5;
	p2 =	por !p2, p0  }
0x20: {  	[sflag:s8] =	ssyncset.s32 @!p0 $0xFFFFF086;
	s6 =	sadd.s32 @!p0 s3, s7;
	s7 =	simm.s32 @!p0 $0x108  }
0x21: {  	s3 =	sadd.s32 s3, s9;
	s6 =	sadd.s32 @!p0 $0x88, s6;
	s7 =	simm.s32 @p2 $0x1082  }
0x22: {  	[simem:s7], [sflag:s8] =	dma.local @!p0 [hbm:s6], $0xF7A  }
0x23: {  	s9 =	sor.u32 $0xD0000000, s2;
	s6 =	simm.s32 $0x108;
	_ =	swait.ge @!p0 [sflag:s8], $0x0  }
0x24: {  	s3 =	sadd.s32 $0x88, s3;
	s6 =	simm.s32 @!p1 $0x1082;
	[sflag:s4] =	ssyncset.s32 $0xFFFFF086  }
0x25: {  	[simem:s6], [sflag:s4] =	dma.local [hbm:s3], $0xF7A  }
0x26: {  	[smem:$0x3F9E] =	sst s1;
	(tag) =	ssettag s2;
	_ =	strace s9  }
0x27: {  	s1 =	sld [smem:$0x3FAE]  }
0x28: {  	s2 =	sld [smem:$0x3FAF]  }
0x29: {  	s4 =	sld [smem:$0x3FB1]  }
0x2a: {  	p0 =	seq.s32 s5, $0x0;
	s5 =	sld [smem:$0x3FB2]  }
0x2b: {  	s6 =	sld [smem:$0x3FB3]  }
0x2c: {  	s7 =	sld [smem:$0x3FB4]  }
0x2d: {  	s3 =	simm.s32 $0x108;
	s8 =	sld [smem:$0x3FB5]  }
0x2e: {  	s3 =	simm.s32 @!p0 $0x1082;
	s9 =	sld [smem:$0x3FB6]  }
0x2f: {  	lr =	sadd.s32 s0, s3;
	s0 =	sld [smem:$0x3FAD]  }
0x30: {  	s3 =	sld [smem:$0x3FB0]  }
0x31: {  	[smem:$0x3FB9] =	sst s10  }
0x32: {  	s10 =	sld [smem:$0x3FB7];
	_ =	sdelay $0x3  }
0x33: {  	p0 =	seq.s32 s10, $0x1;
	s10 =	sld [smem:$0x3FB9];
	_ =	sdelay $0x3  }
0x34: {  	[smem:$0x3FB9] =	sst s10  }
0x35: {  	s10 =	sld [smem:$0x3FB8];
	_ =	sdelay $0x3  }
0x36: {  	p1 =	seq.s32 s10, $0x1;
	s10 =	sld [smem:$0x3FB9];
	_ =	sdelay $0x3  }
0x37: {  	[smem:$0x3FB9] =	sst s10  }
0x38: {  	s10 =	sld [smem:$0x3FBA]  }
0x39: {  	_ = 	snop;
	(pc) =	sbr.ind lr, $3  }
0x3a: {  	_ = 	snop  }
0x3b: {  	_ = 	snop  }
0x3c: {  	p2 =	seq.s32 s10, $0x1;
	s10 =	sld [smem:$0x3FB9]  }
0x3d: {  	_ =	shalt  }
0x3e: {  	_ =	shalt  }
0x3f: {  	_ =	shalt  }
0x40: {  	_ =	shalt  }
0x41: {  	_ =	shalt  }
0x42: {  	_ =	shalt  }
0x43: {  	_ =	shalt  }
0x44: {  	_ =	shalt  }
0x45: {  	_ =	shalt  }
0x46: {  	_ =	shalt  }
0x47: {  	_ =	shalt  }
0x48: {  	_ =	shalt  }
0x49: {  	_ =	shalt  }
0x4a: {  	_ =	shalt  }
0x4b: {  	_ =	shalt  }
0x4c: {  	_ =	shalt  }
0x4d: {  	_ =	shalt  }
0x4e: {  	_ =	shalt  }
0x4f: {  	_ =	shalt  }
0x50: {  	_ =	shalt  }
0x51: {  	_ =	shalt  }
0x52: {  	_ =	shalt  }
0x53: {  	_ =	shalt  }
0x54: {  	_ =	shalt  }
0x55: {  	_ =	shalt  }
0x56: {  	_ =	shalt  }
0x57: {  	_ =	shalt  }
0x58: {  	_ =	shalt  }
0x59: {  	_ =	shalt  }
0x5a: {  	_ =	shalt  }
0x5b: {  	_ =	shalt  }
0x5c: {  	_ =	shalt  }
0x5d: {  	_ =	shalt  }
0x5e: {  	_ =	shalt  }
0x5f: {  	_ =	shalt  }
0x60: {  	_ =	shalt  }
0x61: {  	_ =	shalt  }
0x62: {  	_ =	shalt  }
0x63: {  	_ =	shalt  }
0x64: {  	_ =	shalt  }
0x65: {  	_ =	shalt  }
0x66: {  	_ =	shalt  }
0x67: {  	_ =	shalt  }
0x68: {  	_ =	shalt  }
0x69: {  	_ =	shalt  }
0x6a: {  	_ =	shalt  }
0x6b: {  	_ =	shalt  }
0x6c: {  	_ =	shalt  }
0x6d: {  	_ =	shalt  }
0x6e: {  	_ =	shalt  }
0x6f: {  	_ =	shalt  }
0x70: {  	_ =	shalt  }
0x71: {  	_ =	shalt  }
0x72: {  	_ =	shalt  }
0x73: {  	_ =	shalt  }
0x74: {  	_ =	shalt  }
0x75: {  	_ =	shalt  }
0x76: {  	_ =	shalt  }
0x77: {  	_ =	shalt  }
0x78: {  	_ =	shalt  }
0x79: {  	_ =	shalt  }
0x7a: {  	_ =	shalt  }
0x7b: {  	_ =	shalt  }
0x7c: {  	_ =	shalt  }
0x7d: {  	_ =	shalt  }
0x7e: {  	_ =	shalt  }
0x7f: {  	_ =	shalt  }
0x80: {  	_ =	shalt  }
0x81: {  	_ =	shalt  }
0x82: {  	_ =	shalt  }
0x83: {  	_ =	shalt  }
0x84: {  	_ =	shalt  }
0x85: {  	_ =	shalt  }
0x86: {  	_ =	shalt  }
0x87: {  	_ =	shalt  }
.Lfunc_end0:
.L_simem_size_0:
called_computation.1_lowered:
.L_overlay_start_0:
0x88: {  	s2 =	sld [smem:$0x3FD9]  }
0x89: {  	s3 =	sld [smem:$0x3FFE];
	_ =	sdelay $0x1  }
0x8a: {  	s1 =	srdreg.scid  }
0x8b: {  	s0 =	sand.u32 $0x1, s1  }
0x8c: {  	s17 =	sshll.u32 s0, $0xA;
	s2 =	sadd.s32 s3, s2  }
0x8d: {  	s2 =	sadd.s32 s2, s17  }
0x8e: {  	[smem:$0x3FC5] =	sst s2  }
0x8f: {  	_ = 	snop  }
0x90: {  	s2 =	sld [smem:$0x3FD0];
	(tm) =	ssettm $0x1  }
0x91: {  	s18 =	sld [smem:$0x3FFB];
	_ =	sdelay $0x3  }
0x92: {  	_ =	strace s18  }
0x93: {  	s3 =	sld [smem:$0x3FFC];
	_ =	sdelay $0x3  }
0x94: {  	_ =	strace s3  }
0x95: {  	s3 =	sld [smem:$0x3FFD];
	_ =	sdelay $0x3  }
0x96: {  	_ =	strace s3  }
0x97: {  	_ =	strace $0x8FFFFFFF  }
0x98: {  	s19 =	sld [smem:$0x3FDB];
	_ =	sdelay $0x1  }
0x99: {  	s4 =	simm.s32 $_scs_section_size  }
0x9a: {  	s5 =	simm.s32 $_size__tile_overlayer_lowered;
	s6 =	simm.s32 $_tile_overlayer_lowered  }
0x9b: {  	s22 =	simm.s32 $0x1BFF;
	s21 =	sshll.u32 s6, $0x1;
	s3 =	sadd.s32 s4, s19  }
0x9c: {  	s7 =	simm.s32 $0x0;
	s20 =	sshll.u32 s5, $0x1;
	s5 =	sadd.s32 s21, s3  }
0x9d: {  	[timem:s7], [sflag:s22] =	dma.local [hbm:s5], s20  }
0x9e: {  	_ =	swait.ge [sflag:s22], s20  }
0x9f: {  	s4 =	ssub.s32 $0x0, s20;
	[sflag:s22] =	ssyncset.done $0x0  }
0xa0: {  	[sflag:s22] =	ssyncadd.s32 s4;
	_ =	sdelay $0x1  }
0xa1: {  	s23 =	simm.s32 $0x1B8B  }
0xa2: {  	_ =	swait.ge [sflag:s23], $0x1  }
0xa3: {  	[sflag:s23] =	ssyncset.done $0x0  }
0xa4: {  	s25 =	simm.s32 $0x1B8E;
	s24 =	sld [smem:$0x3FFE];
	[sflag:s23] =	ssyncadd.s32 $0xFFFFFFFF  }
0xa5: {  	s26 =	simm.s32 $execute0_lowered;
	[smem:$0x3FD2] =	sst s25  }
0xa6: {  	s5 =	sshll.u32 s26, $0x1;
	_ =	strace $0x80000049;
	[dreg:$0x1] =	wrdreg $0xFFFFFFFF  }
0xa7: {  	s28 =	simm.s32 $_size_execute0_lowered;
	s3 =	sadd.s32 s3, s5;
	[dreg:$0x0] =	wrdreg $0x0  }
0xa8: {  	s5 =	sshll.u32 s28, $0x1;
	[dreg:$0x2] =	wrdreg s3  }
0xa9: {  	[dreg:$0x3] =	wrdreg s5  }
0xaa: {  	[dreg:$0x4] =	wrdreg $0xC0  }
0xab: {  	_ =	task [dreg:s7], $0x5FFFF  }
0xac: {  	[dreg:$0x1] =	wrdreg $0xFFFFFFFF  }
0xad: {  	[dreg:$0x0] =	wrdreg $0x60  }
0xae: {  	[dreg:$0x2] =	wrdreg s24  }
0xaf: {  	[dreg:$0x3] =	wrdreg s2  }
0xb0: {  	[dreg:$0x4] =	wrdreg $0x9  }
0xb1: {  	_ =	task.clear_ibuf [dreg:s7], $0x5FFFF;
	_ =	strace $0x90000049  }
0xb2: {  	s29 =	simm.s32 $0x9;
	_ =	strace $0x8000004B  }
0xb3: {  	_ =	swait.ge [sflag:s29], $0x1  }
0xb4: {  	[sflag:s29] =	ssyncadd.s32 $0xFFFFFFFF  }
0xb5: {  	_ =	strace $0x9000004B  }
0xb6: {  	_ =	sfence  }
0xb7: {  	s30 =	sld [smem:$0x0];
	_ =	sdelay $0x2  }
0xb8: {  	s31 =	sshll.u32 s1, $0xD;
	s1 =	sshrl.u32 s1, $0x2  }
0xb9: {  	s3 =	sand.u32 $0x4000, s31;
	s1 =	sadd.s32 s1, s30  }
0xba: {  	s0 =	sor.u32 s3, s0;
	s1 =	sshll.u32 s1, $0x11  }
0xbb: {  	s0 =	sor.u32 s1, s0  }
0xbc: {  	s0 =	sadd.s32 $0x8F2B, s0  }
0xbd: {  	[sflag:s0] =	ssyncadd.remote.s32 $0x1  }
0xbe: {  	_ =	sfence.sel $0xFFFF  }
0xbf: {  	[dreg:$0x0] =	wrdreg $0xFFFFFFFF;
	(pc) =	sbr.abs _section_cstart, $3  }
0xc0: {  	[dreg:$0x1] =	wrdreg $0xFFFFFFFF  }
0xc1: {  	_ =	task.clear_ibuf [dreg:s7], $0x2FFFF;
	_ =	strace $0x9FFFFFFF  }
0xc2: {  	(tm) =	ssettm $0x7FFFFFFF  }
0xc3: {  	_ =	shalt  }
tec
execute0_lowered:
.L_overlay_start_1:
0x0: {  	(tag) =	ssettag $0x1  }
0x1: {  	s0 =	rddreg [dreg:$0x0]  }
0x2: {  	s2 =	rddreg [dreg:$0x1];
	s1 =	srdreg.scid  }
0x3: {  	s4 =	stileid.u32;
	s3 =	simm.s32 $0x0;
	s9 =	simm.s32 $0x7  }
0x4: {  	s10 =	simm.s32 $0x80;
	s12 =	simm.s32 $0x3200;
	s13 =	simm.s32 $0x9600  }
0x5: {  	s15 =	simm.s32 $0xB600;
	s17 =	simm.s32 $0xD600;
	s19 =	simm.s32 $0xF600  }
0x6: {  	s20 =	simm.s32 $0x1;
	s21 =	simm.s32 $0x11600;
	s22 =	simm.s32 $0x400  }
0x7: {  	s23 =	simm.s32 $0x8000;
	s24 =	simm.s32 $0x2;
	s25 =	simm.s32 $0x13600  }
0x8: {  	s28 =	simm.s32 $0x5;
	s29 =	simm.s32 $0x4;
	s30 =	simm.s32 $0x6  }
0x9: {  	v0 =	vlaneseq.u32;
	s31 =	simm.s32 $0x0;
	s1 =	sand.u32 $0x1, s1;
	s4 =	sshll.u32 s4, $0x1  }
.Ltmp0:
0xa: {  	[smem:$0x7FF] =	sst s3;
	v1 =	vmul.u32 $0x40, v0;
	v3 =	vor.u32 $0x10, v0;
	v5 =	vor.u32 $0x20, v0;
	s7 =	sor.u32 s1, s4;
	(pc) =	sbr.rel .LBB2_1-.Ltmp0, $4  }
0xb: {  	v7 =	vor.u32 $0x30, v0;
	v9 =	vor.u32 $0x40, v0;
	v11 =	vor.u32 $0x50, v0;
	_ =	strace $0x8000004A;
	s1 =	ssub.s32 $0x2, s1;
	s4 =	sadd.s32 $0xC00, s0  }
0xc: {  	v13 =	vor.u32 $0x60, v0;
	v15 =	vor.u32 $0x70, v0;
	s5 =	sshll.u32 s7, $0x4;
	s8 =	sshrl.u32 s1, $0x1;
	s7 =	sshll.u32 s7, $0xA;
	v2 =	vor.u32 $0x400, v1  }
0xd: {  	v4 =	vor.u32 $0x800, v1;
	v6 =	vor.u32 $0xC00, v1;
	v8 =	vor.u32 $0x1000, v1;
	s6 =	sadd.s32 s5, s0;
	s5 =	sadd.s32 $0x7BAE00, s0;
	s26 =	ssub.s32 s1, s8  }
0xe: {  	v10 =	vor.u32 $0x1400, v1;
	v12 =	vor.u32 $0x1800, v1;
	v14 =	vor.u32 $0x1C00, v1;
	s6 =	sadd.s32 $0x7A1E00, s6;
	s8 =	smax.u32 s26, $0x1;
	s26 =	simm.s32 $0x3  }
.LBB2_12:
0xf: {  	s31 =	sadd.s32 $0x1, s31  }
0x10: {  	_ =	swait.ge [sflag:s28], $0x2000;
	p0 =	sne.s32 s31, s8  }
.Ltmp1:
0x11: {  	[sflag:s28] =	ssyncset.done $0x0;
	(pc) =	sbr.rel @!p0 .LBB2_13-.Ltmp1, $4  }
0x12: {  	[sflag:s28] =	ssyncadd.s32 $0xFFFFE000  }
0x13: {  	_ =	swait.ge [sflag:s30], $0x2000  }
0x14: {  	[sflag:s30] =	ssyncset.done $0x0  }
0x15: {  	[sflag:s30] =	ssyncadd.s32 $0xFFFFE000  }
.LBB2_1:
0x16: {  	[tilespmem:s3], [sflag:$0x7] =	stream.linear.gather [hbm4b:s5+s3], $0x3200, $0x38;
	[tilespmem:$0x15600] =	vst v63  }
0x17: {  	_ =	swait.ge [sflag:s9], $0x3200  }
0x18: {  	[sflag:s9] =	ssyncset.done $0x0  }
0x19: {  	s0 =	simm.s32 $0x1000;
	[sflag:s9] =	ssyncadd.s32 $0xFFFFCE00  }
0x1a: {  	[tilespmem:s12], [sflag:$0x7] =	stream.strided.gather [hbm4b:s6+s10], $0x6400, s0, s10, $0x38;
	[tilespmem:$0x15600] =	vst v63  }
0x1b: {  	_ =	swait.ge [sflag:s9], $0x6400  }
0x1c: {  	[sflag:s9] =	ssyncset.done $0x0  }
0x1d: {  	[sflag:s9] =	ssyncadd.s32 $0xFFFF9C00  }
0x1e: {  	[tilespmem:s13], [sflag:$0x1] =	stream.indirect.gather [hbm4b:s4+s10], $0x40, s12, s10, $0xb8;
	[tilespmem:$0x15600] =	vst v63  }
0x1f: {  	s14 =	simm.s32 $0x3280  }
0x20: {  	[tilespmem:s15], [sflag:$0x2] =	stream.indirect.gather [hbm4b:s4+s10], $0x40, s14, s10, $0xb8;
	[tilespmem:$0x15600] =	vst v63  }
0x21: {  	s16 =	simm.s32 $0x3300  }
0x22: {  	[tilespmem:s17], [sflag:$0x3] =	stream.indirect.gather [hbm4b:s4+s10], $0x40, s16, s10, $0xb8;
	[tilespmem:$0x15600] =	vst v63  }
0x23: {  	s18 =	simm.s32 $0x3380;
	s0 =	simm.s32 $0x0  }
0x24: {  	[tilespmem:s19], [sflag:$0x4] =	stream.indirect.gather [hbm4b:s4+s10], $0x40, s18, s10, $0xb8;
	[tilespmem:$0x15600] =	vst v63  }
.LBB2_2:
0x25: {  	_ =	swait.ge [sflag:s20], $0x2000  }
0x26: {  	p1 =	seq.s32 s0, $0x0;
	[sflag:s20] =	ssyncset.done $0x0  }
0x27: {  	s11 =	simm.s32 @!p1 $0x5;
	[sflag:s20] =	ssyncadd.s32 $0xFFFFE000  }
0x28: {  	_ =	swait.ge @!p1 [sflag:s11], $0x2000  }
0x29: {  	s14 =	sshll.u32 s0, $0x8;
	[sflag:s11] =	ssyncset.done @!p1 $0x0  }
0x2a: {  	s1 =	sshll.u32 s0, $0x2;
	v16 =	vmov s14;
	[sflag:s11] =	ssyncadd.s32 @!p1 $0xFFFFE000;
	s11 =	simm.s32 $0x0  }
.LBB2_3:
0x2b: {  	v17 =	vadd.s32 s11, v0  }
0x2c: {  	v18 =	vand.u32 $0xF, v17  }
0x2d: {  	v19 =	vor.u32 v1, v18;
	_ =	sdelay $0x1  }
0x2e: {  	v20 =	vor.u32 v16, v18;
	_ =	sdelay $0x2  }
0x2f: {  	v19 =	vld.idx.msk [tilespmem:v19+s13+$0x0], $0xffff;
	_ =	sdelay $0x1  }
0x30: {  	v21 =	vshll.u32 v17, $0x7;
	v20 =	vld.idx.msk [tilespmem:v20+s3+$0x0], $0xffff  }
0x31: {  	v22 =	vand.u32 $0x780, v21  }
0x32: {  	v23 =	vor.u32 v0, v22  }
0x33: {  	v24 =	vor.u32 v2, v18;
	v19 =	vmul.f32 $8.000000000e+00, v19;
	_ =	sdelay $0x1  }
0x34: {  	v19 =	vadd.f32 v19, v20;
	_ =	sdelay $0x1  }
0x35: {  	[tilespmem:v23+s21+$0x0] =	vst.idx.msk $0xffff, v19  }
0x36: {  	v19 =	vld.idx.msk [tilespmem:v24+s13+$0x0], $0xffff;
	_ =	sdelay $0x3  }
0x37: {  	v38 =	vor.u32 v3, v22  }
0x38: {  	v39 =	vor.u32 v4, v18;
	v19 =	vmul.f32 $8.000000000e+00, v19;
	_ =	sdelay $0x1  }
0x39: {  	v19 =	vadd.f32 v19, v20;
	_ =	sdelay $0x1  }
0x3a: {  	[tilespmem:v38+s21+$0x0] =	vst.idx.msk $0xffff, v19  }
0x3b: {  	v19 =	vld.idx.msk [tilespmem:v39+s13+$0x0], $0xffff;
	_ =	sdelay $0x3  }
0x3c: {  	v40 =	vor.u32 v5, v22  }
0x3d: {  	v41 =	vor.u32 v6, v18;
	v19 =	vmul.f32 $8.000000000e+00, v19;
	_ =	sdelay $0x1  }
0x3e: {  	v19 =	vadd.f32 v19, v20;
	_ =	sdelay $0x1  }
0x3f: {  	[tilespmem:v40+s21+$0x0] =	vst.idx.msk $0xffff, v19  }
0x40: {  	v19 =	vld.idx.msk [tilespmem:v41+s13+$0x0], $0xffff;
	_ =	sdelay $0x3  }
0x41: {  	v42 =	vor.u32 v7, v22  }
0x42: {  	v43 =	vor.u32 v8, v18;
	v19 =	vmul.f32 $8.000000000e+00, v19;
	_ =	sdelay $0x1  }
0x43: {  	v19 =	vadd.f32 v19, v20;
	_ =	sdelay $0x1  }
0x44: {  	[tilespmem:v42+s21+$0x0] =	vst.idx.msk $0xffff, v19  }
0x45: {  	v19 =	vld.idx.msk [tilespmem:v43+s13+$0x0], $0xffff;
	_ =	sdelay $0x3  }
0x46: {  	v44 =	vor.u32 v9, v22  }
0x47: {  	v45 =	vor.u32 v10, v18;
	v19 =	vmul.f32 $8.000000000e+00, v19;
	_ =	sdelay $0x1  }
0x48: {  	v19 =	vadd.f32 v19, v20;
	_ =	sdelay $0x1  }
0x49: {  	[tilespmem:v44+s21+$0x0] =	vst.idx.msk $0xffff, v19  }
0x4a: {  	v19 =	vld.idx.msk [tilespmem:v45+s13+$0x0], $0xffff;
	_ =	sdelay $0x3  }
0x4b: {  	v46 =	vor.u32 v11, v22  }
0x4c: {  	v47 =	vor.u32 v12, v18;
	v19 =	vmul.f32 $8.000000000e+00, v19;
	_ =	sdelay $0x1  }
0x4d: {  	v19 =	vadd.f32 v19, v20;
	_ =	sdelay $0x1  }
0x4e: {  	[tilespmem:v46+s21+$0x0] =	vst.idx.msk $0xffff, v19  }
0x4f: {  	v19 =	vld.idx.msk [tilespmem:v47+s13+$0x0], $0xffff;
	_ =	sdelay $0x3  }
0x50: {  	v48 =	vor.u32 v13, v22  }
0x51: {  	v49 =	vor.u32 v14, v18;
	v19 =	vmul.f32 $8.000000000e+00, v19;
	_ =	sdelay $0x1  }
0x52: {  	v19 =	vadd.f32 v19, v20;
	_ =	sdelay $0x1  }
0x53: {  	[tilespmem:v48+s21+$0x0] =	vst.idx.msk $0xffff, v19  }
0x54: {  	v19 =	vld.idx.msk [tilespmem:v49+s13+$0x0], $0xffff;
	_ =	sdelay $0x2  }
0x55: {  	v50 =	vor.u32 $0x10, v17  }
0x56: {  	v51 =	vand.u32 $0x1F, v50;
	v22 =	vor.u32 v15, v22  }
0x57: {  	v25 =	vor.u32 v1, v51;
	v19 =	vmul.f32 $8.000000000e+00, v19;
	_ =	sdelay $0x1  }
0x58: {  	v52 =	vor.u32 v16, v50;
	v19 =	vadd.f32 v19, v20;
	_ =	sdelay $0x1  }
0x59: {  	[tilespmem:v22+s21+$0x0] =	vst.idx.msk $0xffff, v19  }
0x5a: {  	v19 =	vld.idx.msk [tilespmem:v25+s13+$0x0], $0xffff  }
0x5b: {  	v53 =	vshll.u32 v50, $0x7  }
0x5c: {  	v21 =	vand.u32 $0x380, v21;
	v22 =	vand.u32 $0xC00, v53;
	v20 =	vld.idx.msk [tilespmem:v52+s3+$0x0], $0xffff  }
0x5d: {  	v22 =	vor.u32 v21, v22  }
0x5e: {  	v54 =	vor.u32 v0, v22  }
0x5f: {  	v55 =	vor.u32 v2, v51;
	v19 =	vmul.f32 $8.000000000e+00, v19;
	_ =	sdelay $0x1  }
0x60: {  	v19 =	vadd.f32 v19, v20;
	_ =	sdelay $0x1  }
0x61: {  	[tilespmem:v54+s21+$0x0] =	vst.idx.msk $0xffff, v19  }
0x62: {  	v19 =	vld.idx.msk [tilespmem:v55+s13+$0x0], $0xffff;
	_ =	sdelay $0x3  }
0x63: {  	v56 =	vor.u32 v3, v22  }
0x64: {  	v57 =	vor.u32 v4, v51;
	v19 =	vmul.f32 $8.000000000e+00, v19;
	_ =	sdelay $0x1  }
0x65: {  	v19 =	vadd.f32 v19, v20;
	_ =	sdelay $0x1  }
0x66: {  	[tilespmem:v56+s21+$0x0] =	vst.idx.msk $0xffff, v19  }
0x67: {  	v19 =	vld.idx.msk [tilespmem:v57+s13+$0x0], $0xffff;
	_ =	sdelay $0x3  }
0x68: {  	v58 =	vor.u32 v5, v22  }
0x69: {  	v59 =	vor.u32 v6, v51;
	v19 =	vmul.f32 $8.000000000e+00, v19;
	_ =	sdelay $0x1  }
0x6a: {  	v19 =	vadd.f32 v19, v20;
	_ =	sdelay $0x1  }
0x6b: {  	[tilespmem:v58+s21+$0x0] =	vst.idx.msk $0xffff, v19  }
0x6c: {  	v19 =	vld.idx.msk [tilespmem:v59+s13+$0x0], $0xffff;
	_ =	sdelay $0x3  }
0x6d: {  	v60 =	vor.u32 v7, v22  }
0x6e: {  	v61 =	vor.u32 v8, v51;
	v19 =	vmul.f32 $8.000000000e+00, v19;
	_ =	sdelay $0x1  }
0x6f: {  	v19 =	vadd.f32 v19, v20;
	_ =	sdelay $0x1  }
0x70: {  	[tilespmem:v60+s21+$0x0] =	vst.idx.msk $0xffff, v19  }
0x71: {  	v19 =	vld.idx.msk [tilespmem:v61+s13+$0x0], $0xffff;
	_ =	sdelay $0x3  }
0x72: {  	v62 =	vor.u32 v9, v22  }
0x73: {  	v63 =	vor.u32 v10, v51;
	v19 =	vmul.f32 $8.000000000e+00, v19;
	_ =	sdelay $0x1  }
0x74: {  	v19 =	vadd.f32 v19, v20;
	_ =	sdelay $0x1  }
0x75: {  	[tilespmem:v62+s21+$0x0] =	vst.idx.msk $0xffff, v19  }
0x76: {  	v19 =	vld.idx.msk [tilespmem:v63+s13+$0x0], $0xffff;
	_ =	sdelay $0x3  }
0x77: {  	v28 =	vor.u32 v11, v22  }
0x78: {  	v29 =	vor.u32 v12, v51;
	v19 =	vmul.f32 $8.000000000e+00, v19;
	_ =	sdelay $0x1  }
0x79: {  	v19 =	vadd.f32 v19, v20;
	_ =	sdelay $0x1  }
0x7a: {  	[tilespmem:v28+s21+$0x0] =	vst.idx.msk $0xffff, v19  }
0x7b: {  	v19 =	vld.idx.msk [tilespmem:v29+s13+$0x0], $0xffff;
	_ =	sdelay $0x3  }
0x7c: {  	v30 =	vor.u32 v13, v22  }
0x7d: {  	v24 =	vor.u32 v14, v51;
	v19 =	vmul.f32 $8.000000000e+00, v19;
	_ =	sdelay $0x1  }
0x7e: {  	v19 =	vadd.f32 v19, v20;
	_ =	sdelay $0x1  }
0x7f: {  	[tilespmem:v30+s21+$0x0] =	vst.idx.msk $0xffff, v19  }
0x80: {  	v19 =	vld.idx.msk [tilespmem:v24+s13+$0x0], $0xffff;
	_ =	sdelay $0x1  }
0x81: {  	v18 =	vor.u32 $0x20, v18  }
0x82: {  	v31 =	vand.u32 $0x7, v17;
	v32 =	vand.u32 $0x28, v18  }
0x83: {  	v23 =	vor.u32 v31, v32;
	v22 =	vor.u32 v15, v22  }
0x84: {  	v24 =	vor.u32 v1, v23;
	v19 =	vmul.f32 $8.000000000e+00, v19;
	_ =	sdelay $0x1  }
0x85: {  	v33 =	vor.u32 v16, v23;
	v19 =	vadd.f32 v19, v20;
	_ =	sdelay $0x1  }
0x86: {  	[tilespmem:v22+s21+$0x0] =	vst.idx.msk $0xffff, v19  }
0x87: {  	v19 =	vld.idx.msk [tilespmem:v24+s13+$0x0], $0xffff  }
0x88: {  	v18 =	vshll.u32 v18, $0x7  }
0x89: {  	v18 =	vand.u32 $0x1400, v18;
	v20 =	vld.idx.msk [tilespmem:v33+s3+$0x0], $0xffff  }
0x8a: {  	v18 =	vor.u32 v21, v18  }
0x8b: {  	v34 =	vor.u32 v0, v18  }
0x8c: {  	v35 =	vor.u32 v2, v23;
	v19 =	vmul.f32 $8.000000000e+00, v19;
	_ =	sdelay $0x1  }
0x8d: {  	v19 =	vadd.f32 v19, v20;
	_ =	sdelay $0x1  }
0x8e: {  	[tilespmem:v34+s21+$0x0] =	vst.idx.msk $0xffff, v19  }
0x8f: {  	v19 =	vld.idx.msk [tilespmem:v35+s13+$0x0], $0xffff;
	_ =	sdelay $0x3  }
0x90: {  	v36 =	vor.u32 v3, v18  }
0x91: {  	v37 =	vor.u32 v4, v23;
	v19 =	vmul.f32 $8.000000000e+00, v19;
	_ =	sdelay $0x1  }
0x92: {  	v19 =	vadd.f32 v19, v20;
	_ =	sdelay $0x1  }
0x93: {  	[tilespmem:v36+s21+$0x0] =	vst.idx.msk $0xffff, v19  }
0x94: {  	v19 =	vld.idx.msk [tilespmem:v37+s13+$0x0], $0xffff;
	_ =	sdelay $0x3  }
0x95: {  	v38 =	vor.u32 v5, v18  }
0x96: {  	v39 =	vor.u32 v6, v23;
	v19 =	vmul.f32 $8.000000000e+00, v19;
	_ =	sdelay $0x1  }
0x97: {  	v19 =	vadd.f32 v19, v20;
	_ =	sdelay $0x1  }
0x98: {  	[tilespmem:v38+s21+$0x0] =	vst.idx.msk $0xffff, v19  }
0x99: {  	v19 =	vld.idx.msk [tilespmem:v39+s13+$0x0], $0xffff;
	_ =	sdelay $0x3  }
0x9a: {  	v40 =	vor.u32 v7, v18  }
0x9b: {  	v41 =	vor.u32 v8, v23;
	v19 =	vmul.f32 $8.000000000e+00, v19;
	_ =	sdelay $0x1  }
0x9c: {  	v19 =	vadd.f32 v19, v20;
	_ =	sdelay $0x1  }
0x9d: {  	[tilespmem:v40+s21+$0x0] =	vst.idx.msk $0xffff, v19  }
0x9e: {  	v19 =	vld.idx.msk [tilespmem:v41+s13+$0x0], $0xffff;
	_ =	sdelay $0x3  }
0x9f: {  	v42 =	vor.u32 v9, v18  }
0xa0: {  	v43 =	vor.u32 v10, v23;
	v19 =	vmul.f32 $8.000000000e+00, v19;
	_ =	sdelay $0x1  }
0xa1: {  	v19 =	vadd.f32 v19, v20;
	_ =	sdelay $0x1  }
0xa2: {  	[tilespmem:v42+s21+$0x0] =	vst.idx.msk $0xffff, v19  }
0xa3: {  	v19 =	vld.idx.msk [tilespmem:v43+s13+$0x0], $0xffff;
	_ =	sdelay $0x3  }
0xa4: {  	v44 =	vor.u32 v11, v18  }
0xa5: {  	v45 =	vor.u32 v12, v23;
	v19 =	vmul.f32 $8.000000000e+00, v19;
	_ =	sdelay $0x1  }
0xa6: {  	v19 =	vadd.f32 v19, v20;
	_ =	sdelay $0x1  }
0xa7: {  	[tilespmem:v44+s21+$0x0] =	vst.idx.msk $0xffff, v19  }
0xa8: {  	v19 =	vld.idx.msk [tilespmem:v45+s13+$0x0], $0xffff;
	_ =	sdelay $0x3  }
0xa9: {  	v46 =	vor.u32 v13, v18  }
0xaa: {  	v23 =	vor.u32 v14, v23;
	v19 =	vmul.f32 $8.000000000e+00, v19;
	_ =	sdelay $0x1  }
0xab: {  	v19 =	vadd.f32 v19, v20;
	_ =	sdelay $0x1  }
0xac: {  	[tilespmem:v46+s21+$0x0] =	vst.idx.msk $0xffff, v19  }
0xad: {  	v19 =	vld.idx.msk [tilespmem:v23+s13+$0x0], $0xffff;
	_ =	sdelay $0x2  }
0xae: {  	v17 =	vor.u32 $0x30, v17  }
0xaf: {  	v18 =	vor.u32 v15, v18;
	v47 =	vand.u32 $0x3F, v17  }
0xb0: {  	v48 =	vor.u32 v1, v47;
	v19 =	vmul.f32 $8.000000000e+00, v19;
	_ =	sdelay $0x1  }
0xb1: {  	v49 =	vor.u32 v16, v17;
	v19 =	vadd.f32 v19, v20;
	_ =	sdelay $0x1  }
0xb2: {  	[tilespmem:v18+s21+$0x0] =	vst.idx.msk $0xffff, v19  }
0xb3: {  	v18 =	vld.idx.msk [tilespmem:v48+s13+$0x0], $0xffff  }
0xb4: {  	v17 =	vshll.u32 v17, $0x7  }
0xb5: {  	v17 =	vand.u32 $0x1C00, v17;
	v19 =	vld.idx.msk [tilespmem:v49+s3+$0x0], $0xffff  }
0xb6: {  	v17 =	vor.u32 v21, v17  }
0xb7: {  	v50 =	vor.u32 v0, v17  }
0xb8: {  	v51 =	vor.u32 v2, v47;
	v18 =	vmul.f32 $8.000000000e+00, v18;
	_ =	sdelay $0x1  }
0xb9: {  	v18 =	vadd.f32 v18, v19;
	_ =	sdelay $0x1  }
0xba: {  	[tilespmem:v50+s21+$0x0] =	vst.idx.msk $0xffff, v18  }
0xbb: {  	v18 =	vld.idx.msk [tilespmem:v51+s13+$0x0], $0xffff;
	_ =	sdelay $0x3  }
0xbc: {  	v52 =	vor.u32 v3, v17  }
0xbd: {  	v53 =	vor.u32 v4, v47;
	v18 =	vmul.f32 $8.000000000e+00, v18;
	_ =	sdelay $0x1  }
0xbe: {  	v18 =	vadd.f32 v18, v19;
	_ =	sdelay $0x1  }
0xbf: {  	[tilespmem:v52+s21+$0x0] =	vst.idx.msk $0xffff, v18  }
0xc0: {  	v18 =	vld.idx.msk [tilespmem:v53+s13+$0x0], $0xffff;
	_ =	sdelay $0x3  }
0xc1: {  	v54 =	vor.u32 v5, v17  }
0xc2: {  	v55 =	vor.u32 v6, v47;
	v18 =	vmul.f32 $8.000000000e+00, v18;
	_ =	sdelay $0x1  }
0xc3: {  	v18 =	vadd.f32 v18, v19;
	_ =	sdelay $0x1  }
0xc4: {  	[tilespmem:v54+s21+$0x0] =	vst.idx.msk $0xffff, v18  }
0xc5: {  	v18 =	vld.idx.msk [tilespmem:v55+s13+$0x0], $0xffff;
	_ =	sdelay $0x3  }
0xc6: {  	v56 =	vor.u32 v7, v17  }
0xc7: {  	v57 =	vor.u32 v8, v47;
	v18 =	vmul.f32 $8.000000000e+00, v18;
	_ =	sdelay $0x1  }
0xc8: {  	v18 =	vadd.f32 v18, v19;
	_ =	sdelay $0x1  }
0xc9: {  	[tilespmem:v56+s21+$0x0] =	vst.idx.msk $0xffff, v18  }
0xca: {  	v18 =	vld.idx.msk [tilespmem:v57+s13+$0x0], $0xffff;
	_ =	sdelay $0x3  }
0xcb: {  	v58 =	vor.u32 v9, v17  }
0xcc: {  	v59 =	vor.u32 v10, v47;
	v18 =	vmul.f32 $8.000000000e+00, v18;
	_ =	sdelay $0x1  }
0xcd: {  	v18 =	vadd.f32 v18, v19;
	_ =	sdelay $0x1  }
0xce: {  	[tilespmem:v58+s21+$0x0] =	vst.idx.msk $0xffff, v18  }
0xcf: {  	v18 =	vld.idx.msk [tilespmem:v59+s13+$0x0], $0xffff;
	_ =	sdelay $0x3  }
0xd0: {  	v60 =	vor.u32 v11, v17  }
0xd1: {  	v61 =	vor.u32 v12, v47;
	v18 =	vmul.f32 $8.000000000e+00, v18;
	_ =	sdelay $0x1  }
0xd2: {  	v18 =	vadd.f32 v18, v19;
	_ =	sdelay $0x1  }
0xd3: {  	[tilespmem:v60+s21+$0x0] =	vst.idx.msk $0xffff, v18  }
0xd4: {  	v18 =	vld.idx.msk [tilespmem:v61+s13+$0x0], $0xffff;
	_ =	sdelay $0x3  }
0xd5: {  	v62 =	vor.u32 v13, v17  }
0xd6: {  	v63 =	vor.u32 v14, v47;
	v18 =	vmul.f32 $8.000000000e+00, v18;
	_ =	sdelay $0x1  }
0xd7: {  	v18 =	vadd.f32 v18, v19;
	_ =	sdelay $0x1  }
0xd8: {  	[tilespmem:v62+s21+$0x0] =	vst.idx.msk $0xffff, v18  }
0xd9: {  	v18 =	vld.idx.msk [tilespmem:v63+s13+$0x0], $0xffff;
	_ =	sdelay $0x3  }
0xda: {  	p0 =	sne.s32 s11, $0xF;
	v17 =	vor.u32 v15, v17  }
.Ltmp2:
0xdb: {  	v18 =	vmul.f32 $8.000000000e+00, v18;
	(pc) =	sbr.rel @p0 .LBB2_3-.Ltmp2, $3  }
0xdc: {  	_ = 	snop  }
0xdd: {  	v18 =	vadd.f32 v18, v19;
	_ =	sdelay $0x1  }
0xde: {  	s11 =	sadd.s32 $0x1, s11;
	[tilespmem:v17+s21+$0x0] =	vst.idx.msk $0xffff, v18  }
0xdf: {  	s11 =	sshll.u32 s0, $0x14  }
0xe0: {  	s11 =	sor.u32 s7, s11  }
0xe1: {  	s11 =	sshrl.u32 s11, $0x3  }
0xe2: {  	p0 =	seq.s32 s0, $0x31;
	s11 =	sadd.s32 s2, s11  }
0xe3: {  	[hbm4b:s11+s22] =	stream.strided.scatter [tilespmem:s21], [sflag:$0x5], $0x2000, s23, s22, $0x38;
	[tilespmem:$0x15600] =	vst v63  }
0xe4: {  	s11 =	sshll.u32 @!p0 s0, $0x9  }
0xe5: {  	s11 =	sand.u32 @!p0 $0x3FFFFE00, s11  }
0xe6: {  	s16 =	simm.s32 @!p0 $0x80;
	s18 =	simm.s32 @!p0 $0x9600;
	s14 =	sadd.s32 @!p0 $0x3400, s11  }
0xe7: {  	[tilespmem:s18], [sflag:$0x1] =	stream.indirect.gather @!p0 [hbm4b:s4+s16], $0x40, s14, s16, $0xb8;
	[tilespmem:$0x15600] =	vst v63  }
0xe8: {  	_ =	swait.ge [sflag:s24], $0x2000  }
0xe9: {  	[sflag:s24] =	ssyncset.done $0x0  }
0xea: {  	s16 =	simm.s32 @!p1 $0x6;
	[sflag:s24] =	ssyncadd.s32 $0xFFFFE000  }
0xeb: {  	s14 =	sor.u32 $0x1, s1;
	_ =	swait.ge @!p1 [sflag:s16], $0x2000  }
0xec: {  	s18 =	sshll.u32 s14, $0x6;
	[sflag:s16] =	ssyncset.done @!p1 $0x0  }
0xed: {  	v16 =	vmov s18;
	[sflag:s16] =	ssyncadd.s32 @!p1 $0xFFFFE000;
	s16 =	simm.s32 $0x0  }
.LBB2_5:
0xee: {  	v17 =	vadd.s32 s16, v0  }
0xef: {  	v18 =	vand.u32 $0xF, v17  }
0xf0: {  	v19 =	vor.u32 v1, v18;
	_ =	sdelay $0x1  }
0xf1: {  	v20 =	vor.u32 v16, v18;
	_ =	sdelay $0x2  }
0xf2: {  	v19 =	vld.idx.msk [tilespmem:v19+s15+$0x0], $0xffff;
	_ =	sdelay $0x1  }
0xf3: {  	v21 =	vshll.u32 v17, $0x7;
	v20 =	vld.idx.msk [tilespmem:v20+s3+$0x0], $0xffff  }
0xf4: {  	v22 =	vand.u32 $0x780, v21  }
0xf5: {  	v23 =	vor.u32 v0, v22  }
0xf6: {  	v24 =	vor.u32 v2, v18;
	v19 =	vmul.f32 $8.000000000e+00, v19;
	_ =	sdelay $0x1  }
0xf7: {  	v19 =	vadd.f32 v19, v20;
	_ =	sdelay $0x1  }
0xf8: {  	[tilespmem:v23+s25+$0x0] =	vst.idx.msk $0xffff, v19  }
0xf9: {  	v19 =	vld.idx.msk [tilespmem:v24+s15+$0x0], $0xffff;
	_ =	sdelay $0x3  }
0xfa: {  	v38 =	vor.u32 v3, v22  }
0xfb: {  	v39 =	vor.u32 v4, v18;
	v19 =	vmul.f32 $8.000000000e+00, v19;
	_ =	sdelay $0x1  }
0xfc: {  	v19 =	vadd.f32 v19, v20;
	_ =	sdelay $0x1  }
0xfd: {  	[tilespmem:v38+s25+$0x0] =	vst.idx.msk $0xffff, v19  }
0xfe: {  	v19 =	vld.idx.msk [tilespmem:v39+s15+$0x0], $0xffff;
	_ =	sdelay $0x3  }
0xff: {  	v40 =	vor.u32 v5, v22  }
0x100: {  	v41 =	vor.u32 v6, v18;
	v19 =	vmul.f32 $8.000000000e+00, v19;
	_ =	sdelay $0x1  }
0x101: {  	v19 =	vadd.f32 v19, v20;
	_ =	sdelay $0x1  }
0x102: {  	[tilespmem:v40+s25+$0x0] =	vst.idx.msk $0xffff, v19  }
0x103: {  	v19 =	vld.idx.msk [tilespmem:v41+s15+$0x0], $0xffff;
	_ =	sdelay $0x3  }
0x104: {  	v42 =	vor.u32 v7, v22  }
0x105: {  	v43 =	vor.u32 v8, v18;
	v19 =	vmul.f32 $8.000000000e+00, v19;
	_ =	sdelay $0x1  }
0x106: {  	v19 =	vadd.f32 v19, v20;
	_ =	sdelay $0x1  }
0x107: {  	[tilespmem:v42+s25+$0x0] =	vst.idx.msk $0xffff, v19  }
0x108: {  	v19 =	vld.idx.msk [tilespmem:v43+s15+$0x0], $0xffff;
	_ =	sdelay $0x3  }
0x109: {  	v44 =	vor.u32 v9, v22  }
0x10a: {  	v45 =	vor.u32 v10, v18;
	v19 =	vmul.f32 $8.000000000e+00, v19;
	_ =	sdelay $0x1  }
0x10b: {  	v19 =	vadd.f32 v19, v20;
	_ =	sdelay $0x1  }
0x10c: {  	[tilespmem:v44+s25+$0x0] =	vst.idx.msk $0xffff, v19  }
0x10d: {  	v19 =	vld.idx.msk [tilespmem:v45+s15+$0x0], $0xffff;
	_ =	sdelay $0x3  }
0x10e: {  	v46 =	vor.u32 v11, v22  }
0x10f: {  	v47 =	vor.u32 v12, v18;
	v19 =	vmul.f32 $8.000000000e+00, v19;
	_ =	sdelay $0x1  }
0x110: {  	v19 =	vadd.f32 v19, v20;
	_ =	sdelay $0x1  }
0x111: {  	[tilespmem:v46+s25+$0x0] =	vst.idx.msk $0xffff, v19  }
0x112: {  	v19 =	vld.idx.msk [tilespmem:v47+s15+$0x0], $0xffff;
	_ =	sdelay $0x3  }
0x113: {  	v48 =	vor.u32 v13, v22  }
0x114: {  	v49 =	vor.u32 v14, v18;
	v19 =	vmul.f32 $8.000000000e+00, v19;
	_ =	sdelay $0x1  }
0x115: {  	v19 =	vadd.f32 v19, v20;
	_ =	sdelay $0x1  }
0x116: {  	[tilespmem:v48+s25+$0x0] =	vst.idx.msk $0xffff, v19  }
0x117: {  	v19 =	vld.idx.msk [tilespmem:v49+s15+$0x0], $0xffff;
	_ =	sdelay $0x2  }
0x118: {  	v50 =	vor.u32 $0x10, v17  }
0x119: {  	v51 =	vand.u32 $0x1F, v50;
	v22 =	vor.u32 v15, v22  }
0x11a: {  	v25 =	vor.u32 v1, v51;
	v19 =	vmul.f32 $8.000000000e+00, v19;
	_ =	sdelay $0x1  }
0x11b: {  	v52 =	vor.u32 v16, v50;
	v19 =	vadd.f32 v19, v20;
	_ =	sdelay $0x1  }
0x11c: {  	[tilespmem:v22+s25+$0x0] =	vst.idx.msk $0xffff, v19  }
0x11d: {  	v19 =	vld.idx.msk [tilespmem:v25+s15+$0x0], $0xffff  }
0x11e: {  	v53 =	vshll.u32 v50, $0x7  }
0x11f: {  	v21 =	vand.u32 $0x380, v21;
	v22 =	vand.u32 $0xC00, v53;
	v20 =	vld.idx.msk [tilespmem:v52+s3+$0x0], $0xffff  }
0x120: {  	v22 =	vor.u32 v21, v22  }
0x121: {  	v54 =	vor.u32 v0, v22  }
0x122: {  	v55 =	vor.u32 v2, v51;
	v19 =	vmul.f32 $8.000000000e+00, v19;
	_ =	sdelay $0x1  }
0x123: {  	v19 =	vadd.f32 v19, v20;
	_ =	sdelay $0x1  }
0x124: {  	[tilespmem:v54+s25+$0x0] =	vst.idx.msk $0xffff, v19  }
0x125: {  	v19 =	vld.idx.msk [tilespmem:v55+s15+$0x0], $0xffff;
	_ =	sdelay $0x3  }
0x126: {  	v56 =	vor.u32 v3, v22  }
0x127: {  	v57 =	vor.u32 v4, v51;
	v19 =	vmul.f32 $8.000000000e+00, v19;
	_ =	sdelay $0x1  }
0x128: {  	v19 =	vadd.f32 v19, v20;
	_ =	sdelay $0x1  }
0x129: {  	[tilespmem:v56+s25+$0x0] =	vst.idx.msk $0xffff, v19  }
0x12a: {  	v19 =	vld.idx.msk [tilespmem:v57+s15+$0x0], $0xffff;
	_ =	sdelay $0x3  }
0x12b: {  	v58 =	vor.u32 v5, v22  }
0x12c: {  	v59 =	vor.u32 v6, v51;
	v19 =	vmul.f32 $8.000000000e+00, v19;
	_ =	sdelay $0x1  }
0x12d: {  	v19 =	vadd.f32 v19, v20;
	_ =	sdelay $0x1  }
0x12e: {  	[tilespmem:v58+s25+$0x0] =	vst.idx.msk $0xffff, v19  }
0x12f: {  	v19 =	vld.idx.msk [tilespmem:v59+s15+$0x0], $0xffff;
	_ =	sdelay $0x3  }
0x130: {  	v60 =	vor.u32 v7, v22  }
0x131: {  	v61 =	vor.u32 v8, v51;
	v19 =	vmul.f32 $8.000000000e+00, v19;
	_ =	sdelay $0x1  }
0x132: {  	v19 =	vadd.f32 v19, v20;
	_ =	sdelay $0x1  }
0x133: {  	[tilespmem:v60+s25+$0x0] =	vst.idx.msk $0xffff, v19  }
0x134: {  	v19 =	vld.idx.msk [tilespmem:v61+s15+$0x0], $0xffff;
	_ =	sdelay $0x3  }
0x135: {  	v62 =	vor.u32 v9, v22  }
0x136: {  	v63 =	vor.u32 v10, v51;
	v19 =	vmul.f32 $8.000000000e+00, v19;
	_ =	sdelay $0x1  }
0x137: {  	v19 =	vadd.f32 v19, v20;
	_ =	sdelay $0x1  }
0x138: {  	[tilespmem:v62+s25+$0x0] =	vst.idx.msk $0xffff, v19  }
0x139: {  	v19 =	vld.idx.msk [tilespmem:v63+s15+$0x0], $0xffff;
	_ =	sdelay $0x3  }
0x13a: {  	v28 =	vor.u32 v11, v22  }
0x13b: {  	v29 =	vor.u32 v12, v51;
	v19 =	vmul.f32 $8.000000000e+00, v19;
	_ =	sdelay $0x1  }
0x13c: {  	v19 =	vadd.f32 v19, v20;
	_ =	sdelay $0x1  }
0x13d: {  	[tilespmem:v28+s25+$0x0] =	vst.idx.msk $0xffff, v19  }
0x13e: {  	v19 =	vld.idx.msk [tilespmem:v29+s15+$0x0], $0xffff;
	_ =	sdelay $0x3  }
0x13f: {  	v30 =	vor.u32 v13, v22  }
0x140: {  	v24 =	vor.u32 v14, v51;
	v19 =	vmul.f32 $8.000000000e+00, v19;
	_ =	sdelay $0x1  }
0x141: {  	v19 =	vadd.f32 v19, v20;
	_ =	sdelay $0x1  }
0x142: {  	[tilespmem:v30+s25+$0x0] =	vst.idx.msk $0xffff, v19  }
0x143: {  	v19 =	vld.idx.msk [tilespmem:v24+s15+$0x0], $0xffff;
	_ =	sdelay $0x1  }
0x144: {  	v18 =	vor.u32 $0x20, v18  }
0x145: {  	v31 =	vand.u32 $0x7, v17;
	v32 =	vand.u32 $0x28, v18  }
0x146: {  	v23 =	vor.u32 v31, v32;
	v22 =	vor.u32 v15, v22  }
0x147: {  	v24 =	vor.u32 v1, v23;
	v19 =	vmul.f32 $8.000000000e+00, v19;
	_ =	sdelay $0x1  }
0x148: {  	v33 =	vor.u32 v16, v23;
	v19 =	vadd.f32 v19, v20;
	_ =	sdelay $0x1  }
0x149: {  	[tilespmem:v22+s25+$0x0] =	vst.idx.msk $0xffff, v19  }
0x14a: {  	v19 =	vld.idx.msk [tilespmem:v24+s15+$0x0], $0xffff  }
0x14b: {  	v18 =	vshll.u32 v18, $0x7  }
0x14c: {  	v18 =	vand.u32 $0x1400, v18;
	v20 =	vld.idx.msk [tilespmem:v33+s3+$0x0], $0xffff  }
0x14d: {  	v18 =	vor.u32 v21, v18  }
0x14e: {  	v34 =	vor.u32 v0, v18  }
0x14f: {  	v35 =	vor.u32 v2, v23;
	v19 =	vmul.f32 $8.000000000e+00, v19;
	_ =	sdelay $0x1  }
0x150: {  	v19 =	vadd.f32 v19, v20;
	_ =	sdelay $0x1  }
0x151: {  	[tilespmem:v34+s25+$0x0] =	vst.idx.msk $0xffff, v19  }
0x152: {  	v19 =	vld.idx.msk [tilespmem:v35+s15+$0x0], $0xffff;
	_ =	sdelay $0x3  }
0x153: {  	v36 =	vor.u32 v3, v18  }
0x154: {  	v37 =	vor.u32 v4, v23;
	v19 =	vmul.f32 $8.000000000e+00, v19;
	_ =	sdelay $0x1  }
0x155: {  	v19 =	vadd.f32 v19, v20;
	_ =	sdelay $0x1  }
0x156: {  	[tilespmem:v36+s25+$0x0] =	vst.idx.msk $0xffff, v19  }
0x157: {  	v19 =	vld.idx.msk [tilespmem:v37+s15+$0x0], $0xffff;
	_ =	sdelay $0x3  }
0x158: {  	v38 =	vor.u32 v5, v18  }
0x159: {  	v39 =	vor.u32 v6, v23;
	v19 =	vmul.f32 $8.000000000e+00, v19;
	_ =	sdelay $0x1  }
0x15a: {  	v19 =	vadd.f32 v19, v20;
	_ =	sdelay $0x1  }
0x15b: {  	[tilespmem:v38+s25+$0x0] =	vst.idx.msk $0xffff, v19  }
0x15c: {  	v19 =	vld.idx.msk [tilespmem:v39+s15+$0x0], $0xffff;
	_ =	sdelay $0x3  }
0x15d: {  	v40 =	vor.u32 v7, v18  }
0x15e: {  	v41 =	vor.u32 v8, v23;
	v19 =	vmul.f32 $8.000000000e+00, v19;
	_ =	sdelay $0x1  }
0x15f: {  	v19 =	vadd.f32 v19, v20;
	_ =	sdelay $0x1  }
0x160: {  	[tilespmem:v40+s25+$0x0] =	vst.idx.msk $0xffff, v19  }
0x161: {  	v19 =	vld.idx.msk [tilespmem:v41+s15+$0x0], $0xffff;
	_ =	sdelay $0x3  }
0x162: {  	v42 =	vor.u32 v9, v18  }
0x163: {  	v43 =	vor.u32 v10, v23;
	v19 =	vmul.f32 $8.000000000e+00, v19;
	_ =	sdelay $0x1  }
0x164: {  	v19 =	vadd.f32 v19, v20;
	_ =	sdelay $0x1  }
0x165: {  	[tilespmem:v42+s25+$0x0] =	vst.idx.msk $0xffff, v19  }
0x166: {  	v19 =	vld.idx.msk [tilespmem:v43+s15+$0x0], $0xffff;
	_ =	sdelay $0x3  }
0x167: {  	v44 =	vor.u32 v11, v18  }
0x168: {  	v45 =	vor.u32 v12, v23;
	v19 =	vmul.f32 $8.000000000e+00, v19;
	_ =	sdelay $0x1  }
0x169: {  	v19 =	vadd.f32 v19, v20;
	_ =	sdelay $0x1  }
0x16a: {  	[tilespmem:v44+s25+$0x0] =	vst.idx.msk $0xffff, v19  }
0x16b: {  	v19 =	vld.idx.msk [tilespmem:v45+s15+$0x0], $0xffff;
	_ =	sdelay $0x3  }
0x16c: {  	v46 =	vor.u32 v13, v18  }
0x16d: {  	v23 =	vor.u32 v14, v23;
	v19 =	vmul.f32 $8.000000000e+00, v19;
	_ =	sdelay $0x1  }
0x16e: {  	v19 =	vadd.f32 v19, v20;
	_ =	sdelay $0x1  }
0x16f: {  	[tilespmem:v46+s25+$0x0] =	vst.idx.msk $0xffff, v19  }
0x170: {  	v19 =	vld.idx.msk [tilespmem:v23+s15+$0x0], $0xffff;
	_ =	sdelay $0x2  }
0x171: {  	v17 =	vor.u32 $0x30, v17  }
0x172: {  	v18 =	vor.u32 v15, v18;
	v47 =	vand.u32 $0x3F, v17  }
0x173: {  	v48 =	vor.u32 v1, v47;
	v19 =	vmul.f32 $8.000000000e+00, v19;
	_ =	sdelay $0x1  }
0x174: {  	v49 =	vor.u32 v16, v17;
	v19 =	vadd.f32 v19, v20;
	_ =	sdelay $0x1  }
0x175: {  	[tilespmem:v18+s25+$0x0] =	vst.idx.msk $0xffff, v19  }
0x176: {  	v18 =	vld.idx.msk [tilespmem:v48+s15+$0x0], $0xffff  }
0x177: {  	v17 =	vshll.u32 v17, $0x7  }
0x178: {  	v17 =	vand.u32 $0x1C00, v17;
	v19 =	vld.idx.msk [tilespmem:v49+s3+$0x0], $0xffff  }
0x179: {  	v17 =	vor.u32 v21, v17  }
0x17a: {  	v50 =	vor.u32 v0, v17  }
0x17b: {  	v51 =	vor.u32 v2, v47;
	v18 =	vmul.f32 $8.000000000e+00, v18;
	_ =	sdelay $0x1  }
0x17c: {  	v18 =	vadd.f32 v18, v19;
	_ =	sdelay $0x1  }
0x17d: {  	[tilespmem:v50+s25+$0x0] =	vst.idx.msk $0xffff, v18  }
0x17e: {  	v18 =	vld.idx.msk [tilespmem:v51+s15+$0x0], $0xffff;
	_ =	sdelay $0x3  }
0x17f: {  	v52 =	vor.u32 v3, v17  }
0x180: {  	v53 =	vor.u32 v4, v47;
	v18 =	vmul.f32 $8.000000000e+00, v18;
	_ =	sdelay $0x1  }
0x181: {  	v18 =	vadd.f32 v18, v19;
	_ =	sdelay $0x1  }
0x182: {  	[tilespmem:v52+s25+$0x0] =	vst.idx.msk $0xffff, v18  }
0x183: {  	v18 =	vld.idx.msk [tilespmem:v53+s15+$0x0], $0xffff;
	_ =	sdelay $0x3  }
0x184: {  	v54 =	vor.u32 v5, v17  }
0x185: {  	v55 =	vor.u32 v6, v47;
	v18 =	vmul.f32 $8.000000000e+00, v18;
	_ =	sdelay $0x1  }
0x186: {  	v18 =	vadd.f32 v18, v19;
	_ =	sdelay $0x1  }
0x187: {  	[tilespmem:v54+s25+$0x0] =	vst.idx.msk $0xffff, v18  }
0x188: {  	v18 =	vld.idx.msk [tilespmem:v55+s15+$0x0], $0xffff;
	_ =	sdelay $0x3  }
0x189: {  	v56 =	vor.u32 v7, v17  }
0x18a: {  	v57 =	vor.u32 v8, v47;
	v18 =	vmul.f32 $8.000000000e+00, v18;
	_ =	sdelay $0x1  }
0x18b: {  	v18 =	vadd.f32 v18, v19;
	_ =	sdelay $0x1  }
0x18c: {  	[tilespmem:v56+s25+$0x0] =	vst.idx.msk $0xffff, v18  }
0x18d: {  	v18 =	vld.idx.msk [tilespmem:v57+s15+$0x0], $0xffff;
	_ =	sdelay $0x3  }
0x18e: {  	v58 =	vor.u32 v9, v17  }
0x18f: {  	v59 =	vor.u32 v10, v47;
	v18 =	vmul.f32 $8.000000000e+00, v18;
	_ =	sdelay $0x1  }
0x190: {  	v18 =	vadd.f32 v18, v19;
	_ =	sdelay $0x1  }
0x191: {  	[tilespmem:v58+s25+$0x0] =	vst.idx.msk $0xffff, v18  }
0x192: {  	v18 =	vld.idx.msk [tilespmem:v59+s15+$0x0], $0xffff;
	_ =	sdelay $0x3  }
0x193: {  	v60 =	vor.u32 v11, v17  }
0x194: {  	v61 =	vor.u32 v12, v47;
	v18 =	vmul.f32 $8.000000000e+00, v18;
	_ =	sdelay $0x1  }
0x195: {  	v18 =	vadd.f32 v18, v19;
	_ =	sdelay $0x1  }
0x196: {  	[tilespmem:v60+s25+$0x0] =	vst.idx.msk $0xffff, v18  }
0x197: {  	v18 =	vld.idx.msk [tilespmem:v61+s15+$0x0], $0xffff;
	_ =	sdelay $0x3  }
0x198: {  	v62 =	vor.u32 v13, v17  }
0x199: {  	v63 =	vor.u32 v14, v47;
	v18 =	vmul.f32 $8.000000000e+00, v18;
	_ =	sdelay $0x1  }
0x19a: {  	v18 =	vadd.f32 v18, v19;
	_ =	sdelay $0x1  }
0x19b: {  	[tilespmem:v62+s25+$0x0] =	vst.idx.msk $0xffff, v18  }
0x19c: {  	v18 =	vld.idx.msk [tilespmem:v63+s15+$0x0], $0xffff;
	_ =	sdelay $0x3  }
0x19d: {  	p1 =	sne.s32 s16, $0xF;
	v17 =	vor.u32 v15, v17  }
.Ltmp3:
0x19e: {  	v18 =	vmul.f32 $8.000000000e+00, v18;
	(pc) =	sbr.rel @p1 .LBB2_5-.Ltmp3, $3  }
0x19f: {  	_ = 	snop  }
0x1a0: {  	v18 =	vadd.f32 v18, v19;
	_ =	sdelay $0x1  }
0x1a1: {  	s16 =	sadd.s32 $0x1, s16;
	[tilespmem:v17+s25+$0x0] =	vst.idx.msk $0xffff, v18  }
0x1a2: {  	s14 =	sshll.u32 s14, $0x12  }
0x1a3: {  	s14 =	sor.u32 s7, s14  }
0x1a4: {  	s14 =	sshrl.u32 s14, $0x3  }
0x1a5: {  	s14 =	sadd.s32 s2, s14  }
0x1a6: {  	[hbm4b:s14+s22] =	stream.strided.scatter [tilespmem:s25], [sflag:$0x6], $0x2000, s23, s22, $0x38;
	[tilespmem:$0x15600] =	vst v63  }
0x1a7: {  	s16 =	simm.s32 @!p0 $0x80;
	s18 =	simm.s32 @!p0 $0xB600;
	s14 =	sadd.s32 @!p0 $0x3480, s11  }
0x1a8: {  	[tilespmem:s18], [sflag:$0x2] =	stream.indirect.gather @!p0 [hbm4b:s4+s16], $0x40, s14, s16, $0xb8;
	[tilespmem:$0x15600] =	vst v63  }
0x1a9: {  	_ =	swait.ge [sflag:s26], $0x2000  }
0x1aa: {  	[sflag:s26] =	ssyncset.done $0x0  }
0x1ab: {  	[sflag:s26] =	ssyncadd.s32 $0xFFFFE000  }
0x1ac: {  	s14 =	sor.u32 $0x2, s1;
	_ =	swait.ge [sflag:s28], $0x2000  }
0x1ad: {  	s18 =	sshll.u32 s14, $0x6;
	[sflag:s28] =	ssyncset.done $0x0  }
0x1ae: {  	s16 =	simm.s32 $0x0;
	v16 =	vmov s18;
	[sflag:s28] =	ssyncadd.s32 $0xFFFFE000  }
.LBB2_7:
0x1af: {  	v17 =	vadd.s32 s16, v0  }
0x1b0: {  	v18 =	vand.u32 $0xF, v17  }
0x1b1: {  	v19 =	vor.u32 v1, v18;
	_ =	sdelay $0x1  }
0x1b2: {  	v20 =	vor.u32 v16, v18;
	_ =	sdelay $0x2  }
0x1b3: {  	v19 =	vld.idx.msk [tilespmem:v19+s17+$0x0], $0xffff;
	_ =	sdelay $0x1  }
0x1b4: {  	v21 =	vshll.u32 v17, $0x7;
	v20 =	vld.idx.msk [tilespmem:v20+s3+$0x0], $0xffff  }
0x1b5: {  	v22 =	vand.u32 $0x780, v21  }
0x1b6: {  	v23 =	vor.u32 v0, v22  }
0x1b7: {  	v24 =	vor.u32 v2, v18;
	v19 =	vmul.f32 $8.000000000e+00, v19;
	_ =	sdelay $0x1  }
0x1b8: {  	v19 =	vadd.f32 v19, v20;
	_ =	sdelay $0x1  }
0x1b9: {  	[tilespmem:v23+s21+$0x0] =	vst.idx.msk $0xffff, v19  }
0x1ba: {  	v19 =	vld.idx.msk [tilespmem:v24+s17+$0x0], $0xffff;
	_ =	sdelay $0x3  }
0x1bb: {  	v38 =	vor.u32 v3, v22  }
0x1bc: {  	v39 =	vor.u32 v4, v18;
	v19 =	vmul.f32 $8.000000000e+00, v19;
	_ =	sdelay $0x1  }
0x1bd: {  	v19 =	vadd.f32 v19, v20;
	_ =	sdelay $0x1  }
0x1be: {  	[tilespmem:v38+s21+$0x0] =	vst.idx.msk $0xffff, v19  }
0x1bf: {  	v19 =	vld.idx.msk [tilespmem:v39+s17+$0x0], $0xffff;
	_ =	sdelay $0x3  }
0x1c0: {  	v40 =	vor.u32 v5, v22  }
0x1c1: {  	v41 =	vor.u32 v6, v18;
	v19 =	vmul.f32 $8.000000000e+00, v19;
	_ =	sdelay $0x1  }
0x1c2: {  	v19 =	vadd.f32 v19, v20;
	_ =	sdelay $0x1  }
0x1c3: {  	[tilespmem:v40+s21+$0x0] =	vst.idx.msk $0xffff, v19  }
0x1c4: {  	v19 =	vld.idx.msk [tilespmem:v41+s17+$0x0], $0xffff;
	_ =	sdelay $0x3  }
0x1c5: {  	v42 =	vor.u32 v7, v22  }
0x1c6: {  	v43 =	vor.u32 v8, v18;
	v19 =	vmul.f32 $8.000000000e+00, v19;
	_ =	sdelay $0x1  }
0x1c7: {  	v19 =	vadd.f32 v19, v20;
	_ =	sdelay $0x1  }
0x1c8: {  	[tilespmem:v42+s21+$0x0] =	vst.idx.msk $0xffff, v19  }
0x1c9: {  	v19 =	vld.idx.msk [tilespmem:v43+s17+$0x0], $0xffff;
	_ =	sdelay $0x3  }
0x1ca: {  	v44 =	vor.u32 v9, v22  }
0x1cb: {  	v45 =	vor.u32 v10, v18;
	v19 =	vmul.f32 $8.000000000e+00, v19;
	_ =	sdelay $0x1  }
0x1cc: {  	v19 =	vadd.f32 v19, v20;
	_ =	sdelay $0x1  }
0x1cd: {  	[tilespmem:v44+s21+$0x0] =	vst.idx.msk $0xffff, v19  }
0x1ce: {  	v19 =	vld.idx.msk [tilespmem:v45+s17+$0x0], $0xffff;
	_ =	sdelay $0x3  }
0x1cf: {  	v46 =	vor.u32 v11, v22  }
0x1d0: {  	v47 =	vor.u32 v12, v18;
	v19 =	vmul.f32 $8.000000000e+00, v19;
	_ =	sdelay $0x1  }
0x1d1: {  	v19 =	vadd.f32 v19, v20;
	_ =	sdelay $0x1  }
0x1d2: {  	[tilespmem:v46+s21+$0x0] =	vst.idx.msk $0xffff, v19  }
0x1d3: {  	v19 =	vld.idx.msk [tilespmem:v47+s17+$0x0], $0xffff;
	_ =	sdelay $0x3  }
0x1d4: {  	v48 =	vor.u32 v13, v22  }
0x1d5: {  	v49 =	vor.u32 v14, v18;
	v19 =	vmul.f32 $8.000000000e+00, v19;
	_ =	sdelay $0x1  }
0x1d6: {  	v19 =	vadd.f32 v19, v20;
	_ =	sdelay $0x1  }
0x1d7: {  	[tilespmem:v48+s21+$0x0] =	vst.idx.msk $0xffff, v19  }
0x1d8: {  	v19 =	vld.idx.msk [tilespmem:v49+s17+$0x0], $0xffff;
	_ =	sdelay $0x2  }
0x1d9: {  	v50 =	vor.u32 $0x10, v17  }
0x1da: {  	v51 =	vand.u32 $0x1F, v50;
	v22 =	vor.u32 v15, v22  }
0x1db: {  	v25 =	vor.u32 v1, v51;
	v19 =	vmul.f32 $8.000000000e+00, v19;
	_ =	sdelay $0x1  }
0x1dc: {  	v52 =	vor.u32 v16, v50;
	v19 =	vadd.f32 v19, v20;
	_ =	sdelay $0x1  }
0x1dd: {  	[tilespmem:v22+s21+$0x0] =	vst.idx.msk $0xffff, v19  }
0x1de: {  	v19 =	vld.idx.msk [tilespmem:v25+s17+$0x0], $0xffff  }
0x1df: {  	v53 =	vshll.u32 v50, $0x7  }
0x1e0: {  	v21 =	vand.u32 $0x380, v21;
	v22 =	vand.u32 $0xC00, v53;
	v20 =	vld.idx.msk [tilespmem:v52+s3+$0x0], $0xffff  }
0x1e1: {  	v22 =	vor.u32 v21, v22  }
0x1e2: {  	v54 =	vor.u32 v0, v22  }
0x1e3: {  	v55 =	vor.u32 v2, v51;
	v19 =	vmul.f32 $8.000000000e+00, v19;
	_ =	sdelay $0x1  }
0x1e4: {  	v19 =	vadd.f32 v19, v20;
	_ =	sdelay $0x1  }
0x1e5: {  	[tilespmem:v54+s21+$0x0] =	vst.idx.msk $0xffff, v19  }
0x1e6: {  	v19 =	vld.idx.msk [tilespmem:v55+s17+$0x0], $0xffff;
	_ =	sdelay $0x3  }
0x1e7: {  	v56 =	vor.u32 v3, v22  }
0x1e8: {  	v57 =	vor.u32 v4, v51;
	v19 =	vmul.f32 $8.000000000e+00, v19;
	_ =	sdelay $0x1  }
0x1e9: {  	v19 =	vadd.f32 v19, v20;
	_ =	sdelay $0x1  }
0x1ea: {  	[tilespmem:v56+s21+$0x0] =	vst.idx.msk $0xffff, v19  }
0x1eb: {  	v19 =	vld.idx.msk [tilespmem:v57+s17+$0x0], $0xffff;
	_ =	sdelay $0x3  }
0x1ec: {  	v58 =	vor.u32 v5, v22  }
0x1ed: {  	v59 =	vor.u32 v6, v51;
	v19 =	vmul.f32 $8.000000000e+00, v19;
	_ =	sdelay $0x1  }
0x1ee: {  	v19 =	vadd.f32 v19, v20;
	_ =	sdelay $0x1  }
0x1ef: {  	[tilespmem:v58+s21+$0x0] =	vst.idx.msk $0xffff, v19  }
0x1f0: {  	v19 =	vld.idx.msk [tilespmem:v59+s17+$0x0], $0xffff;
	_ =	sdelay $0x3  }
0x1f1: {  	v60 =	vor.u32 v7, v22  }
0x1f2: {  	v61 =	vor.u32 v8, v51;
	v19 =	vmul.f32 $8.000000000e+00, v19;
	_ =	sdelay $0x1  }
0x1f3: {  	v19 =	vadd.f32 v19, v20;
	_ =	sdelay $0x1  }
0x1f4: {  	[tilespmem:v60+s21+$0x0] =	vst.idx.msk $0xffff, v19  }
0x1f5: {  	v19 =	vld.idx.msk [tilespmem:v61+s17+$0x0], $0xffff;
	_ =	sdelay $0x3  }
0x1f6: {  	v62 =	vor.u32 v9, v22  }
0x1f7: {  	v63 =	vor.u32 v10, v51;
	v19 =	vmul.f32 $8.000000000e+00, v19;
	_ =	sdelay $0x1  }
0x1f8: {  	v19 =	vadd.f32 v19, v20;
	_ =	sdelay $0x1  }
0x1f9: {  	[tilespmem:v62+s21+$0x0] =	vst.idx.msk $0xffff, v19  }
0x1fa: {  	v19 =	vld.idx.msk [tilespmem:v63+s17+$0x0], $0xffff;
	_ =	sdelay $0x3  }
0x1fb: {  	v28 =	vor.u32 v11, v22  }
0x1fc: {  	v29 =	vor.u32 v12, v51;
	v19 =	vmul.f32 $8.000000000e+00, v19;
	_ =	sdelay $0x1  }
0x1fd: {  	v19 =	vadd.f32 v19, v20;
	_ =	sdelay $0x1  }
0x1fe: {  	[tilespmem:v28+s21+$0x0] =	vst.idx.msk $0xffff, v19  }
0x1ff: {  	v19 =	vld.idx.msk [tilespmem:v29+s17+$0x0], $0xffff;
	_ =	sdelay $0x3  }
0x200: {  	v30 =	vor.u32 v13, v22  }
0x201: {  	v24 =	vor.u32 v14, v51;
	v19 =	vmul.f32 $8.000000000e+00, v19;
	_ =	sdelay $0x1  }
0x202: {  	v19 =	vadd.f32 v19, v20;
	_ =	sdelay $0x1  }
0x203: {  	[tilespmem:v30+s21+$0x0] =	vst.idx.msk $0xffff, v19  }
0x204: {  	v19 =	vld.idx.msk [tilespmem:v24+s17+$0x0], $0xffff;
	_ =	sdelay $0x1  }
0x205: {  	v18 =	vor.u32 $0x20, v18  }
0x206: {  	v31 =	vand.u32 $0x7, v17;
	v32 =	vand.u32 $0x28, v18  }
0x207: {  	v23 =	vor.u32 v31, v32;
	v22 =	vor.u32 v15, v22  }
0x208: {  	v24 =	vor.u32 v1, v23;
	v19 =	vmul.f32 $8.000000000e+00, v19;
	_ =	sdelay $0x1  }
0x209: {  	v33 =	vor.u32 v16, v23;
	v19 =	vadd.f32 v19, v20;
	_ =	sdelay $0x1  }
0x20a: {  	[tilespmem:v22+s21+$0x0] =	vst.idx.msk $0xffff, v19  }
0x20b: {  	v19 =	vld.idx.msk [tilespmem:v24+s17+$0x0], $0xffff  }
0x20c: {  	v18 =	vshll.u32 v18, $0x7  }
0x20d: {  	v18 =	vand.u32 $0x1400, v18;
	v20 =	vld.idx.msk [tilespmem:v33+s3+$0x0], $0xffff  }
0x20e: {  	v18 =	vor.u32 v21, v18  }
0x20f: {  	v34 =	vor.u32 v0, v18  }
0x210: {  	v35 =	vor.u32 v2, v23;
	v19 =	vmul.f32 $8.000000000e+00, v19;
	_ =	sdelay $0x1  }
0x211: {  	v19 =	vadd.f32 v19, v20;
	_ =	sdelay $0x1  }
0x212: {  	[tilespmem:v34+s21+$0x0] =	vst.idx.msk $0xffff, v19  }
0x213: {  	v19 =	vld.idx.msk [tilespmem:v35+s17+$0x0], $0xffff;
	_ =	sdelay $0x3  }
0x214: {  	v36 =	vor.u32 v3, v18  }
0x215: {  	v37 =	vor.u32 v4, v23;
	v19 =	vmul.f32 $8.000000000e+00, v19;
	_ =	sdelay $0x1  }
0x216: {  	v19 =	vadd.f32 v19, v20;
	_ =	sdelay $0x1  }
0x217: {  	[tilespmem:v36+s21+$0x0] =	vst.idx.msk $0xffff, v19  }
0x218: {  	v19 =	vld.idx.msk [tilespmem:v37+s17+$0x0], $0xffff;
	_ =	sdelay $0x3  }
0x219: {  	v38 =	vor.u32 v5, v18  }
0x21a: {  	v39 =	vor.u32 v6, v23;
	v19 =	vmul.f32 $8.000000000e+00, v19;
	_ =	sdelay $0x1  }
0x21b: {  	v19 =	vadd.f32 v19, v20;
	_ =	sdelay $0x1  }
0x21c: {  	[tilespmem:v38+s21+$0x0] =	vst.idx.msk $0xffff, v19  }
0x21d: {  	v19 =	vld.idx.msk [tilespmem:v39+s17+$0x0], $0xffff;
	_ =	sdelay $0x3  }
0x21e: {  	v40 =	vor.u32 v7, v18  }
0x21f: {  	v41 =	vor.u32 v8, v23;
	v19 =	vmul.f32 $8.000000000e+00, v19;
	_ =	sdelay $0x1  }
0x220: {  	v19 =	vadd.f32 v19, v20;
	_ =	sdelay $0x1  }
0x221: {  	[tilespmem:v40+s21+$0x0] =	vst.idx.msk $0xffff, v19  }
0x222: {  	v19 =	vld.idx.msk [tilespmem:v41+s17+$0x0], $0xffff;
	_ =	sdelay $0x3  }
0x223: {  	v42 =	vor.u32 v9, v18  }
0x224: {  	v43 =	vor.u32 v10, v23;
	v19 =	vmul.f32 $8.000000000e+00, v19;
	_ =	sdelay $0x1  }
0x225: {  	v19 =	vadd.f32 v19, v20;
	_ =	sdelay $0x1  }
0x226: {  	[tilespmem:v42+s21+$0x0] =	vst.idx.msk $0xffff, v19  }
0x227: {  	v19 =	vld.idx.msk [tilespmem:v43+s17+$0x0], $0xffff;
	_ =	sdelay $0x3  }
0x228: {  	v44 =	vor.u32 v11, v18  }
0x229: {  	v45 =	vor.u32 v12, v23;
	v19 =	vmul.f32 $8.000000000e+00, v19;
	_ =	sdelay $0x1  }
0x22a: {  	v19 =	vadd.f32 v19, v20;
	_ =	sdelay $0x1  }
0x22b: {  	[tilespmem:v44+s21+$0x0] =	vst.idx.msk $0xffff, v19  }
0x22c: {  	v19 =	vld.idx.msk [tilespmem:v45+s17+$0x0], $0xffff;
	_ =	sdelay $0x3  }
0x22d: {  	v46 =	vor.u32 v13, v18  }
0x22e: {  	v23 =	vor.u32 v14, v23;
	v19 =	vmul.f32 $8.000000000e+00, v19;
	_ =	sdelay $0x1  }
0x22f: {  	v19 =	vadd.f32 v19, v20;
	_ =	sdelay $0x1  }
0x230: {  	[tilespmem:v46+s21+$0x0] =	vst.idx.msk $0xffff, v19  }
0x231: {  	v19 =	vld.idx.msk [tilespmem:v23+s17+$0x0], $0xffff;
	_ =	sdelay $0x2  }
0x232: {  	v17 =	vor.u32 $0x30, v17  }
0x233: {  	v18 =	vor.u32 v15, v18;
	v47 =	vand.u32 $0x3F, v17  }
0x234: {  	v48 =	vor.u32 v1, v47;
	v19 =	vmul.f32 $8.000000000e+00, v19;
	_ =	sdelay $0x1  }
0x235: {  	v49 =	vor.u32 v16, v17;
	v19 =	vadd.f32 v19, v20;
	_ =	sdelay $0x1  }
0x236: {  	[tilespmem:v18+s21+$0x0] =	vst.idx.msk $0xffff, v19  }
0x237: {  	v18 =	vld.idx.msk [tilespmem:v48+s17+$0x0], $0xffff  }
0x238: {  	v17 =	vshll.u32 v17, $0x7  }
0x239: {  	v17 =	vand.u32 $0x1C00, v17;
	v19 =	vld.idx.msk [tilespmem:v49+s3+$0x0], $0xffff  }
0x23a: {  	v17 =	vor.u32 v21, v17  }
0x23b: {  	v50 =	vor.u32 v0, v17  }
0x23c: {  	v51 =	vor.u32 v2, v47;
	v18 =	vmul.f32 $8.000000000e+00, v18;
	_ =	sdelay $0x1  }
0x23d: {  	v18 =	vadd.f32 v18, v19;
	_ =	sdelay $0x1  }
0x23e: {  	[tilespmem:v50+s21+$0x0] =	vst.idx.msk $0xffff, v18  }
0x23f: {  	v18 =	vld.idx.msk [tilespmem:v51+s17+$0x0], $0xffff;
	_ =	sdelay $0x3  }
0x240: {  	v52 =	vor.u32 v3, v17  }
0x241: {  	v53 =	vor.u32 v4, v47;
	v18 =	vmul.f32 $8.000000000e+00, v18;
	_ =	sdelay $0x1  }
0x242: {  	v18 =	vadd.f32 v18, v19;
	_ =	sdelay $0x1  }
0x243: {  	[tilespmem:v52+s21+$0x0] =	vst.idx.msk $0xffff, v18  }
0x244: {  	v18 =	vld.idx.msk [tilespmem:v53+s17+$0x0], $0xffff;
	_ =	sdelay $0x3  }
0x245: {  	v54 =	vor.u32 v5, v17  }
0x246: {  	v55 =	vor.u32 v6, v47;
	v18 =	vmul.f32 $8.000000000e+00, v18;
	_ =	sdelay $0x1  }
0x247: {  	v18 =	vadd.f32 v18, v19;
	_ =	sdelay $0x1  }
0x248: {  	[tilespmem:v54+s21+$0x0] =	vst.idx.msk $0xffff, v18  }
0x249: {  	v18 =	vld.idx.msk [tilespmem:v55+s17+$0x0], $0xffff;
	_ =	sdelay $0x3  }
0x24a: {  	v56 =	vor.u32 v7, v17  }
0x24b: {  	v57 =	vor.u32 v8, v47;
	v18 =	vmul.f32 $8.000000000e+00, v18;
	_ =	sdelay $0x1  }
0x24c: {  	v18 =	vadd.f32 v18, v19;
	_ =	sdelay $0x1  }
0x24d: {  	[tilespmem:v56+s21+$0x0] =	vst.idx.msk $0xffff, v18  }
0x24e: {  	v18 =	vld.idx.msk [tilespmem:v57+s17+$0x0], $0xffff;
	_ =	sdelay $0x3  }
0x24f: {  	v58 =	vor.u32 v9, v17  }
0x250: {  	v59 =	vor.u32 v10, v47;
	v18 =	vmul.f32 $8.000000000e+00, v18;
	_ =	sdelay $0x1  }
0x251: {  	v18 =	vadd.f32 v18, v19;
	_ =	sdelay $0x1  }
0x252: {  	[tilespmem:v58+s21+$0x0] =	vst.idx.msk $0xffff, v18  }
0x253: {  	v18 =	vld.idx.msk [tilespmem:v59+s17+$0x0], $0xffff;
	_ =	sdelay $0x3  }
0x254: {  	v60 =	vor.u32 v11, v17  }
0x255: {  	v61 =	vor.u32 v12, v47;
	v18 =	vmul.f32 $8.000000000e+00, v18;
	_ =	sdelay $0x1  }
0x256: {  	v18 =	vadd.f32 v18, v19;
	_ =	sdelay $0x1  }
0x257: {  	[tilespmem:v60+s21+$0x0] =	vst.idx.msk $0xffff, v18  }
0x258: {  	v18 =	vld.idx.msk [tilespmem:v61+s17+$0x0], $0xffff;
	_ =	sdelay $0x3  }
0x259: {  	v62 =	vor.u32 v13, v17  }
0x25a: {  	v63 =	vor.u32 v14, v47;
	v18 =	vmul.f32 $8.000000000e+00, v18;
	_ =	sdelay $0x1  }
0x25b: {  	v18 =	vadd.f32 v18, v19;
	_ =	sdelay $0x1  }
0x25c: {  	[tilespmem:v62+s21+$0x0] =	vst.idx.msk $0xffff, v18  }
0x25d: {  	v18 =	vld.idx.msk [tilespmem:v63+s17+$0x0], $0xffff;
	_ =	sdelay $0x3  }
0x25e: {  	p1 =	sne.s32 s16, $0xF;
	v17 =	vor.u32 v15, v17  }
.Ltmp4:
0x25f: {  	v18 =	vmul.f32 $8.000000000e+00, v18;
	(pc) =	sbr.rel @p1 .LBB2_7-.Ltmp4, $3  }
0x260: {  	_ = 	snop  }
0x261: {  	v18 =	vadd.f32 v18, v19;
	_ =	sdelay $0x1  }
0x262: {  	s16 =	sadd.s32 $0x1, s16;
	[tilespmem:v17+s21+$0x0] =	vst.idx.msk $0xffff, v18  }
0x263: {  	s14 =	sshll.u32 s14, $0x12  }
0x264: {  	s14 =	sor.u32 s7, s14  }
0x265: {  	s14 =	sshrl.u32 s14, $0x3  }
0x266: {  	s14 =	sadd.s32 s2, s14  }
0x267: {  	[hbm4b:s14+s22] =	stream.strided.scatter [tilespmem:s21], [sflag:$0x5], $0x2000, s23, s22, $0x38;
	[tilespmem:$0x15600] =	vst v63  }
0x268: {  	s11 =	sadd.s32 @!p0 $0x3500, s11;
	s16 =	simm.s32 @!p0 $0xD600;
	s14 =	simm.s32 @!p0 $0x80  }
0x269: {  	[tilespmem:s16], [sflag:$0x3] =	stream.indirect.gather @!p0 [hbm4b:s4+s14], $0x40, s11, s14, $0xb8;
	[tilespmem:$0x15600] =	vst v63  }
0x26a: {  	_ =	swait.ge [sflag:s29], $0x2000  }
0x26b: {  	[sflag:s29] =	ssyncset.done $0x0  }
0x26c: {  	[sflag:s29] =	ssyncadd.s32 $0xFFFFE000  }
0x26d: {  	s1 =	sor.u32 $0x3, s1;
	_ =	swait.ge [sflag:s30], $0x2000  }
0x26e: {  	s18 =	sshll.u32 s1, $0x6;
	[sflag:s30] =	ssyncset.done $0x0  }
0x26f: {  	v16 =	vmov s18;
	s11 =	simm.s32 $0x0;
	[sflag:s30] =	ssyncadd.s32 $0xFFFFE000  }
.LBB2_9:
0x270: {  	v17 =	vadd.s32 s11, v0  }
0x271: {  	v18 =	vand.u32 $0xF, v17  }
0x272: {  	v19 =	vor.u32 v1, v18;
	_ =	sdelay $0x1  }
0x273: {  	v20 =	vor.u32 v16, v18;
	_ =	sdelay $0x2  }
0x274: {  	v19 =	vld.idx.msk [tilespmem:v19+s19+$0x0], $0xffff;
	_ =	sdelay $0x1  }
0x275: {  	v21 =	vshll.u32 v17, $0x7;
	v20 =	vld.idx.msk [tilespmem:v20+s3+$0x0], $0xffff  }
0x276: {  	v22 =	vand.u32 $0x780, v21  }
0x277: {  	v23 =	vor.u32 v0, v22  }
0x278: {  	v24 =	vor.u32 v2, v18;
	v19 =	vmul.f32 $8.000000000e+00, v19;
	_ =	sdelay $0x1  }
0x279: {  	v19 =	vadd.f32 v19, v20;
	_ =	sdelay $0x1  }
0x27a: {  	[tilespmem:v23+s25+$0x0] =	vst.idx.msk $0xffff, v19  }
0x27b: {  	v19 =	vld.idx.msk [tilespmem:v24+s19+$0x0], $0xffff;
	_ =	sdelay $0x3  }
0x27c: {  	v38 =	vor.u32 v3, v22  }
0x27d: {  	v39 =	vor.u32 v4, v18;
	v19 =	vmul.f32 $8.000000000e+00, v19;
	_ =	sdelay $0x1  }
0x27e: {  	v19 =	vadd.f32 v19, v20;
	_ =	sdelay $0x1  }
0x27f: {  	[tilespmem:v38+s25+$0x0] =	vst.idx.msk $0xffff, v19  }
0x280: {  	v19 =	vld.idx.msk [tilespmem:v39+s19+$0x0], $0xffff;
	_ =	sdelay $0x3  }
0x281: {  	v40 =	vor.u32 v5, v22  }
0x282: {  	v41 =	vor.u32 v6, v18;
	v19 =	vmul.f32 $8.000000000e+00, v19;
	_ =	sdelay $0x1  }
0x283: {  	v19 =	vadd.f32 v19, v20;
	_ =	sdelay $0x1  }
0x284: {  	[tilespmem:v40+s25+$0x0] =	vst.idx.msk $0xffff, v19  }
0x285: {  	v19 =	vld.idx.msk [tilespmem:v41+s19+$0x0], $0xffff;
	_ =	sdelay $0x3  }
0x286: {  	v42 =	vor.u32 v7, v22  }
0x287: {  	v43 =	vor.u32 v8, v18;
	v19 =	vmul.f32 $8.000000000e+00, v19;
	_ =	sdelay $0x1  }
0x288: {  	v19 =	vadd.f32 v19, v20;
	_ =	sdelay $0x1  }
0x289: {  	[tilespmem:v42+s25+$0x0] =	vst.idx.msk $0xffff, v19  }
0x28a: {  	v19 =	vld.idx.msk [tilespmem:v43+s19+$0x0], $0xffff;
	_ =	sdelay $0x3  }
0x28b: {  	v44 =	vor.u32 v9, v22  }
0x28c: {  	v45 =	vor.u32 v10, v18;
	v19 =	vmul.f32 $8.000000000e+00, v19;
	_ =	sdelay $0x1  }
0x28d: {  	v19 =	vadd.f32 v19, v20;
	_ =	sdelay $0x1  }
0x28e: {  	[tilespmem:v44+s25+$0x0] =	vst.idx.msk $0xffff, v19  }
0x28f: {  	v19 =	vld.idx.msk [tilespmem:v45+s19+$0x0], $0xffff;
	_ =	sdelay $0x3  }
0x290: {  	v46 =	vor.u32 v11, v22  }
0x291: {  	v47 =	vor.u32 v12, v18;
	v19 =	vmul.f32 $8.000000000e+00, v19;
	_ =	sdelay $0x1  }
0x292: {  	v19 =	vadd.f32 v19, v20;
	_ =	sdelay $0x1  }
0x293: {  	[tilespmem:v46+s25+$0x0] =	vst.idx.msk $0xffff, v19  }
0x294: {  	v19 =	vld.idx.msk [tilespmem:v47+s19+$0x0], $0xffff;
	_ =	sdelay $0x3  }
0x295: {  	v48 =	vor.u32 v13, v22  }
0x296: {  	v49 =	vor.u32 v14, v18;
	v19 =	vmul.f32 $8.000000000e+00, v19;
	_ =	sdelay $0x1  }
0x297: {  	v19 =	vadd.f32 v19, v20;
	_ =	sdelay $0x1  }
0x298: {  	[tilespmem:v48+s25+$0x0] =	vst.idx.msk $0xffff, v19  }
0x299: {  	v19 =	vld.idx.msk [tilespmem:v49+s19+$0x0], $0xffff;
	_ =	sdelay $0x2  }
0x29a: {  	v50 =	vor.u32 $0x10, v17  }
0x29b: {  	v51 =	vand.u32 $0x1F, v50;
	v22 =	vor.u32 v15, v22  }
0x29c: {  	v25 =	vor.u32 v1, v51;
	v19 =	vmul.f32 $8.000000000e+00, v19;
	_ =	sdelay $0x1  }
0x29d: {  	v52 =	vor.u32 v16, v50;
	v19 =	vadd.f32 v19, v20;
	_ =	sdelay $0x1  }
0x29e: {  	[tilespmem:v22+s25+$0x0] =	vst.idx.msk $0xffff, v19  }
0x29f: {  	v19 =	vld.idx.msk [tilespmem:v25+s19+$0x0], $0xffff  }
0x2a0: {  	v53 =	vshll.u32 v50, $0x7  }
0x2a1: {  	v21 =	vand.u32 $0x380, v21;
	v22 =	vand.u32 $0xC00, v53;
	v20 =	vld.idx.msk [tilespmem:v52+s3+$0x0], $0xffff  }
0x2a2: {  	v22 =	vor.u32 v21, v22  }
0x2a3: {  	v54 =	vor.u32 v0, v22  }
0x2a4: {  	v55 =	vor.u32 v2, v51;
	v19 =	vmul.f32 $8.000000000e+00, v19;
	_ =	sdelay $0x1  }
0x2a5: {  	v19 =	vadd.f32 v19, v20;
	_ =	sdelay $0x1  }
0x2a6: {  	[tilespmem:v54+s25+$0x0] =	vst.idx.msk $0xffff, v19  }
0x2a7: {  	v19 =	vld.idx.msk [tilespmem:v55+s19+$0x0], $0xffff;
	_ =	sdelay $0x3  }
0x2a8: {  	v56 =	vor.u32 v3, v22  }
0x2a9: {  	v57 =	vor.u32 v4, v51;
	v19 =	vmul.f32 $8.000000000e+00, v19;
	_ =	sdelay $0x1  }
0x2aa: {  	v19 =	vadd.f32 v19, v20;
	_ =	sdelay $0x1  }
0x2ab: {  	[tilespmem:v56+s25+$0x0] =	vst.idx.msk $0xffff, v19  }
0x2ac: {  	v19 =	vld.idx.msk [tilespmem:v57+s19+$0x0], $0xffff;
	_ =	sdelay $0x3  }
0x2ad: {  	v58 =	vor.u32 v5, v22  }
0x2ae: {  	v59 =	vor.u32 v6, v51;
	v19 =	vmul.f32 $8.000000000e+00, v19;
	_ =	sdelay $0x1  }
0x2af: {  	v19 =	vadd.f32 v19, v20;
	_ =	sdelay $0x1  }
0x2b0: {  	[tilespmem:v58+s25+$0x0] =	vst.idx.msk $0xffff, v19  }
0x2b1: {  	v19 =	vld.idx.msk [tilespmem:v59+s19+$0x0], $0xffff;
	_ =	sdelay $0x3  }
0x2b2: {  	v60 =	vor.u32 v7, v22  }
0x2b3: {  	v61 =	vor.u32 v8, v51;
	v19 =	vmul.f32 $8.000000000e+00, v19;
	_ =	sdelay $0x1  }
0x2b4: {  	v19 =	vadd.f32 v19, v20;
	_ =	sdelay $0x1  }
0x2b5: {  	[tilespmem:v60+s25+$0x0] =	vst.idx.msk $0xffff, v19  }
0x2b6: {  	v19 =	vld.idx.msk [tilespmem:v61+s19+$0x0], $0xffff;
	_ =	sdelay $0x3  }
0x2b7: {  	v62 =	vor.u32 v9, v22  }
0x2b8: {  	v63 =	vor.u32 v10, v51;
	v19 =	vmul.f32 $8.000000000e+00, v19;
	_ =	sdelay $0x1  }
0x2b9: {  	v19 =	vadd.f32 v19, v20;
	_ =	sdelay $0x1  }
0x2ba: {  	[tilespmem:v62+s25+$0x0] =	vst.idx.msk $0xffff, v19  }
0x2bb: {  	v19 =	vld.idx.msk [tilespmem:v63+s19+$0x0], $0xffff;
	_ =	sdelay $0x3  }
0x2bc: {  	v28 =	vor.u32 v11, v22  }
0x2bd: {  	v29 =	vor.u32 v12, v51;
	v19 =	vmul.f32 $8.000000000e+00, v19;
	_ =	sdelay $0x1  }
0x2be: {  	v19 =	vadd.f32 v19, v20;
	_ =	sdelay $0x1  }
0x2bf: {  	[tilespmem:v28+s25+$0x0] =	vst.idx.msk $0xffff, v19  }
0x2c0: {  	v19 =	vld.idx.msk [tilespmem:v29+s19+$0x0], $0xffff;
	_ =	sdelay $0x3  }
0x2c1: {  	v30 =	vor.u32 v13, v22  }
0x2c2: {  	v24 =	vor.u32 v14, v51;
	v19 =	vmul.f32 $8.000000000e+00, v19;
	_ =	sdelay $0x1  }
0x2c3: {  	v19 =	vadd.f32 v19, v20;
	_ =	sdelay $0x1  }
0x2c4: {  	[tilespmem:v30+s25+$0x0] =	vst.idx.msk $0xffff, v19  }
0x2c5: {  	v19 =	vld.idx.msk [tilespmem:v24+s19+$0x0], $0xffff;
	_ =	sdelay $0x1  }
0x2c6: {  	v18 =	vor.u32 $0x20, v18  }
0x2c7: {  	v31 =	vand.u32 $0x7, v17;
	v32 =	vand.u32 $0x28, v18  }
0x2c8: {  	v23 =	vor.u32 v31, v32;
	v22 =	vor.u32 v15, v22  }
0x2c9: {  	v24 =	vor.u32 v1, v23;
	v19 =	vmul.f32 $8.000000000e+00, v19;
	_ =	sdelay $0x1  }
0x2ca: {  	v33 =	vor.u32 v16, v23;
	v19 =	vadd.f32 v19, v20;
	_ =	sdelay $0x1  }
0x2cb: {  	[tilespmem:v22+s25+$0x0] =	vst.idx.msk $0xffff, v19  }
0x2cc: {  	v19 =	vld.idx.msk [tilespmem:v24+s19+$0x0], $0xffff  }
0x2cd: {  	v18 =	vshll.u32 v18, $0x7  }
0x2ce: {  	v18 =	vand.u32 $0x1400, v18;
	v20 =	vld.idx.msk [tilespmem:v33+s3+$0x0], $0xffff  }
0x2cf: {  	v18 =	vor.u32 v21, v18  }
0x2d0: {  	v34 =	vor.u32 v0, v18  }
0x2d1: {  	v35 =	vor.u32 v2, v23;
	v19 =	vmul.f32 $8.000000000e+00, v19;
	_ =	sdelay $0x1  }
0x2d2: {  	v19 =	vadd.f32 v19, v20;
	_ =	sdelay $0x1  }
0x2d3: {  	[tilespmem:v34+s25+$0x0] =	vst.idx.msk $0xffff, v19  }
0x2d4: {  	v19 =	vld.idx.msk [tilespmem:v35+s19+$0x0], $0xffff;
	_ =	sdelay $0x3  }
0x2d5: {  	v36 =	vor.u32 v3, v18  }
0x2d6: {  	v37 =	vor.u32 v4, v23;
	v19 =	vmul.f32 $8.000000000e+00, v19;
	_ =	sdelay $0x1  }
0x2d7: {  	v19 =	vadd.f32 v19, v20;
	_ =	sdelay $0x1  }
0x2d8: {  	[tilespmem:v36+s25+$0x0] =	vst.idx.msk $0xffff, v19  }
0x2d9: {  	v19 =	vld.idx.msk [tilespmem:v37+s19+$0x0], $0xffff;
	_ =	sdelay $0x3  }
0x2da: {  	v38 =	vor.u32 v5, v18  }
0x2db: {  	v39 =	vor.u32 v6, v23;
	v19 =	vmul.f32 $8.000000000e+00, v19;
	_ =	sdelay $0x1  }
0x2dc: {  	v19 =	vadd.f32 v19, v20;
	_ =	sdelay $0x1  }
0x2dd: {  	[tilespmem:v38+s25+$0x0] =	vst.idx.msk $0xffff, v19  }
0x2de: {  	v19 =	vld.idx.msk [tilespmem:v39+s19+$0x0], $0xffff;
	_ =	sdelay $0x3  }
0x2df: {  	v40 =	vor.u32 v7, v18  }
0x2e0: {  	v41 =	vor.u32 v8, v23;
	v19 =	vmul.f32 $8.000000000e+00, v19;
	_ =	sdelay $0x1  }
0x2e1: {  	v19 =	vadd.f32 v19, v20;
	_ =	sdelay $0x1  }
0x2e2: {  	[tilespmem:v40+s25+$0x0] =	vst.idx.msk $0xffff, v19  }
0x2e3: {  	v19 =	vld.idx.msk [tilespmem:v41+s19+$0x0], $0xffff;
	_ =	sdelay $0x3  }
0x2e4: {  	v42 =	vor.u32 v9, v18  }
0x2e5: {  	v43 =	vor.u32 v10, v23;
	v19 =	vmul.f32 $8.000000000e+00, v19;
	_ =	sdelay $0x1  }
0x2e6: {  	v19 =	vadd.f32 v19, v20;
	_ =	sdelay $0x1  }
0x2e7: {  	[tilespmem:v42+s25+$0x0] =	vst.idx.msk $0xffff, v19  }
0x2e8: {  	v19 =	vld.idx.msk [tilespmem:v43+s19+$0x0], $0xffff;
	_ =	sdelay $0x3  }
0x2e9: {  	v44 =	vor.u32 v11, v18  }
0x2ea: {  	v45 =	vor.u32 v12, v23;
	v19 =	vmul.f32 $8.000000000e+00, v19;
	_ =	sdelay $0x1  }
0x2eb: {  	v19 =	vadd.f32 v19, v20;
	_ =	sdelay $0x1  }
0x2ec: {  	[tilespmem:v44+s25+$0x0] =	vst.idx.msk $0xffff, v19  }
0x2ed: {  	v19 =	vld.idx.msk [tilespmem:v45+s19+$0x0], $0xffff;
	_ =	sdelay $0x3  }
0x2ee: {  	v46 =	vor.u32 v13, v18  }
0x2ef: {  	v23 =	vor.u32 v14, v23;
	v19 =	vmul.f32 $8.000000000e+00, v19;
	_ =	sdelay $0x1  }
0x2f0: {  	v19 =	vadd.f32 v19, v20;
	_ =	sdelay $0x1  }
0x2f1: {  	[tilespmem:v46+s25+$0x0] =	vst.idx.msk $0xffff, v19  }
0x2f2: {  	v19 =	vld.idx.msk [tilespmem:v23+s19+$0x0], $0xffff;
	_ =	sdelay $0x2  }
0x2f3: {  	v17 =	vor.u32 $0x30, v17  }
0x2f4: {  	v18 =	vor.u32 v15, v18;
	v47 =	vand.u32 $0x3F, v17  }
0x2f5: {  	v48 =	vor.u32 v1, v47;
	v19 =	vmul.f32 $8.000000000e+00, v19;
	_ =	sdelay $0x1  }
0x2f6: {  	v49 =	vor.u32 v16, v17;
	v19 =	vadd.f32 v19, v20;
	_ =	sdelay $0x1  }
0x2f7: {  	[tilespmem:v18+s25+$0x0] =	vst.idx.msk $0xffff, v19  }
0x2f8: {  	v18 =	vld.idx.msk [tilespmem:v48+s19+$0x0], $0xffff  }
0x2f9: {  	v17 =	vshll.u32 v17, $0x7  }
0x2fa: {  	v17 =	vand.u32 $0x1C00, v17;
	v19 =	vld.idx.msk [tilespmem:v49+s3+$0x0], $0xffff  }
0x2fb: {  	v17 =	vor.u32 v21, v17  }
0x2fc: {  	v50 =	vor.u32 v0, v17  }
0x2fd: {  	v51 =	vor.u32 v2, v47;
	v18 =	vmul.f32 $8.000000000e+00, v18;
	_ =	sdelay $0x1  }
0x2fe: {  	v18 =	vadd.f32 v18, v19;
	_ =	sdelay $0x1  }
0x2ff: {  	[tilespmem:v50+s25+$0x0] =	vst.idx.msk $0xffff, v18  }
0x300: {  	v18 =	vld.idx.msk [tilespmem:v51+s19+$0x0], $0xffff;
	_ =	sdelay $0x3  }
0x301: {  	v52 =	vor.u32 v3, v17  }
0x302: {  	v53 =	vor.u32 v4, v47;
	v18 =	vmul.f32 $8.000000000e+00, v18;
	_ =	sdelay $0x1  }
0x303: {  	v18 =	vadd.f32 v18, v19;
	_ =	sdelay $0x1  }
0x304: {  	[tilespmem:v52+s25+$0x0] =	vst.idx.msk $0xffff, v18  }
0x305: {  	v18 =	vld.idx.msk [tilespmem:v53+s19+$0x0], $0xffff;
	_ =	sdelay $0x3  }
0x306: {  	v54 =	vor.u32 v5, v17  }
0x307: {  	v55 =	vor.u32 v6, v47;
	v18 =	vmul.f32 $8.000000000e+00, v18;
	_ =	sdelay $0x1  }
0x308: {  	v18 =	vadd.f32 v18, v19;
	_ =	sdelay $0x1  }
0x309: {  	[tilespmem:v54+s25+$0x0] =	vst.idx.msk $0xffff, v18  }
0x30a: {  	v18 =	vld.idx.msk [tilespmem:v55+s19+$0x0], $0xffff;
	_ =	sdelay $0x3  }
0x30b: {  	v56 =	vor.u32 v7, v17  }
0x30c: {  	v57 =	vor.u32 v8, v47;
	v18 =	vmul.f32 $8.000000000e+00, v18;
	_ =	sdelay $0x1  }
0x30d: {  	v18 =	vadd.f32 v18, v19;
	_ =	sdelay $0x1  }
0x30e: {  	[tilespmem:v56+s25+$0x0] =	vst.idx.msk $0xffff, v18  }
0x30f: {  	v18 =	vld.idx.msk [tilespmem:v57+s19+$0x0], $0xffff;
	_ =	sdelay $0x3  }
0x310: {  	v58 =	vor.u32 v9, v17  }
0x311: {  	v59 =	vor.u32 v10, v47;
	v18 =	vmul.f32 $8.000000000e+00, v18;
	_ =	sdelay $0x1  }
0x312: {  	v18 =	vadd.f32 v18, v19;
	_ =	sdelay $0x1  }
0x313: {  	[tilespmem:v58+s25+$0x0] =	vst.idx.msk $0xffff, v18  }
0x314: {  	v18 =	vld.idx.msk [tilespmem:v59+s19+$0x0], $0xffff;
	_ =	sdelay $0x3  }
0x315: {  	v60 =	vor.u32 v11, v17  }
0x316: {  	v61 =	vor.u32 v12, v47;
	v18 =	vmul.f32 $8.000000000e+00, v18;
	_ =	sdelay $0x1  }
0x317: {  	v18 =	vadd.f32 v18, v19;
	_ =	sdelay $0x1  }
0x318: {  	[tilespmem:v60+s25+$0x0] =	vst.idx.msk $0xffff, v18  }
0x319: {  	v18 =	vld.idx.msk [tilespmem:v61+s19+$0x0], $0xffff;
	_ =	sdelay $0x3  }
0x31a: {  	v62 =	vor.u32 v13, v17  }
0x31b: {  	v63 =	vor.u32 v14, v47;
	v18 =	vmul.f32 $8.000000000e+00, v18;
	_ =	sdelay $0x1  }
0x31c: {  	v18 =	vadd.f32 v18, v19;
	_ =	sdelay $0x1  }
0x31d: {  	[tilespmem:v62+s25+$0x0] =	vst.idx.msk $0xffff, v18  }
0x31e: {  	v18 =	vld.idx.msk [tilespmem:v63+s19+$0x0], $0xffff;
	_ =	sdelay $0x3  }
0x31f: {  	p1 =	sne.s32 s11, $0xF;
	v17 =	vor.u32 v15, v17  }
.Ltmp5:
0x320: {  	v18 =	vmul.f32 $8.000000000e+00, v18;
	(pc) =	sbr.rel @p1 .LBB2_9-.Ltmp5, $3  }
0x321: {  	_ = 	snop  }
0x322: {  	v18 =	vadd.f32 v18, v19;
	_ =	sdelay $0x1  }
0x323: {  	s11 =	sadd.s32 $0x1, s11;
	[tilespmem:v17+s25+$0x0] =	vst.idx.msk $0xffff, v18  }
.Ltmp6:
0x324: {  	s1 =	sshll.u32 s1, $0x12;
	(pc) =	sbr.rel @p0 .LBB2_12-.Ltmp6, $4  }
0x325: {  	s1 =	sor.u32 s7, s1  }
0x326: {  	s1 =	sshrl.u32 s1, $0x3  }
0x327: {  	s1 =	sadd.s32 s2, s1  }
0x328: {  	[hbm4b:s1+s22] =	stream.strided.scatter [tilespmem:s25], [sflag:$0x6], $0x2000, s23, s22, $0x38;
	[tilespmem:$0x15600] =	vst v63  }
.Ltmp7:
0x329: {  	(pc) =	sbr.rel .LBB2_2-.Ltmp7, $4  }
0x32a: {  	s1 =	sshll.u32 s0, $0x9  }
0x32b: {  	s1 =	sand.u32 $0x3FFFFE00, s1  }
0x32c: {  	s0 =	sadd.s32 $0x1, s0;
	s1 =	sadd.s32 $0x3580, s1  }
0x32d: {  	[tilespmem:s19], [sflag:$0x4] =	stream.indirect.gather [hbm4b:s4+s10], $0x40, s1, s10, $0xb8;
	[tilespmem:$0x15600] =	vst v63  }
.LBB2_13:
0x32e: {  	_ =	sfence.sel $0x180000  }
0x32f: {  	[bflag:$0x0] =	sbarrier.arrive $0xFFFF  }
0x330: {  	_ =	strace $0x9000004A  }
0x331: {  	s0 =	stileid.u32;
	[bflag:$0x2] =	sbarrier.arrive $0xFFFF  }
0x332: {  	p0 =	sne.s32 s0, $0x0;
	s0 =	rddreg [dreg:$0x2]  }
0x333: {  	s0 =	sadd.s32 @!p0 $0x100000, s0  }
0x334: {  	[sflag:s0] =	ssyncadd.tile.s32 @!p0 $0x1;
	_ =	shalt  }
.Lfunc_end2:
_tile_overlayer_lowered:
.L_overlay_start_2:
0x335: {  	(tag) =	ssettag $0x2  }
0x336: {  	s0 =	rddreg [dreg:$0x0];
	s2 =	stileid.u32  }
0x337: {  	s1 =	rddreg [dreg:$0x1];
	p0 =	sne.s32 s2, $0x0  }
0x338: {  	s3 =	rddreg [dreg:$0x2];
	[bflag:$0x3] =	sbarrier.arrive $0xFFFF;
	s2 =	simm.s32 @!p0 $0x1C07  }
0x339: {  	[timem:s3], [sflag:s2] =	dma.local @!p0 [hbm:s0], s1  }
0x33a: {  	s0 =	simm.s32 @!p0 $0x7  }
0x33b: {  	_ =	swait.ge @!p0 [sflag:s0], s1  }
0x33c: {  	s1 =	ssub.s32 @!p0 $0x0, s1;
	[sflag:s0] =	ssyncset.done @!p0 $0x0  }
0x33d: {  	[sflag:s0] =	ssyncadd.s32 @!p0 s1  }
0x33e: {  	[bflag:$0x3] =	sbarrier.arrive $0xFFFF  }
0x33f: {  	_ =	shalt  }

</sc_bundles>
